<compile_context>
chip_gen: v7x
topology: tpu7x:2x2x1
jax: 0.10.2.dev20260603
libtpu: 0.0.44.dev20260713+nightly
codegen_flags: <defaults>
</compile_context>

<pallas_src>
import functools

import jax
import jax.numpy as jnp
from jax import lax
from jax.experimental import pallas as pl
from jax.experimental.pallas import tpu as pltpu
from jax.experimental.pallas import tpu_sc as plsc

B = 16384
D = 64
NC = 2
NS = 16
NW = NC * NS
ROWS_PER_W = B // NW
RING = 16

_L = 16
_ND = D // _L
_NG = ROWS_PER_W // _L

_DNUMS = lax.GatherDimensionNumbers(
    offset_dims=(), collapsed_slice_dims=(0,), start_index_map=(0,))


def _shuffle(v, perm):
    return lax.gather(v, perm, _DNUMS, slice_sizes=(1,),
                      mode=lax.GatherScatterMode.PROMISE_IN_BOUNDS)


def _sum16(v):
    lanes = lax.iota(jnp.int32, _L)
    for k in (1, 2, 4, 8):
        perm = jnp.reshape(lanes ^ k, (_L, 1))
        v = v + _shuffle(v, perm)
    return v


def _rsqrt_guard(s):
    i = lax.bitcast_convert_type(s, jnp.int32)
    i = jnp.int32(0x5F3759DF) - lax.shift_right_logical(i, 1)
    y = lax.bitcast_convert_type(i, jnp.float32)
    half = s * jnp.float32(0.5)
    for _ in range(3):
        y = y * (jnp.float32(1.5) - half * y * y)
    return jnp.minimum(y, jnp.float32(1e12))


def _lane(v, j):
    return jnp.squeeze(lax.slice(v, (j,), (j + 1,)))


def _body(h_idx_hbm, r_idx_hbm, t_idx_hbm, ent_hbm, rel_hbm, nrm_hbm,
          out_hbm, hidx_v, ridx_v, tidx_v, h_v, r_v, t_v, n_v, out_v,
          drain_v, sem):
    wid = lax.axis_index("s") * NC + lax.axis_index("c")
    base = wid * ROWS_PER_W
    pltpu.sync_copy(h_idx_hbm.at[pl.ds(base, ROWS_PER_W)], hidx_v)
    pltpu.sync_copy(r_idx_hbm.at[pl.ds(base, ROWS_PER_W)], ridx_v)
    pltpu.sync_copy(t_idx_hbm.at[pl.ds(base, ROWS_PER_W)], tidx_v)

    lanes = lax.iota(jnp.int32, _L)

    def fetch(bh, br, bt, j, slot):
        oh = pl.multiple_of(_lane(bh, j), 8)
        orr = pl.multiple_of(_lane(br, j), 8)
        ot = pl.multiple_of(_lane(bt, j), 8)
        pltpu.async_copy(ent_hbm.at[pl.ds(oh, 8), :], h_v.at[slot], sem)
        pltpu.async_copy(rel_hbm.at[pl.ds(orr, 8), :], r_v.at[slot], sem)
        pltpu.async_copy(ent_hbm.at[pl.ds(ot, 8), :], t_v.at[slot], sem)
        pltpu.async_copy(nrm_hbm.at[pl.ds(orr, 8), :], n_v.at[slot], sem)
        return slot

    def drain_rows():
        pltpu.make_async_copy(
            ent_hbm.at[pl.ds(0, 64), :], drain_v, sem).wait()

    def grp_body(g, carry):
        gs = pl.ds(g * _L, _L)
        ivh = hidx_v[gs]
        ivr = ridx_v[gs]
        ivt = tidx_v[gs]
        bh = lax.shift_right_logical(ivh, 3) * 8
        br = lax.shift_right_logical(ivr, 3) * 8
        bt = lax.shift_right_logical(ivt, 3) * 8
        sh = ivh & 7
        sr = ivr & 7
        st = ivt & 7

        for jj in range(_L):
            fetch(bh, br, bt, jj, jj)

        def one_row(j, svec):
            slot = jnp.full((_L,), j, jnp.int32)
            lj = jnp.reshape(slot, (_L, 1))
            sub_h = _shuffle(sh, lj)
            sub_r = _shuffle(sr, lj)
            sub_t = _shuffle(st, lj)

            def grab(buf, sub, k):
                cols = lanes + (k * _L)
                return plsc.load_gather(buf, [slot, sub, cols])

            h = [grab(h_v, sub_h, k) for k in range(_ND)]
            u = [grab(n_v, sub_r, k) for k in range(_ND)]
            t = [grab(t_v, sub_t, k) for k in range(_ND)]
            r = [grab(r_v, sub_r, k) for k in range(_ND)]

            uu = _sum16(sum(u[k] * u[k] for k in range(_ND)))
            hu = _sum16(sum(h[k] * u[k] for k in range(_ND)))
            tu = _sum16(sum(t[k] * u[k] for k in range(_ND)))
            inv_den = jnp.float32(1.0) / jnp.maximum(uu, jnp.float32(1e-24))
            ah = hu * inv_den
            at = tu * inv_den
            hp = [h[k] - ah * u[k] for k in range(_ND)]
            tp = [t[k] - at * u[k] for k in range(_ND)]

            hh = _sum16(sum(hp[k] * hp[k] for k in range(_ND)))
            rr = _sum16(sum(r[k] * r[k] for k in range(_ND)))
            tt = _sum16(sum(tp[k] * tp[k] for k in range(_ND)))
            ih = _rsqrt_guard(hh)
            ir = _rsqrt_guard(rr)
            it = _rsqrt_guard(tt)

            sc = _sum16(sum(
                jnp.abs(hp[k] * ih + r[k] * ir - tp[k] * it)
                for k in range(_ND)))
            return jnp.where(lanes == j, sc, svec)

        def pair_body(p, svec):
            drain_rows()
            svec = one_row(2 * p, svec)
            return one_row(2 * p + 1, svec)

        svec = lax.fori_loop(0, _L // 2, pair_body,
                             jnp.zeros((_L,), jnp.float32), unroll=False)
        out_v[gs] = svec
        return carry

    lax.fori_loop(0, _NG, grp_body, 0, unroll=False)
    pltpu.sync_copy(out_v, out_hbm.at[pl.ds(base, ROWS_PER_W)])


@jax.jit
def _transh_sc(h_idx, r_idx, t_idx, ent, rel, nrm):
    mesh = plsc.VectorSubcoreMesh(core_axis_name="c", subcore_axis_name="s")
    return pl.kernel(
        _body,
        out_type=jax.ShapeDtypeStruct((B,), jnp.float32),
        mesh=mesh,
        scratch_types=[
            pltpu.VMEM((ROWS_PER_W,), jnp.int32),
            pltpu.VMEM((ROWS_PER_W,), jnp.int32),
            pltpu.VMEM((ROWS_PER_W,), jnp.int32),
            pltpu.VMEM((RING, 8, D), jnp.float32),
            pltpu.VMEM((RING, 8, D), jnp.float32),
            pltpu.VMEM((RING, 8, D), jnp.float32),
            pltpu.VMEM((RING, 8, D), jnp.float32),
            pltpu.VMEM((ROWS_PER_W,), jnp.float32),
            pltpu.VMEM((64, D), jnp.float32),
            pltpu.SemaphoreType.DMA,
        ],
        compiler_params=pltpu.CompilerParams(needs_layout_passes=False),
    )(h_idx, r_idx, t_idx, ent, rel, nrm)


def kernel(triplet_idx, entity_emb, relation_emb, norm_vec):
    cols = triplet_idx.T
    h_idx = cols[0]
    r_idx = cols[1]
    t_idx = cols[2]
    return _transh_sc(h_idx, r_idx, t_idx, entity_emb, relation_emb, norm_vec)

# --- scband reference (transcript-rebuilt; emitter-appended) ---
"""Pipeline reference for scband-trans-h-13322988552244 (READ-ONLY COPY).

The authoritative reference and input builder live on the scoring server;
editing this copy changes nothing except your own understanding.
"""

import jax, jax.numpy as jnp
import numpy as np

ENT = 1000000
REL = 1000000
B = 16384
D = 64
EPS = 1e-12


def _l2_normalize(x):
    n = jnp.sqrt(jnp.sum(x * x, axis=-1, keepdims=True))
    return x / jnp.maximum(n, EPS)


def setup_inputs(seed: int = 0) -> dict:
    key = jax.random.key(seed)
    k1, k2, k3, k4 = jax.random.split(key, 4)
    triplet_idx = jax.random.randint(k1, (B, 3), 0, ENT, dtype=jnp.int32)
    b_e = float(np.sqrt(6.0 / (ENT + D)))
    b_r = float(np.sqrt(6.0 / (REL + D)))
    entity_emb = jax.random.uniform(k2, (ENT, D), jnp.float32, -b_e, b_e)
    relation_emb = jax.random.uniform(k3, (REL, D), jnp.float32, -b_r, b_r)
    norm_vec = jax.random.uniform(k4, (REL, D), jnp.float32, -b_r, b_r)
    return {
        "triplet_idx": triplet_idx,
        "entity_emb": entity_emb,
        "relation_emb": relation_emb,
        "norm_vec": norm_vec,
    }


def reference(triplet_idx, entity_emb, relation_emb, norm_vec):
    # _forward: embedding gathers
    h = jnp.take(entity_emb, triplet_idx[:, 0], axis=0)
    r = jnp.take(relation_emb, triplet_idx[:, 1], axis=0)
    t = jnp.take(entity_emb, triplet_idx[:, 2], axis=0)
    r_norm = jnp.take(norm_vec, triplet_idx[:, 1], axis=0)
    # _transfer: project onto hyperplane
    n = _l2_normalize(r_norm)
    h = h - jnp.sum(h * n, axis=-1, keepdims=True) * n
    t = t - jnp.sum(t * n, axis=-1, keepdims=True) * n
    # get_score
    h = _l2_normalize(h)
    r = _l2_normalize(r)
    t = _l2_normalize(t)
    # mode != 'normal' -> reshape to [-1, B, D]
    h = h.reshape(-1, r.shape[0], h.shape[-1])
    t = t.reshape(-1, r.shape[0], t.shape[-1])
    r3 = r.reshape(-1, r.shape[0], r.shape[-1])
    # mode == 'head_batch'
    score = h + (r3 - t)
    # p_norm = 1
    score = jnp.sum(jnp.abs(score), axis=-1).reshape(-1)
    return score

if __name__ == "__main__":
    import jax
    _d = setup_inputs()
    print(jax.jit(kernel)(*tuple(_d.values())))

</pallas_src>

<mosaic_0001>
#map = affine_map<(d0, d1) -> (0)>
#map1 = affine_map<(d0, d1) -> (0, 0)>
module attributes {stable_mosaic.version = 14 : i64} {
  func.func @_body(%arg0: i32, %arg1: i32, %arg2: memref<16384xi32, #tpu.memory_space<hbm>>, %arg3: memref<16384xi32, #tpu.memory_space<hbm>>, %arg4: memref<16384xi32, #tpu.memory_space<hbm>>, %arg5: memref<1000000x64xf32, #tpu.memory_space<hbm>>, %arg6: memref<1000000x64xf32, #tpu.memory_space<hbm>>, %arg7: memref<1000000x64xf32, #tpu.memory_space<hbm>>, %arg8: memref<16384xf32, #tpu.memory_space<hbm>>, %arg9: memref<512xi32, #tpu.memory_space<vmem>>, %arg10: memref<512xi32, #tpu.memory_space<vmem>>, %arg11: memref<512xi32, #tpu.memory_space<vmem>>, %arg12: memref<16x8x64xf32, #tpu.memory_space<vmem>>, %arg13: memref<16x8x64xf32, #tpu.memory_space<vmem>>, %arg14: memref<16x8x64xf32, #tpu.memory_space<vmem>>, %arg15: memref<16x8x64xf32, #tpu.memory_space<vmem>>, %arg16: memref<512xf32, #tpu.memory_space<vmem>>, %arg17: memref<64x64xf32, #tpu.memory_space<vmem>>, %arg18: memref<!tpu.dma_semaphore, #tpu.memory_space<semaphore_mem>>) attributes {dimension_semantics = [#tpu.dimension_semantics<core_parallel>, #tpu.dimension_semantics<subcore_parallel>], iteration_bounds = array<i64: 2, 16>, scalar_prefetch = 0 : i64, scratch_operands = 10 : i64, tpu.core_type = #tpu.core_type<sc_vector_subcore>, window_params = [{transform_indices = #map}, {transform_indices = #map}, {transform_indices = #map}, {transform_indices = #map1}, {transform_indices = #map1}, {transform_indices = #map1}, {transform_indices = #map}]} {
    %mul3A = arith.constant 2 : i32
    %mul3A_0 = arith.muli %arg1, %mul3A : i32
    %add3A = arith.addi %mul3A_0, %arg0 : i32
    %mul3A_1 = arith.constant 512 : i32
    %mul3A_2 = arith.muli %add3A, %mul3A_1 : i32
    "tpu.region"() ({
      %run_scoped3A = tpu.sem_alloc : memref<!tpu.dma_semaphore, #tpu.memory_space<semaphore_mem>>
      %dma_start3A = tpu.memref_slice %arg2[%mul3A_2] : memref<16384xi32, #tpu.memory_space<hbm>> -> memref<512xi32, #tpu.memory_space<hbm>>
      %dma_start3A_8 = tpu.memref_slice %arg2[%mul3A_2] : memref<16384xi32, #tpu.memory_space<hbm>> -> memref<512xi32, #tpu.memory_space<hbm>>
      tpu.enqueue_dma source(%dma_start3A_8 : memref<512xi32, #tpu.memory_space<hbm>>) target(%arg9 : memref<512xi32, #tpu.memory_space<vmem>>) target_semaphore(%run_scoped3A : memref<!tpu.dma_semaphore, #tpu.memory_space<semaphore_mem>>)
      %dma_wait3A = tpu.memref_slice %arg2[%mul3A_2] : memref<16384xi32, #tpu.memory_space<hbm>> -> memref<512xi32, #tpu.memory_space<hbm>>
      %dma_wait3A_9 = tpu.memref_slice %arg2[%mul3A_2] : memref<16384xi32, #tpu.memory_space<hbm>> -> memref<512xi32, #tpu.memory_space<hbm>>
      tpu.wait_dma2 semaphore(%run_scoped3A : memref<!tpu.dma_semaphore, #tpu.memory_space<semaphore_mem>>) src(%dma_wait3A_9 : memref<512xi32, #tpu.memory_space<hbm>>) dst(%arg9 : memref<512xi32, #tpu.memory_space<vmem>>)
      tpu.yield
    }) : () -> ()
    "tpu.region"() ({
      %run_scoped3A = tpu.sem_alloc : memref<!tpu.dma_semaphore, #tpu.memory_space<semaphore_mem>>
      %dma_start3A = tpu.memref_slice %arg3[%mul3A_2] : memref<16384xi32, #tpu.memory_space<hbm>> -> memref<512xi32, #tpu.memory_space<hbm>>
      %dma_start3A_8 = tpu.memref_slice %arg3[%mul3A_2] : memref<16384xi32, #tpu.memory_space<hbm>> -> memref<512xi32, #tpu.memory_space<hbm>>
      tpu.enqueue_dma source(%dma_start3A_8 : memref<512xi32, #tpu.memory_space<hbm>>) target(%arg10 : memref<512xi32, #tpu.memory_space<vmem>>) target_semaphore(%run_scoped3A : memref<!tpu.dma_semaphore, #tpu.memory_space<semaphore_mem>>)
      %dma_wait3A = tpu.memref_slice %arg3[%mul3A_2] : memref<16384xi32, #tpu.memory_space<hbm>> -> memref<512xi32, #tpu.memory_space<hbm>>
      %dma_wait3A_9 = tpu.memref_slice %arg3[%mul3A_2] : memref<16384xi32, #tpu.memory_space<hbm>> -> memref<512xi32, #tpu.memory_space<hbm>>
      tpu.wait_dma2 semaphore(%run_scoped3A : memref<!tpu.dma_semaphore, #tpu.memory_space<semaphore_mem>>) src(%dma_wait3A_9 : memref<512xi32, #tpu.memory_space<hbm>>) dst(%arg10 : memref<512xi32, #tpu.memory_space<vmem>>)
      tpu.yield
    }) : () -> ()
    "tpu.region"() ({
      %run_scoped3A = tpu.sem_alloc : memref<!tpu.dma_semaphore, #tpu.memory_space<semaphore_mem>>
      %dma_start3A = tpu.memref_slice %arg4[%mul3A_2] : memref<16384xi32, #tpu.memory_space<hbm>> -> memref<512xi32, #tpu.memory_space<hbm>>
      %dma_start3A_8 = tpu.memref_slice %arg4[%mul3A_2] : memref<16384xi32, #tpu.memory_space<hbm>> -> memref<512xi32, #tpu.memory_space<hbm>>
      tpu.enqueue_dma source(%dma_start3A_8 : memref<512xi32, #tpu.memory_space<hbm>>) target(%arg11 : memref<512xi32, #tpu.memory_space<vmem>>) target_semaphore(%run_scoped3A : memref<!tpu.dma_semaphore, #tpu.memory_space<semaphore_mem>>)
      %dma_wait3A = tpu.memref_slice %arg4[%mul3A_2] : memref<16384xi32, #tpu.memory_space<hbm>> -> memref<512xi32, #tpu.memory_space<hbm>>
      %dma_wait3A_9 = tpu.memref_slice %arg4[%mul3A_2] : memref<16384xi32, #tpu.memory_space<hbm>> -> memref<512xi32, #tpu.memory_space<hbm>>
      tpu.wait_dma2 semaphore(%run_scoped3A : memref<!tpu.dma_semaphore, #tpu.memory_space<semaphore_mem>>) src(%dma_wait3A_9 : memref<512xi32, #tpu.memory_space<hbm>>) dst(%arg11 : memref<512xi32, #tpu.memory_space<vmem>>)
      tpu.yield
    }) : () -> ()
    %iota3A = tpu.iota {dimensions = array<i32: 0>} : vector<16xi32>
    %scan3A = arith.constant 0 : i32
    %scan3A_3 = arith.constant 0 : i32
    %scan3A_4 = arith.constant 32 : i32
    %scan3A_5 = arith.addi %scan3A_3, %scan3A_4 : i32
    %scan3A_6 = arith.constant 1 : i32
    scf.for %scan3A_8 = %scan3A_3 to %scan3A_5 step %scan3A_6  : i32 {
      %mul3A_9 = arith.constant 16 : i32
      %mul3A_10 = arith.muli %scan3A_8, %mul3A_9 : i32
      %get3A = arith.index_cast %mul3A_10 : i32 to index
      %get3A_11 = tpu.vector_load %arg9[%get3A] {strides = array<i32>} : memref<512xi32, #tpu.memory_space<vmem>>, vector<16xi32>,
      %get3A_12 = arith.index_cast %mul3A_10 : i32 to index
      %get3A_13 = tpu.vector_load %arg10[%get3A_12] {strides = array<i32>} : memref<512xi32, #tpu.memory_space<vmem>>, vector<16xi32>,
      %get3A_14 = arith.index_cast %mul3A_10 : i32 to index
      %get3A_15 = tpu.vector_load %arg11[%get3A_14] {strides = array<i32>} : memref<512xi32, #tpu.memory_space<vmem>>, vector<16xi32>,
      %shift_right_logical3A = arith.constant 3 : i32
      %shift_right_logical3A_16 = vector.broadcast %shift_right_logical3A : i32 to vector<16xi32>
      %shift_right_logical3A_17 = arith.shrui %get3A_11, %shift_right_logical3A_16 : vector<16xi32>
      %mul3A_18 = arith.constant 8 : i32
      %mul3A_19 = vector.broadcast %mul3A_18 : i32 to vector<16xi32>
      %mul3A_20 = arith.muli %shift_right_logical3A_17, %mul3A_19 : vector<16xi32>
      %shift_right_logical3A_21 = arith.constant 3 : i32
      %shift_right_logical3A_22 = vector.broadcast %shift_right_logical3A_21 : i32 to vector<16xi32>
      %shift_right_logical3A_23 = arith.shrui %get3A_13, %shift_right_logical3A_22 : vector<16xi32>
      %mul3A_24 = arith.constant 8 : i32
      %mul3A_25 = vector.broadcast %mul3A_24 : i32 to vector<16xi32>
      %mul3A_26 = arith.muli %shift_right_logical3A_23, %mul3A_25 : vector<16xi32>
      %shift_right_logical3A_27 = arith.constant 3 : i32
      %shift_right_logical3A_28 = vector.broadcast %shift_right_logical3A_27 : i32 to vector<16xi32>
      %shift_right_logical3A_29 = arith.shrui %get3A_15, %shift_right_logical3A_28 : vector<16xi32>
      %mul3A_30 = arith.constant 8 : i32
      %mul3A_31 = vector.broadcast %mul3A_30 : i32 to vector<16xi32>
      %mul3A_32 = arith.muli %shift_right_logical3A_29, %mul3A_31 : vector<16xi32>
      %and3A = arith.constant 7 : i32
      %and3A_33 = vector.broadcast %and3A : i32 to vector<16xi32>
      %and3A_34 = arith.andi %get3A_11, %and3A_33 : vector<16xi32>
      %and3A_35 = arith.constant 7 : i32
      %and3A_36 = vector.broadcast %and3A_35 : i32 to vector<16xi32>
      %and3A_37 = arith.andi %get3A_13, %and3A_36 : vector<16xi32>
      %and3A_38 = arith.constant 7 : i32
      %and3A_39 = vector.broadcast %and3A_38 : i32 to vector<16xi32>
      %and3A_40 = arith.andi %get3A_15, %and3A_39 : vector<16xi32>
      %slice3A = vector.extract_strided_slice %mul3A_20 {offsets = [0], sizes = [1], strides = [1]} : vector<16xi32> to vector<1xi32>
      %squeeze3A = vector.extract %slice3A[0] : i32 from vector<1xi32>
      %multiple_of3A = tpu.assume_multiple %squeeze3A, 8 : i32
      %slice3A_41 = vector.extract_strided_slice %mul3A_26 {offsets = [0], sizes = [1], strides = [1]} : vector<16xi32> to vector<1xi32>
      %squeeze3A_42 = vector.extract %slice3A_41[0] : i32 from vector<1xi32>
      %multiple_of3A_43 = tpu.assume_multiple %squeeze3A_42, 8 : i32
      %slice3A_44 = vector.extract_strided_slice %mul3A_32 {offsets = [0], sizes = [1], strides = [1]} : vector<16xi32> to vector<1xi32>
      %squeeze3A_45 = vector.extract %slice3A_44[0] : i32 from vector<1xi32>
      %multiple_of3A_46 = tpu.assume_multiple %squeeze3A_45, 8 : i32
      %dma_start3A = arith.constant 0 : i32
      %dma_start3A_47 = arith.constant 0 : i32
      %dma_start3A_48 = arith.constant 0 : i32
      %dma_start3A_49 = tpu.memref_slice %arg12[%dma_start3A, %dma_start3A_47, %dma_start3A_48] : memref<16x8x64xf32, #tpu.memory_space<vmem>> -> memref<1x8x64xf32, #tpu.memory_space<vmem>>
      %dma_start3A_50 = tpu.memref_squeeze %dma_start3A_49 : memref<1x8x64xf32, #tpu.memory_space<vmem>> -> memref<8x64xf32, #tpu.memory_space<vmem>>
      %dma_start3A_51 = arith.constant 0 : i32
      %dma_start3A_52 = tpu.memref_slice %arg5[%multiple_of3A, %dma_start3A_51] : memref<1000000x64xf32, #tpu.memory_space<hbm>> -> memref<8x64xf32, #tpu.memory_space<hbm>>
      %dma_start3A_53 = arith.constant 0 : i32
      %dma_start3A_54 = arith.constant 0 : i32
      %dma_start3A_55 = tpu.memref_slice %arg12[%dma_start3A, %dma_start3A_53, %dma_start3A_54] : memref<16x8x64xf32, #tpu.memory_space<vmem>> -> memref<1x8x64xf32, #tpu.memory_space<vmem>>
      %dma_start3A_56 = tpu.memref_squeeze %dma_start3A_55 : memref<1x8x64xf32, #tpu.memory_space<vmem>> -> memref<8x64xf32, #tpu.memory_space<vmem>>
      %dma_start3A_57 = arith.constant 0 : i32
      %dma_start3A_58 = tpu.memref_slice %arg5[%multiple_of3A, %dma_start3A_57] : memref<1000000x64xf32, #tpu.memory_space<hbm>> -> memref<8x64xf32, #tpu.memory_space<hbm>>
      tpu.enqueue_dma source(%dma_start3A_58 : memref<8x64xf32, #tpu.memory_space<hbm>>) target(%dma_start3A_56 : memref<8x64xf32, #tpu.memory_space<vmem>>) target_semaphore(%arg18 : memref<!tpu.dma_semaphore, #tpu.memory_space<semaphore_mem>>)
      %dma_start3A_59 = arith.constant 0 : i32
      %dma_start3A_60 = arith.constant 0 : i32
      %dma_start3A_61 = arith.constant 0 : i32
      %dma_start3A_62 = tpu.memref_slice %arg13[%dma_start3A_59, %dma_start3A_60, %dma_start3A_61] : memref<16x8x64xf32, #tpu.memory_space<vmem>> -> memref<1x8x64xf32, #tpu.memory_space<vmem>>
      %dma_start3A_63 = tpu.memref_squeeze %dma_start3A_62 : memref<1x8x64xf32, #tpu.memory_space<vmem>> -> memref<8x64xf32, #tpu.memory_space<vmem>>
      %dma_start3A_64 = arith.constant 0 : i32
      %dma_start3A_65 = tpu.memref_slice %arg6[%multiple_of3A_43, %dma_start3A_64] : memref<1000000x64xf32, #tpu.memory_space<hbm>> -> memref<8x64xf32, #tpu.memory_space<hbm>>
      %dma_start3A_66 = arith.constant 0 : i32
      %dma_start3A_67 = arith.constant 0 : i32
      %dma_start3A_68 = tpu.memref_slice %arg13[%dma_start3A_59, %dma_start3A_66, %dma_start3A_67] : memref<16x8x64xf32, #tpu.memory_space<vmem>> -> memref<1x8x64xf32, #tpu.memory_space<vmem>>
      %dma_start3A_69 = tpu.memref_squeeze %dma_start3A_68 : memref<1x8x64xf32, #tpu.memory_space<vmem>> -> memref<8x64xf32, #tpu.memory_space<vmem>>
      %dma_start3A_70 = arith.constant 0 : i32
      %dma_start3A_71 = tpu.memref_slice %arg6[%multiple_of3A_43, %dma_start3A_70] : memref<1000000x64xf32, #tpu.memory_space<hbm>> -> memref<8x64xf32, #tpu.memory_space<hbm>>
      tpu.enqueue_dma source(%dma_start3A_71 : memref<8x64xf32, #tpu.memory_space<hbm>>) target(%dma_start3A_69 : memref<8x64xf32, #tpu.memory_space<vmem>>) target_semaphore(%arg18 : memref<!tpu.dma_semaphore, #tpu.memory_space<semaphore_mem>>)
      %dma_start3A_72 = arith.constant 0 : i32
      %dma_start3A_73 = arith.constant 0 : i32
      %dma_start3A_74 = arith.constant 0 : i32
      %dma_start3A_75 = tpu.memref_slice %arg14[%dma_start3A_72, %dma_start3A_73, %dma_start3A_74] : memref<16x8x64xf32, #tpu.memory_space<vmem>> -> memref<1x8x64xf32, #tpu.memory_space<vmem>>
      %dma_start3A_76 = tpu.memref_squeeze %dma_start3A_75 : memref<1x8x64xf32, #tpu.memory_space<vmem>> -> memref<8x64xf32, #tpu.memory_space<vmem>>
      %dma_start3A_77 = arith.constant 0 : i32
      %dma_start3A_78 = tpu.memref_slice %arg5[%multiple_of3A_46, %dma_start3A_77] : memref<1000000x64xf32, #tpu.memory_space<hbm>> -> memref<8x64xf32, #tpu.memory_space<hbm>>
      %dma_start3A_79 = arith.constant 0 : i32
      %dma_start3A_80 = arith.constant 0 : i32
      %dma_start3A_81 = tpu.memref_slice %arg14[%dma_start3A_72, %dma_start3A_79, %dma_start3A_80] : memref<16x8x64xf32, #tpu.memory_space<vmem>> -> memref<1x8x64xf32, #tpu.memory_space<vmem>>
      %dma_start3A_82 = tpu.memref_squeeze %dma_start3A_81 : memref<1x8x64xf32, #tpu.memory_space<vmem>> -> memref<8x64xf32, #tpu.memory_space<vmem>>
      %dma_start3A_83 = arith.constant 0 : i32
      %dma_start3A_84 = tpu.memref_slice %arg5[%multiple_of3A_46, %dma_start3A_83] : memref<1000000x64xf32, #tpu.memory_space<hbm>> -> memref<8x64xf32, #tpu.memory_space<hbm>>
      tpu.enqueue_dma source(%dma_start3A_84 : memref<8x64xf32, #tpu.memory_space<hbm>>) target(%dma_start3A_82 : memref<8x64xf32, #tpu.memory_space<vmem>>) target_semaphore(%arg18 : memref<!tpu.dma_semaphore, #tpu.memory_space<semaphore_mem>>)
      %dma_start3A_85 = arith.constant 0 : i32
      %dma_start3A_86 = arith.constant 0 : i32
      %dma_start3A_87 = arith.constant 0 : i32
      %dma_start3A_88 = tpu.memref_slice %arg15[%dma_start3A_85, %dma_start3A_86, %dma_start3A_87] : memref<16x8x64xf32, #tpu.memory_space<vmem>> -> memref<1x8x64xf32, #tpu.memory_space<vmem>>
      %dma_start3A_89 = tpu.memref_squeeze %dma_start3A_88 : memref<1x8x64xf32, #tpu.memory_space<vmem>> -> memref<8x64xf32, #tpu.memory_space<vmem>>
      %dma_start3A_90 = arith.constant 0 : i32
      %dma_start3A_91 = tpu.memref_slice %arg7[%multiple_of3A_43, %dma_start3A_90] : memref<1000000x64xf32, #tpu.memory_space<hbm>> -> memref<8x64xf32, #tpu.memory_space<hbm>>
      %dma_start3A_92 = arith.constant 0 : i32
      %dma_start3A_93 = arith.constant 0 : i32
      %dma_start3A_94 = tpu.memref_slice %arg15[%dma_start3A_85, %dma_start3A_92, %dma_start3A_93] : memref<16x8x64xf32, #tpu.memory_space<vmem>> -> memref<1x8x64xf32, #tpu.memory_space<vmem>>
      %dma_start3A_95 = tpu.memref_squeeze %dma_start3A_94 : memref<1x8x64xf32, #tpu.memory_space<vmem>> -> memref<8x64xf32, #tpu.memory_space<vmem>>
      %dma_start3A_96 = arith.constant 0 : i32
      %dma_start3A_97 = tpu.memref_slice %arg7[%multiple_of3A_43, %dma_start3A_96] : memref<1000000x64xf32, #tpu.memory_space<hbm>> -> memref<8x64xf32, #tpu.memory_space<hbm>>
      tpu.enqueue_dma source(%dma_start3A_97 : memref<8x64xf32, #tpu.memory_space<hbm>>) target(%dma_start3A_95 : memref<8x64xf32, #tpu.memory_space<vmem>>) target_semaphore(%arg18 : memref<!tpu.dma_semaphore, #tpu.memory_space<semaphore_mem>>)
      %slice3A_98 = vector.extract_strided_slice %mul3A_20 {offsets = [1], sizes = [1], strides = [1]} : vector<16xi32> to vector<1xi32>
      %squeeze3A_99 = vector.extract %slice3A_98[0] : i32 from vector<1xi32>
      %multiple_of3A_100 = tpu.assume_multiple %squeeze3A_99, 8 : i32
      %slice3A_101 = vector.extract_strided_slice %mul3A_26 {offsets = [1], sizes = [1], strides = [1]} : vector<16xi32> to vector<1xi32>
      %squeeze3A_102 = vector.extract %slice3A_101[0] : i32 from vector<1xi32>
      %multiple_of3A_103 = tpu.assume_multiple %squeeze3A_102, 8 : i32
      %slice3A_104 = vector.extract_strided_slice %mul3A_32 {offsets = [1], sizes = [1], strides = [1]} : vector<16xi32> to vector<1xi32>
      %squeeze3A_105 = vector.extract %slice3A_104[0] : i32 from vector<1xi32>
      %multiple_of3A_106 = tpu.assume_multiple %squeeze3A_105, 8 : i32
      %dma_start3A_107 = arith.constant 1 : i32
      %dma_start3A_108 = arith.constant 0 : i32
      %dma_start3A_109 = arith.constant 0 : i32
      %dma_start3A_110 = tpu.memref_slice %arg12[%dma_start3A_107, %dma_start3A_108, %dma_start3A_109] : memref<16x8x64xf32, #tpu.memory_space<vmem>> -> memref<1x8x64xf32, #tpu.memory_space<vmem>>
      %dma_start3A_111 = tpu.memref_squeeze %dma_start3A_110 : memref<1x8x64xf32, #tpu.memory_space<vmem>> -> memref<8x64xf32, #tpu.memory_space<vmem>>
      %dma_start3A_112 = arith.constant 0 : i32
      %dma_start3A_113 = tpu.memref_slice %arg5[%multiple_of3A_100, %dma_start3A_112] : memref<1000000x64xf32, #tpu.memory_space<hbm>> -> memref<8x64xf32, #tpu.memory_space<hbm>>
      %dma_start3A_114 = arith.constant 0 : i32
      %dma_start3A_115 = arith.constant 0 : i32
      %dma_start3A_116 = tpu.memref_slice %arg12[%dma_start3A_107, %dma_start3A_114, %dma_start3A_115] : memref<16x8x64xf32, #tpu.memory_space<vmem>> -> memref<1x8x64xf32, #tpu.memory_space<vmem>>
      %dma_start3A_117 = tpu.memref_squeeze %dma_start3A_116 : memref<1x8x64xf32, #tpu.memory_space<vmem>> -> memref<8x64xf32, #tpu.memory_space<vmem>>
      %dma_start3A_118 = arith.constant 0 : i32
      %dma_start3A_119 = tpu.memref_slice %arg5[%multiple_of3A_100, %dma_start3A_118] : memref<1000000x64xf32, #tpu.memory_space<hbm>> -> memref<8x64xf32, #tpu.memory_space<hbm>>
      tpu.enqueue_dma source(%dma_start3A_119 : memref<8x64xf32, #tpu.memory_space<hbm>>) target(%dma_start3A_117 : memref<8x64xf32, #tpu.memory_space<vmem>>) target_semaphore(%arg18 : memref<!tpu.dma_semaphore, #tpu.memory_space<semaphore_mem>>)
      %dma_start3A_120 = arith.constant 1 : i32
      %dma_start3A_121 = arith.constant 0 : i32
      %dma_start3A_122 = arith.constant 0 : i32
      %dma_start3A_123 = tpu.memref_slice %arg13[%dma_start3A_120, %dma_start3A_121, %dma_start3A_122] : memref<16x8x64xf32, #tpu.memory_space<vmem>> -> memref<1x8x64xf32, #tpu.memory_space<vmem>>
      %dma_start3A_124 = tpu.memref_squeeze %dma_start3A_123 : memref<1x8x64xf32, #tpu.memory_space<vmem>> -> memref<8x64xf32, #tpu.memory_space<vmem>>
      %dma_start3A_125 = arith.constant 0 : i32
      %dma_start3A_126 = tpu.memref_slice %arg6[%multiple_of3A_103, %dma_start3A_125] : memref<1000000x64xf32, #tpu.memory_space<hbm>> -> memref<8x64xf32, #tpu.memory_space<hbm>>
      %dma_start3A_127 = arith.constant 0 : i32
      %dma_start3A_128 = arith.constant 0 : i32
      %dma_start3A_129 = tpu.memref_slice %arg13[%dma_start3A_120, %dma_start3A_127, %dma_start3A_128] : memref<16x8x64xf32, #tpu.memory_space<vmem>> -> memref<1x8x64xf32, #tpu.memory_space<vmem>>
      %dma_start3A_130 = tpu.memref_squeeze %dma_start3A_129 : memref<1x8x64xf32, #tpu.memory_space<vmem>> -> memref<8x64xf32, #tpu.memory_space<vmem>>
      %dma_start3A_131 = arith.constant 0 : i32
      %dma_start3A_132 = tpu.memref_slice %arg6[%multiple_of3A_103, %dma_start3A_131] : memref<1000000x64xf32, #tpu.memory_space<hbm>> -> memref<8x64xf32, #tpu.memory_space<hbm>>
      tpu.enqueue_dma source(%dma_start3A_132 : memref<8x64xf32, #tpu.memory_space<hbm>>) target(%dma_start3A_130 : memref<8x64xf32, #tpu.memory_space<vmem>>) target_semaphore(%arg18 : memref<!tpu.dma_semaphore, #tpu.memory_space<semaphore_mem>>)
      %dma_start3A_133 = arith.constant 1 : i32
      %dma_start3A_134 = arith.constant 0 : i32
      %dma_start3A_135 = arith.constant 0 : i32
      %dma_start3A_136 = tpu.memref_slice %arg14[%dma_start3A_133, %dma_start3A_134, %dma_start3A_135] : memref<16x8x64xf32, #tpu.memory_space<vmem>> -> memref<1x8x64xf32, #tpu.memory_space<vmem>>
      %dma_start3A_137 = tpu.memref_squeeze %dma_start3A_136 : memref<1x8x64xf32, #tpu.memory_space<vmem>> -> memref<8x64xf32, #tpu.memory_space<vmem>>
      %dma_start3A_138 = arith.constant 0 : i32
      %dma_start3A_139 = tpu.memref_slice %arg5[%multiple_of3A_106, %dma_start3A_138] : memref<1000000x64xf32, #tpu.memory_space<hbm>> -> memref<8x64xf32, #tpu.memory_space<hbm>>
      %dma_start3A_140 = arith.constant 0 : i32
      %dma_start3A_141 = arith.constant 0 : i32
      %dma_start3A_142 = tpu.memref_slice %arg14[%dma_start3A_133, %dma_start3A_140, %dma_start3A_141] : memref<16x8x64xf32, #tpu.memory_space<vmem>> -> memref<1x8x64xf32, #tpu.memory_space<vmem>>
      %dma_start3A_143 = tpu.memref_squeeze %dma_start3A_142 : memref<1x8x64xf32, #tpu.memory_space<vmem>> -> memref<8x64xf32, #tpu.memory_space<vmem>>
      %dma_start3A_144 = arith.constant 0 : i32
      %dma_start3A_145 = tpu.memref_slice %arg5[%multiple_of3A_106, %dma_start3A_144] : memref<1000000x64xf32, #tpu.memory_space<hbm>> -> memref<8x64xf32, #tpu.memory_space<hbm>>
      tpu.enqueue_dma source(%dma_start3A_145 : memref<8x64xf32, #tpu.memory_space<hbm>>) target(%dma_start3A_143 : memref<8x64xf32, #tpu.memory_space<vmem>>) target_semaphore(%arg18 : memref<!tpu.dma_semaphore, #tpu.memory_space<semaphore_mem>>)
      %dma_start3A_146 = arith.constant 1 : i32
      %dma_start3A_147 = arith.constant 0 : i32
      %dma_start3A_148 = arith.constant 0 : i32
      %dma_start3A_149 = tpu.memref_slice %arg15[%dma_start3A_146, %dma_start3A_147, %dma_start3A_148] : memref<16x8x64xf32, #tpu.memory_space<vmem>> -> memref<1x8x64xf32, #tpu.memory_space<vmem>>
      %dma_start3A_150 = tpu.memref_squeeze %dma_start3A_149 : memref<1x8x64xf32, #tpu.memory_space<vmem>> -> memref<8x64xf32, #tpu.memory_space<vmem>>
      %dma_start3A_151 = arith.constant 0 : i32
      %dma_start3A_152 = tpu.memref_slice %arg7[%multiple_of3A_103, %dma_start3A_151] : memref<1000000x64xf32, #tpu.memory_space<hbm>> -> memref<8x64xf32, #tpu.memory_space<hbm>>
      %dma_start3A_153 = arith.constant 0 : i32
      %dma_start3A_154 = arith.constant 0 : i32
      %dma_start3A_155 = tpu.memref_slice %arg15[%dma_start3A_146, %dma_start3A_153, %dma_start3A_154] : memref<16x8x64xf32, #tpu.memory_space<vmem>> -> memref<1x8x64xf32, #tpu.memory_space<vmem>>
      %dma_start3A_156 = tpu.memref_squeeze %dma_start3A_155 : memref<1x8x64xf32, #tpu.memory_space<vmem>> -> memref<8x64xf32, #tpu.memory_space<vmem>>
      %dma_start3A_157 = arith.constant 0 : i32
      %dma_start3A_158 = tpu.memref_slice %arg7[%multiple_of3A_103, %dma_start3A_157] : memref<1000000x64xf32, #tpu.memory_space<hbm>> -> memref<8x64xf32, #tpu.memory_space<hbm>>
      tpu.enqueue_dma source(%dma_start3A_158 : memref<8x64xf32, #tpu.memory_space<hbm>>) target(%dma_start3A_156 : memref<8x64xf32, #tpu.memory_space<vmem>>) target_semaphore(%arg18 : memref<!tpu.dma_semaphore, #tpu.memory_space<semaphore_mem>>)
      %slice3A_159 = vector.extract_strided_slice %mul3A_20 {offsets = [2], sizes = [1], strides = [1]} : vector<16xi32> to vector<1xi32>
      %squeeze3A_160 = vector.extract %slice3A_159[0] : i32 from vector<1xi32>
      %multiple_of3A_161 = tpu.assume_multiple %squeeze3A_160, 8 : i32
      %slice3A_162 = vector.extract_strided_slice %mul3A_26 {offsets = [2], sizes = [1], strides = [1]} : vector<16xi32> to vector<1xi32>
      %squeeze3A_163 = vector.extract %slice3A_162[0] : i32 from vector<1xi32>
      %multiple_of3A_164 = tpu.assume_multiple %squeeze3A_163, 8 : i32
      %slice3A_165 = vector.extract_strided_slice %mul3A_32 {offsets = [2], sizes = [1], strides = [1]} : vector<16xi32> to vector<1xi32>
      %squeeze3A_166 = vector.extract %slice3A_165[0] : i32 from vector<1xi32>
      %multiple_of3A_167 = tpu.assume_multiple %squeeze3A_166, 8 : i32
      %dma_start3A_168 = arith.constant 2 : i32
      %dma_start3A_169 = arith.constant 0 : i32
      %dma_start3A_170 = arith.constant 0 : i32
      %dma_start3A_171 = tpu.memref_slice %arg12[%dma_start3A_168, %dma_start3A_169, %dma_start3A_170] : memref<16x8x64xf32, #tpu.memory_space<vmem>> -> memref<1x8x64xf32, #tpu.memory_space<vmem>>
      %dma_start3A_172 = tpu.memref_squeeze %dma_start3A_171 : memref<1x8x64xf32, #tpu.memory_space<vmem>> -> memref<8x64xf32, #tpu.memory_space<vmem>>
      %dma_start3A_173 = arith.constant 0 : i32
      %dma_start3A_174 = tpu.memref_slice %arg5[%multiple_of3A_161, %dma_start3A_173] : memref<1000000x64xf32, #tpu.memory_space<hbm>> -> memref<8x64xf32, #tpu.memory_space<hbm>>
      %dma_start3A_175 = arith.constant 0 : i32
      %dma_start3A_176 = arith.constant 0 : i32
      %dma_start3A_177 = tpu.memref_slice %arg12[%dma_start3A_168, %dma_start3A_175, %dma_start3A_176] : memref<16x8x64xf32, #tpu.memory_space<vmem>> -> memref<1x8x64xf32, #tpu.memory_space<vmem>>
      %dma_start3A_178 = tpu.memref_squeeze %dma_start3A_177 : memref<1x8x64xf32, #tpu.memory_space<vmem>> -> memref<8x64xf32, #tpu.memory_space<vmem>>
      %dma_start3A_179 = arith.constant 0 : i32
      %dma_start3A_180 = tpu.memref_slice %arg5[%multiple_of3A_161, %dma_start3A_179] : memref<1000000x64xf32, #tpu.memory_space<hbm>> -> memref<8x64xf32, #tpu.memory_space<hbm>>
      tpu.enqueue_dma source(%dma_start3A_180 : memref<8x64xf32, #tpu.memory_space<hbm>>) target(%dma_start3A_178 : memref<8x64xf32, #tpu.memory_space<vmem>>) target_semaphore(%arg18 : memref<!tpu.dma_semaphore, #tpu.memory_space<semaphore_mem>>)
      %dma_start3A_181 = arith.constant 2 : i32
      %dma_start3A_182 = arith.constant 0 : i32
      %dma_start3A_183 = arith.constant 0 : i32
      %dma_start3A_184 = tpu.memref_slice %arg13[%dma_start3A_181, %dma_start3A_182, %dma_start3A_183] : memref<16x8x64xf32, #tpu.memory_space<vmem>> -> memref<1x8x64xf32, #tpu.memory_space<vmem>>
      %dma_start3A_185 = tpu.memref_squeeze %dma_start3A_184 : memref<1x8x64xf32, #tpu.memory_space<vmem>> -> memref<8x64xf32, #tpu.memory_space<vmem>>
      %dma_start3A_186 = arith.constant 0 : i32
      %dma_start3A_187 = tpu.memref_slice %arg6[%multiple_of3A_164, %dma_start3A_186] : memref<1000000x64xf32, #tpu.memory_space<hbm>> -> memref<8x64xf32, #tpu.memory_space<hbm>>
      %dma_start3A_188 = arith.constant 0 : i32
      %dma_start3A_189 = arith.constant 0 : i32
      %dma_start3A_190 = tpu.memref_slice %arg13[%dma_start3A_181, %dma_start3A_188, %dma_start3A_189] : memref<16x8x64xf32, #tpu.memory_space<vmem>> -> memref<1x8x64xf32, #tpu.memory_space<vmem>>
      %dma_start3A_191 = tpu.memref_squeeze %dma_start3A_190 : memref<1x8x64xf32, #tpu.memory_space<vmem>> -> memref<8x64xf32, #tpu.memory_space<vmem>>
      %dma_start3A_192 = arith.constant 0 : i32
      %dma_start3A_193 = tpu.memref_slice %arg6[%multiple_of3A_164, %dma_start3A_192] : memref<1000000x64xf32, #tpu.memory_space<hbm>> -> memref<8x64xf32, #tpu.memory_space<hbm>>
      tpu.enqueue_dma source(%dma_start3A_193 : memref<8x64xf32, #tpu.memory_space<hbm>>) target(%dma_start3A_191 : memref<8x64xf32, #tpu.memory_space<vmem>>) target_semaphore(%arg18 : memref<!tpu.dma_semaphore, #tpu.memory_space<semaphore_mem>>)
      %dma_start3A_194 = arith.constant 2 : i32
      %dma_start3A_195 = arith.constant 0 : i32
      %dma_start3A_196 = arith.constant 0 : i32
      %dma_start3A_197 = tpu.memref_slice %arg14[%dma_start3A_194, %dma_start3A_195, %dma_start3A_196] : memref<16x8x64xf32, #tpu.memory_space<vmem>> -> memref<1x8x64xf32, #tpu.memory_space<vmem>>
      %dma_start3A_198 = tpu.memref_squeeze %dma_start3A_197 : memref<1x8x64xf32, #tpu.memory_space<vmem>> -> memref<8x64xf32, #tpu.memory_space<vmem>>
      %dma_start3A_199 = arith.constant 0 : i32
      %dma_start3A_200 = tpu.memref_slice %arg5[%multiple_of3A_167, %dma_start3A_199] : memref<1000000x64xf32, #tpu.memory_space<hbm>> -> memref<8x64xf32, #tpu.memory_space<hbm>>
      %dma_start3A_201 = arith.constant 0 : i32
      %dma_start3A_202 = arith.constant 0 : i32
      %dma_start3A_203 = tpu.memref_slice %arg14[%dma_start3A_194, %dma_start3A_201, %dma_start3A_202] : memref<16x8x64xf32, #tpu.memory_space<vmem>> -> memref<1x8x64xf32, #tpu.memory_space<vmem>>
      %dma_start3A_204 = tpu.memref_squeeze %dma_start3A_203 : memref<1x8x64xf32, #tpu.memory_space<vmem>> -> memref<8x64xf32, #tpu.memory_space<vmem>>
      %dma_start3A_205 = arith.constant 0 : i32
      %dma_start3A_206 = tpu.memref_slice %arg5[%multiple_of3A_167, %dma_start3A_205] : memref<1000000x64xf32, #tpu.memory_space<hbm>> -> memref<8x64xf32, #tpu.memory_space<hbm>>
      tpu.enqueue_dma source(%dma_start3A_206 : memref<8x64xf32, #tpu.memory_space<hbm>>) target(%dma_start3A_204 : memref<8x64xf32, #tpu.memory_space<vmem>>) target_semaphore(%arg18 : memref<!tpu.dma_semaphore, #tpu.memory_space<semaphore_mem>>)
      %dma_start3A_207 = arith.constant 2 : i32
      %dma_start3A_208 = arith.constant 0 : i32
      %dma_start3A_209 = arith.constant 0 : i32
      %dma_start3A_210 = tpu.memref_slice %arg15[%dma_start3A_207, %dma_start3A_208, %dma_start3A_209] : memref<16x8x64xf32, #tpu.memory_space<vmem>> -> memref<1x8x64xf32, #tpu.memory_space<vmem>>
      %dma_start3A_211 = tpu.memref_squeeze %dma_start3A_210 : memref<1x8x64xf32, #tpu.memory_space<vmem>> -> memref<8x64xf32, #tpu.memory_space<vmem>>
      %dma_start3A_212 = arith.constant 0 : i32
      %dma_start3A_213 = tpu.memref_slice %arg7[%multiple_of3A_164, %dma_start3A_212] : memref<1000000x64xf32, #tpu.memory_space<hbm>> -> memref<8x64xf32, #tpu.memory_space<hbm>>
      %dma_start3A_214 = arith.constant 0 : i32
      %dma_start3A_215 = arith.constant 0 : i32
      %dma_start3A_216 = tpu.memref_slice %arg15[%dma_start3A_207, %dma_start3A_214, %dma_start3A_215] : memref<16x8x64xf32, #tpu.memory_space<vmem>> -> memref<1x8x64xf32, #tpu.memory_space<vmem>>
      %dma_start3A_217 = tpu.memref_squeeze %dma_start3A_216 : memref<1x8x64xf32, #tpu.memory_space<vmem>> -> memref<8x64xf32, #tpu.memory_space<vmem>>
      %dma_start3A_218 = arith.constant 0 : i32
      %dma_start3A_219 = tpu.memref_slice %arg7[%multiple_of3A_164, %dma_start3A_218] : memref<1000000x64xf32, #tpu.memory_space<hbm>> -> memref<8x64xf32, #tpu.memory_space<hbm>>
      tpu.enqueue_dma source(%dma_start3A_219 : memref<8x64xf32, #tpu.memory_space<hbm>>) target(%dma_start3A_217 : memref<8x64xf32, #tpu.memory_space<vmem>>) target_semaphore(%arg18 : memref<!tpu.dma_semaphore, #tpu.memory_space<semaphore_mem>>)
      %slice3A_220 = vector.extract_strided_slice %mul3A_20 {offsets = [3], sizes = [1], strides = [1]} : vector<16xi32> to vector<1xi32>
      %squeeze3A_221 = vector.extract %slice3A_220[0] : i32 from vector<1xi32>
      %multiple_of3A_222 = tpu.assume_multiple %squeeze3A_221, 8 : i32
      %slice3A_223 = vector.extract_strided_slice %mul3A_26 {offsets = [3], sizes = [1], strides = [1]} : vector<16xi32> to vector<1xi32>
      %squeeze3A_224 = vector.extract %slice3A_223[0] : i32 from vector<1xi32>
      %multiple_of3A_225 = tpu.assume_multiple %squeeze3A_224, 8 : i32
      %slice3A_226 = vector.extract_strided_slice %mul3A_32 {offsets = [3], sizes = [1], strides = [1]} : vector<16xi32> to vector<1xi32>
      %squeeze3A_227 = vector.extract %slice3A_226[0] : i32 from vector<1xi32>
      %multiple_of3A_228 = tpu.assume_multiple %squeeze3A_227, 8 : i32
      %dma_start3A_229 = arith.constant 3 : i32
      %dma_start3A_230 = arith.constant 0 : i32
      %dma_start3A_231 = arith.constant 0 : i32
      %dma_start3A_232 = tpu.memref_slice %arg12[%dma_start3A_229, %dma_start3A_230, %dma_start3A_231] : memref<16x8x64xf32, #tpu.memory_space<vmem>> -> memref<1x8x64xf32, #tpu.memory_space<vmem>>
      %dma_start3A_233 = tpu.memref_squeeze %dma_start3A_232 : memref<1x8x64xf32, #tpu.memory_space<vmem>> -> memref<8x64xf32, #tpu.memory_space<vmem>>
      %dma_start3A_234 = arith.constant 0 : i32
      %dma_start3A_235 = tpu.memref_slice %arg5[%multiple_of3A_222, %dma_start3A_234] : memref<1000000x64xf32, #tpu.memory_space<hbm>> -> memref<8x64xf32, #tpu.memory_space<hbm>>
      %dma_start3A_236 = arith.constant 0 : i32
      %dma_start3A_237 = arith.constant 0 : i32
      %dma_start3A_238 = tpu.memref_slice %arg12[%dma_start3A_229, %dma_start3A_236, %dma_start3A_237] : memref<16x8x64xf32, #tpu.memory_space<vmem>> -> memref<1x8x64xf32, #tpu.memory_space<vmem>>
      %dma_start3A_239 = tpu.memref_squeeze %dma_start3A_238 : memref<1x8x64xf32, #tpu.memory_space<vmem>> -> memref<8x64xf32, #tpu.memory_space<vmem>>
      %dma_start3A_240 = arith.constant 0 : i32
      %dma_start3A_241 = tpu.memref_slice %arg5[%multiple_of3A_222, %dma_start3A_240] : memref<1000000x64xf32, #tpu.memory_space<hbm>> -> memref<8x64xf32, #tpu.memory_space<hbm>>
      tpu.enqueue_dma source(%dma_start3A_241 : memref<8x64xf32, #tpu.memory_space<hbm>>) target(%dma_start3A_239 : memref<8x64xf32, #tpu.memory_space<vmem>>) target_semaphore(%arg18 : memref<!tpu.dma_semaphore, #tpu.memory_space<semaphore_mem>>)
      %dma_start3A_242 = arith.constant 3 : i32
      %dma_start3A_243 = arith.constant 0 : i32
      %dma_start3A_244 = arith.constant 0 : i32
      %dma_start3A_245 = tpu.memref_slice %arg13[%dma_start3A_242, %dma_start3A_243, %dma_start3A_244] : memref<16x8x64xf32, #tpu.memory_space<vmem>> -> memref<1x8x64xf32, #tpu.memory_space<vmem>>
      %dma_start3A_246 = tpu.memref_squeeze %dma_start3A_245 : memref<1x8x64xf32, #tpu.memory_space<vmem>> -> memref<8x64xf32, #tpu.memory_space<vmem>>
      %dma_start3A_247 = arith.constant 0 : i32
      %dma_start3A_248 = tpu.memref_slice %arg6[%multiple_of3A_225, %dma_start3A_247] : memref<1000000x64xf32, #tpu.memory_space<hbm>> -> memref<8x64xf32, #tpu.memory_space<hbm>>
      %dma_start3A_249 = arith.constant 0 : i32
      %dma_start3A_250 = arith.constant 0 : i32
      %dma_start3A_251 = tpu.memref_slice %arg13[%dma_start3A_242, %dma_start3A_249, %dma_start3A_250] : memref<16x8x64xf32, #tpu.memory_space<vmem>> -> memref<1x8x64xf32, #tpu.memory_space<vmem>>
      %dma_start3A_252 = tpu.memref_squeeze %dma_start3A_251 : memref<1x8x64xf32, #tpu.memory_space<vmem>> -> memref<8x64xf32, #tpu.memory_space<vmem>>
      %dma_start3A_253 = arith.constant 0 : i32
      %dma_start3A_254 = tpu.memref_slice %arg6[%multiple_of3A_225, %dma_start3A_253] : memref<1000000x64xf32, #tpu.memory_space<hbm>> -> memref<8x64xf32, #tpu.memory_space<hbm>>
      tpu.enqueue_dma source(%dma_start3A_254 : memref<8x64xf32, #tpu.memory_space<hbm>>) target(%dma_start3A_252 : memref<8x64xf32, #tpu.memory_space<vmem>>) target_semaphore(%arg18 : memref<!tpu.dma_semaphore, #tpu.memory_space<semaphore_mem>>)
      %dma_start3A_255 = arith.constant 3 : i32
      %dma_start3A_256 = arith.constant 0 : i32
      %dma_start3A_257 = arith.constant 0 : i32
      %dma_start3A_258 = tpu.memref_slice %arg14[%dma_start3A_255, %dma_start3A_256, %dma_start3A_257] : memref<16x8x64xf32, #tpu.memory_space<vmem>> -> memref<1x8x64xf32, #tpu.memory_space<vmem>>
      %dma_start3A_259 = tpu.memref_squeeze %dma_start3A_258 : memref<1x8x64xf32, #tpu.memory_space<vmem>> -> memref<8x64xf32, #tpu.memory_space<vmem>>
      %dma_start3A_260 = arith.constant 0 : i32
      %dma_start3A_261 = tpu.memref_slice %arg5[%multiple_of3A_228, %dma_start3A_260] : memref<1000000x64xf32, #tpu.memory_space<hbm>> -> memref<8x64xf32, #tpu.memory_space<hbm>>
      %dma_start3A_262 = arith.constant 0 : i32
      %dma_start3A_263 = arith.constant 0 : i32
      %dma_start3A_264 = tpu.memref_slice %arg14[%dma_start3A_255, %dma_start3A_262, %dma_start3A_263] : memref<16x8x64xf32, #tpu.memory_space<vmem>> -> memref<1x8x64xf32, #tpu.memory_space<vmem>>
      %dma_start3A_265 = tpu.memref_squeeze %dma_start3A_264 : memref<1x8x64xf32, #tpu.memory_space<vmem>> -> memref<8x64xf32, #tpu.memory_space<vmem>>
      %dma_start3A_266 = arith.constant 0 : i32
      %dma_start3A_267 = tpu.memref_slice %arg5[%multiple_of3A_228, %dma_start3A_266] : memref<1000000x64xf32, #tpu.memory_space<hbm>> -> memref<8x64xf32, #tpu.memory_space<hbm>>
      tpu.enqueue_dma source(%dma_start3A_267 : memref<8x64xf32, #tpu.memory_space<hbm>>) target(%dma_start3A_265 : memref<8x64xf32, #tpu.memory_space<vmem>>) target_semaphore(%arg18 : memref<!tpu.dma_semaphore, #tpu.memory_space<semaphore_mem>>)
      %dma_start3A_268 = arith.constant 3 : i32
      %dma_start3A_269 = arith.constant 0 : i32
      %dma_start3A_270 = arith.constant 0 : i32
      %dma_start3A_271 = tpu.memref_slice %arg15[%dma_start3A_268, %dma_start3A_269, %dma_start3A_270] : memref<16x8x64xf32, #tpu.memory_space<vmem>> -> memref<1x8x64xf32, #tpu.memory_space<vmem>>
      %dma_start3A_272 = tpu.memref_squeeze %dma_start3A_271 : memref<1x8x64xf32, #tpu.memory_space<vmem>> -> memref<8x64xf32, #tpu.memory_space<vmem>>
      %dma_start3A_273 = arith.constant 0 : i32
      %dma_start3A_274 = tpu.memref_slice %arg7[%multiple_of3A_225, %dma_start3A_273] : memref<1000000x64xf32, #tpu.memory_space<hbm>> -> memref<8x64xf32, #tpu.memory_space<hbm>>
      %dma_start3A_275 = arith.constant 0 : i32
      %dma_start3A_276 = arith.constant 0 : i32
      %dma_start3A_277 = tpu.memref_slice %arg15[%dma_start3A_268, %dma_start3A_275, %dma_start3A_276] : memref<16x8x64xf32, #tpu.memory_space<vmem>> -> memref<1x8x64xf32, #tpu.memory_space<vmem>>
      %dma_start3A_278 = tpu.memref_squeeze %dma_start3A_277 : memref<1x8x64xf32, #tpu.memory_space<vmem>> -> memref<8x64xf32, #tpu.memory_space<vmem>>
      %dma_start3A_279 = arith.constant 0 : i32
      %dma_start3A_280 = tpu.memref_slice %arg7[%multiple_of3A_225, %dma_start3A_279] : memref<1000000x64xf32, #tpu.memory_space<hbm>> -> memref<8x64xf32, #tpu.memory_space<hbm>>
      tpu.enqueue_dma source(%dma_start3A_280 : memref<8x64xf32, #tpu.memory_space<hbm>>) target(%dma_start3A_278 : memref<8x64xf32, #tpu.memory_space<vmem>>) target_semaphore(%arg18 : memref<!tpu.dma_semaphore, #tpu.memory_space<semaphore_mem>>)
      %slice3A_281 = vector.extract_strided_slice %mul3A_20 {offsets = [4], sizes = [1], strides = [1]} : vector<16xi32> to vector<1xi32>
      %squeeze3A_282 = vector.extract %slice3A_281[0] : i32 from vector<1xi32>
      %multiple_of3A_283 = tpu.assume_multiple %squeeze3A_282, 8 : i32
      %slice3A_284 = vector.extract_strided_slice %mul3A_26 {offsets = [4], sizes = [1], strides = [1]} : vector<16xi32> to vector<1xi32>
      %squeeze3A_285 = vector.extract %slice3A_284[0] : i32 from vector<1xi32>
      %multiple_of3A_286 = tpu.assume_multiple %squeeze3A_285, 8 : i32
      %slice3A_287 = vector.extract_strided_slice %mul3A_32 {offsets = [4], sizes = [1], strides = [1]} : vector<16xi32> to vector<1xi32>
      %squeeze3A_288 = vector.extract %slice3A_287[0] : i32 from vector<1xi32>
      %multiple_of3A_289 = tpu.assume_multiple %squeeze3A_288, 8 : i32
      %dma_start3A_290 = arith.constant 4 : i32
      %dma_start3A_291 = arith.constant 0 : i32
      %dma_start3A_292 = arith.constant 0 : i32
      %dma_start3A_293 = tpu.memref_slice %arg12[%dma_start3A_290, %dma_start3A_291, %dma_start3A_292] : memref<16x8x64xf32, #tpu.memory_space<vmem>> -> memref<1x8x64xf32, #tpu.memory_space<vmem>>
      %dma_start3A_294 = tpu.memref_squeeze %dma_start3A_293 : memref<1x8x64xf32, #tpu.memory_space<vmem>> -> memref<8x64xf32, #tpu.memory_space<vmem>>
      %dma_start3A_295 = arith.constant 0 : i32
      %dma_start3A_296 = tpu.memref_slice %arg5[%multiple_of3A_283, %dma_start3A_295] : memref<1000000x64xf32, #tpu.memory_space<hbm>> -> memref<8x64xf32, #tpu.memory_space<hbm>>
      %dma_start3A_297 = arith.constant 0 : i32
      %dma_start3A_298 = arith.constant 0 : i32
      %dma_start3A_299 = tpu.memref_slice %arg12[%dma_start3A_290, %dma_start3A_297, %dma_start3A_298] : memref<16x8x64xf32, #tpu.memory_space<vmem>> -> memref<1x8x64xf32, #tpu.memory_space<vmem>>
      %dma_start3A_300 = tpu.memref_squeeze %dma_start3A_299 : memref<1x8x64xf32, #tpu.memory_space<vmem>> -> memref<8x64xf32, #tpu.memory_space<vmem>>
      %dma_start3A_301 = arith.constant 0 : i32
      %dma_start3A_302 = tpu.memref_slice %arg5[%multiple_of3A_283, %dma_start3A_301] : memref<1000000x64xf32, #tpu.memory_space<hbm>> -> memref<8x64xf32, #tpu.memory_space<hbm>>
      tpu.enqueue_dma source(%dma_start3A_302 : memref<8x64xf32, #tpu.memory_space<hbm>>) target(%dma_start3A_300 : memref<8x64xf32, #tpu.memory_space<vmem>>) target_semaphore(%arg18 : memref<!tpu.dma_semaphore, #tpu.memory_space<semaphore_mem>>)
      %dma_start3A_303 = arith.constant 4 : i32
      %dma_start3A_304 = arith.constant 0 : i32
      %dma_start3A_305 = arith.constant 0 : i32
      %dma_start3A_306 = tpu.memref_slice %arg13[%dma_start3A_303, %dma_start3A_304, %dma_start3A_305] : memref<16x8x64xf32, #tpu.memory_space<vmem>> -> memref<1x8x64xf32, #tpu.memory_space<vmem>>
      %dma_start3A_307 = tpu.memref_squeeze %dma_start3A_306 : memref<1x8x64xf32, #tpu.memory_space<vmem>> -> memref<8x64xf32, #tpu.memory_space<vmem>>
      %dma_start3A_308 = arith.constant 0 : i32
      %dma_start3A_309 = tpu.memref_slice %arg6[%multiple_of3A_286, %dma_start3A_308] : memref<1000000x64xf32, #tpu.memory_space<hbm>> -> memref<8x64xf32, #tpu.memory_space<hbm>>
      %dma_start3A_310 = arith.constant 0 : i32
      %dma_start3A_311 = arith.constant 0 : i32
      %dma_start3A_312 = tpu.memref_slice %arg13[%dma_start3A_303, %dma_start3A_310, %dma_start3A_311] : memref<16x8x64xf32, #tpu.memory_space<vmem>> -> memref<1x8x64xf32, #tpu.memory_space<vmem>>
      %dma_start3A_313 = tpu.memref_squeeze %dma_start3A_312 : memref<1x8x64xf32, #tpu.memory_space<vmem>> -> memref<8x64xf32, #tpu.memory_space<vmem>>
      %dma_start3A_314 = arith.constant 0 : i32
      %dma_start3A_315 = tpu.memref_slice %arg6[%multiple_of3A_286, %dma_start3A_314] : memref<1000000x64xf32, #tpu.memory_space<hbm>> -> memref<8x64xf32, #tpu.memory_space<hbm>>
      tpu.enqueue_dma source(%dma_start3A_315 : memref<8x64xf32, #tpu.memory_space<hbm>>) target(%dma_start3A_313 : memref<8x64xf32, #tpu.memory_space<vmem>>) target_semaphore(%arg18 : memref<!tpu.dma_semaphore, #tpu.memory_space<semaphore_mem>>)
      %dma_start3A_316 = arith.constant 4 : i32
      %dma_start3A_317 = arith.constant 0 : i32
      %dma_start3A_318 = arith.constant 0 : i32
      %dma_start3A_319 = tpu.memref_slice %arg14[%dma_start3A_316, %dma_start3A_317, %dma_start3A_318] : memref<16x8x64xf32, #tpu.memory_space<vmem>> -> memref<1x8x64xf32, #tpu.memory_space<vmem>>
      %dma_start3A_320 = tpu.memref_squeeze %dma_start3A_319 : memref<1x8x64xf32, #tpu.memory_space<vmem>> -> memref<8x64xf32, #tpu.memory_space<vmem>>
      %dma_start3A_321 = arith.constant 0 : i32
      %dma_start3A_322 = tpu.memref_slice %arg5[%multiple_of3A_289, %dma_start3A_321] : memref<1000000x64xf32, #tpu.memory_space<hbm>> -> memref<8x64xf32, #tpu.memory_space<hbm>>
      %dma_start3A_323 = arith.constant 0 : i32
      %dma_start3A_324 = arith.constant 0 : i32
      %dma_start3A_325 = tpu.memref_slice %arg14[%dma_start3A_316, %dma_start3A_323, %dma_start3A_324] : memref<16x8x64xf32, #tpu.memory_space<vmem>> -> memref<1x8x64xf32, #tpu.memory_space<vmem>>
      %dma_start3A_326 = tpu.memref_squeeze %dma_start3A_325 : memref<1x8x64xf32, #tpu.memory_space<vmem>> -> memref<8x64xf32, #tpu.memory_space<vmem>>
      %dma_start3A_327 = arith.constant 0 : i32
      %dma_start3A_328 = tpu.memref_slice %arg5[%multiple_of3A_289, %dma_start3A_327] : memref<1000000x64xf32, #tpu.memory_space<hbm>> -> memref<8x64xf32, #tpu.memory_space<hbm>>
      tpu.enqueue_dma source(%dma_start3A_328 : memref<8x64xf32, #tpu.memory_space<hbm>>) target(%dma_start3A_326 : memref<8x64xf32, #tpu.memory_space<vmem>>) target_semaphore(%arg18 : memref<!tpu.dma_semaphore, #tpu.memory_space<semaphore_mem>>)
      %dma_start3A_329 = arith.constant 4 : i32
      %dma_start3A_330 = arith.constant 0 : i32
      %dma_start3A_331 = arith.constant 0 : i32
      %dma_start3A_332 = tpu.memref_slice %arg15[%dma_start3A_329, %dma_start3A_330, %dma_start3A_331] : memref<16x8x64xf32, #tpu.memory_space<vmem>> -> memref<1x8x64xf32, #tpu.memory_space<vmem>>
      %dma_start3A_333 = tpu.memref_squeeze %dma_start3A_332 : memref<1x8x64xf32, #tpu.memory_space<vmem>> -> memref<8x64xf32, #tpu.memory_space<vmem>>
      %dma_start3A_334 = arith.constant 0 : i32
      %dma_start3A_335 = tpu.memref_slice %arg7[%multiple_of3A_286, %dma_start3A_334] : memref<1000000x64xf32, #tpu.memory_space<hbm>> -> memref<8x64xf32, #tpu.memory_space<hbm>>
      %dma_start3A_336 = arith.constant 0 : i32
      %dma_start3A_337 = arith.constant 0 : i32
      %dma_start3A_338 = tpu.memref_slice %arg15[%dma_start3A_329, %dma_start3A_336, %dma_start3A_337] : memref<16x8x64xf32, #tpu.memory_space<vmem>> -> memref<1x8x64xf32, #tpu.memory_space<vmem>>
      %dma_start3A_339 = tpu.memref_squeeze %dma_start3A_338 : memref<1x8x64xf32, #tpu.memory_space<vmem>> -> memref<8x64xf32, #tpu.memory_space<vmem>>
      %dma_start3A_340 = arith.constant 0 : i32
      %dma_start3A_341 = tpu.memref_slice %arg7[%multiple_of3A_286, %dma_start3A_340] : memref<1000000x64xf32, #tpu.memory_space<hbm>> -> memref<8x64xf32, #tpu.memory_space<hbm>>
      tpu.enqueue_dma source(%dma_start3A_341 : memref<8x64xf32, #tpu.memory_space<hbm>>) target(%dma_start3A_339 : memref<8x64xf32, #tpu.memory_space<vmem>>) target_semaphore(%arg18 : memref<!tpu.dma_semaphore, #tpu.memory_space<semaphore_mem>>)
      %slice3A_342 = vector.extract_strided_slice %mul3A_20 {offsets = [5], sizes = [1], strides = [1]} : vector<16xi32> to vector<1xi32>
      %squeeze3A_343 = vector.extract %slice3A_342[0] : i32 from vector<1xi32>
      %multiple_of3A_344 = tpu.assume_multiple %squeeze3A_343, 8 : i32
      %slice3A_345 = vector.extract_strided_slice %mul3A_26 {offsets = [5], sizes = [1], strides = [1]} : vector<16xi32> to vector<1xi32>
      %squeeze3A_346 = vector.extract %slice3A_345[0] : i32 from vector<1xi32>
      %multiple_of3A_347 = tpu.assume_multiple %squeeze3A_346, 8 : i32
      %slice3A_348 = vector.extract_strided_slice %mul3A_32 {offsets = [5], sizes = [1], strides = [1]} : vector<16xi32> to vector<1xi32>
      %squeeze3A_349 = vector.extract %slice3A_348[0] : i32 from vector<1xi32>
      %multiple_of3A_350 = tpu.assume_multiple %squeeze3A_349, 8 : i32
      %dma_start3A_351 = arith.constant 5 : i32
      %dma_start3A_352 = arith.constant 0 : i32
      %dma_start3A_353 = arith.constant 0 : i32
      %dma_start3A_354 = tpu.memref_slice %arg12[%dma_start3A_351, %dma_start3A_352, %dma_start3A_353] : memref<16x8x64xf32, #tpu.memory_space<vmem>> -> memref<1x8x64xf32, #tpu.memory_space<vmem>>
      %dma_start3A_355 = tpu.memref_squeeze %dma_start3A_354 : memref<1x8x64xf32, #tpu.memory_space<vmem>> -> memref<8x64xf32, #tpu.memory_space<vmem>>
      %dma_start3A_356 = arith.constant 0 : i32
      %dma_start3A_357 = tpu.memref_slice %arg5[%multiple_of3A_344, %dma_start3A_356] : memref<1000000x64xf32, #tpu.memory_space<hbm>> -> memref<8x64xf32, #tpu.memory_space<hbm>>
      %dma_start3A_358 = arith.constant 0 : i32
      %dma_start3A_359 = arith.constant 0 : i32
      %dma_start3A_360 = tpu.memref_slice %arg12[%dma_start3A_351, %dma_start3A_358, %dma_start3A_359] : memref<16x8x64xf32, #tpu.memory_space<vmem>> -> memref<1x8x64xf32, #tpu.memory_space<vmem>>
      %dma_start3A_361 = tpu.memref_squeeze %dma_start3A_360 : memref<1x8x64xf32, #tpu.memory_space<vmem>> -> memref<8x64xf32, #tpu.memory_space<vmem>>
      %dma_start3A_362 = arith.constant 0 : i32
      %dma_start3A_363 = tpu.memref_slice %arg5[%multiple_of3A_344, %dma_start3A_362] : memref<1000000x64xf32, #tpu.memory_space<hbm>> -> memref<8x64xf32, #tpu.memory_space<hbm>>
      tpu.enqueue_dma source(%dma_start3A_363 : memref<8x64xf32, #tpu.memory_space<hbm>>) target(%dma_start3A_361 : memref<8x64xf32, #tpu.memory_space<vmem>>) target_semaphore(%arg18 : memref<!tpu.dma_semaphore, #tpu.memory_space<semaphore_mem>>)
      %dma_start3A_364 = arith.constant 5 : i32
      %dma_start3A_365 = arith.constant 0 : i32
      %dma_start3A_366 = arith.constant 0 : i32
      %dma_start3A_367 = tpu.memref_slice %arg13[%dma_start3A_364, %dma_start3A_365, %dma_start3A_366] : memref<16x8x64xf32, #tpu.memory_space<vmem>> -> memref<1x8x64xf32, #tpu.memory_space<vmem>>
      %dma_start3A_368 = tpu.memref_squeeze %dma_start3A_367 : memref<1x8x64xf32, #tpu.memory_space<vmem>> -> memref<8x64xf32, #tpu.memory_space<vmem>>
      %dma_start3A_369 = arith.constant 0 : i32
      %dma_start3A_370 = tpu.memref_slice %arg6[%multiple_of3A_347, %dma_start3A_369] : memref<1000000x64xf32, #tpu.memory_space<hbm>> -> memref<8x64xf32, #tpu.memory_space<hbm>>
      %dma_start3A_371 = arith.constant 0 : i32
      %dma_start3A_372 = arith.constant 0 : i32
      %dma_start3A_373 = tpu.memref_slice %arg13[%dma_start3A_364, %dma_start3A_371, %dma_start3A_372] : memref<16x8x64xf32, #tpu.memory_space<vmem>> -> memref<1x8x64xf32, #tpu.memory_space<vmem>>
      %dma_start3A_374 = tpu.memref_squeeze %dma_start3A_373 : memref<1x8x64xf32, #tpu.memory_space<vmem>> -> memref<8x64xf32, #tpu.memory_space<vmem>>
      %dma_start3A_375 = arith.constant 0 : i32
      %dma_start3A_376 = tpu.memref_slice %arg6[%multiple_of3A_347, %dma_start3A_375] : memref<1000000x64xf32, #tpu.memory_space<hbm>> -> memref<8x64xf32, #tpu.memory_space<hbm>>
      tpu.enqueue_dma source(%dma_start3A_376 : memref<8x64xf32, #tpu.memory_space<hbm>>) target(%dma_start3A_374 : memref<8x64xf32, #tpu.memory_space<vmem>>) target_semaphore(%arg18 : memref<!tpu.dma_semaphore, #tpu.memory_space<semaphore_mem>>)
      %dma_start3A_377 = arith.constant 5 : i32
      %dma_start3A_378 = arith.constant 0 : i32
      %dma_start3A_379 = arith.constant 0 : i32
      %dma_start3A_380 = tpu.memref_slice %arg14[%dma_start3A_377, %dma_start3A_378, %dma_start3A_379] : memref<16x8x64xf32, #tpu.memory_space<vmem>> -> memref<1x8x64xf32, #tpu.memory_space<vmem>>
      %dma_start3A_381 = tpu.memref_squeeze %dma_start3A_380 : memref<1x8x64xf32, #tpu.memory_space<vmem>> -> memref<8x64xf32, #tpu.memory_space<vmem>>
      %dma_start3A_382 = arith.constant 0 : i32
      %dma_start3A_383 = tpu.memref_slice %arg5[%multiple_of3A_350, %dma_start3A_382] : memref<1000000x64xf32, #tpu.memory_space<hbm>> -> memref<8x64xf32, #tpu.memory_space<hbm>>
      %dma_start3A_384 = arith.constant 0 : i32
      %dma_start3A_385 = arith.constant 0 : i32
      %dma_start3A_386 = tpu.memref_slice %arg14[%dma_start3A_377, %dma_start3A_384, %dma_start3A_385] : memref<16x8x64xf32, #tpu.memory_space<vmem>> -> memref<1x8x64xf32, #tpu.memory_space<vmem>>
      %dma_start3A_387 = tpu.memref_squeeze %dma_start3A_386 : memref<1x8x64xf32, #tpu.memory_space<vmem>> -> memref<8x64xf32, #tpu.memory_space<vmem>>
      %dma_start3A_388 = arith.constant 0 : i32
      %dma_start3A_389 = tpu.memref_slice %arg5[%multiple_of3A_350, %dma_start3A_388] : memref<1000000x64xf32, #tpu.memory_space<hbm>> -> memref<8x64xf32, #tpu.memory_space<hbm>>
      tpu.enqueue_dma source(%dma_start3A_389 : memref<8x64xf32, #tpu.memory_space<hbm>>) target(%dma_start3A_387 : memref<8x64xf32, #tpu.memory_space<vmem>>) target_semaphore(%arg18 : memref<!tpu.dma_semaphore, #tpu.memory_space<semaphore_mem>>)
      %dma_start3A_390 = arith.constant 5 : i32
      %dma_start3A_391 = arith.constant 0 : i32
      %dma_start3A_392 = arith.constant 0 : i32
      %dma_start3A_393 = tpu.memref_slice %arg15[%dma_start3A_390, %dma_start3A_391, %dma_start3A_392] : memref<16x8x64xf32, #tpu.memory_space<vmem>> -> memref<1x8x64xf32, #tpu.memory_space<vmem>>
      %dma_start3A_394 = tpu.memref_squeeze %dma_start3A_393 : memref<1x8x64xf32, #tpu.memory_space<vmem>> -> memref<8x64xf32, #tpu.memory_space<vmem>>
      %dma_start3A_395 = arith.constant 0 : i32
      %dma_start3A_396 = tpu.memref_slice %arg7[%multiple_of3A_347, %dma_start3A_395] : memref<1000000x64xf32, #tpu.memory_space<hbm>> -> memref<8x64xf32, #tpu.memory_space<hbm>>
      %dma_start3A_397 = arith.constant 0 : i32
      %dma_start3A_398 = arith.constant 0 : i32
      %dma_start3A_399 = tpu.memref_slice %arg15[%dma_start3A_390, %dma_start3A_397, %dma_start3A_398] : memref<16x8x64xf32, #tpu.memory_space<vmem>> -> memref<1x8x64xf32, #tpu.memory_space<vmem>>
      %dma_start3A_400 = tpu.memref_squeeze %dma_start3A_399 : memref<1x8x64xf32, #tpu.memory_space<vmem>> -> memref<8x64xf32, #tpu.memory_space<vmem>>
      %dma_start3A_401 = arith.constant 0 : i32
      %dma_start3A_402 = tpu.memref_slice %arg7[%multiple_of3A_347, %dma_start3A_401] : memref<1000000x64xf32, #tpu.memory_space<hbm>> -> memref<8x64xf32, #tpu.memory_space<hbm>>
      tpu.enqueue_dma source(%dma_start3A_402 : memref<8x64xf32, #tpu.memory_space<hbm>>) target(%dma_start3A_400 : memref<8x64xf32, #tpu.memory_space<vmem>>) target_semaphore(%arg18 : memref<!tpu.dma_semaphore, #tpu.memory_space<semaphore_mem>>)
      %slice3A_403 = vector.extract_strided_slice %mul3A_20 {offsets = [6], sizes = [1], strides = [1]} : vector<16xi32> to vector<1xi32>
      %squeeze3A_404 = vector.extract %slice3A_403[0] : i32 from vector<1xi32>
      %multiple_of3A_405 = tpu.assume_multiple %squeeze3A_404, 8 : i32
      %slice3A_406 = vector.extract_strided_slice %mul3A_26 {offsets = [6], sizes = [1], strides = [1]} : vector<16xi32> to vector<1xi32>
      %squeeze3A_407 = vector.extract %slice3A_406[0] : i32 from vector<1xi32>
      %multiple_of3A_408 = tpu.assume_multiple %squeeze3A_407, 8 : i32
      %slice3A_409 = vector.extract_strided_slice %mul3A_32 {offsets = [6], sizes = [1], strides = [1]} : vector<16xi32> to vector<1xi32>
      %squeeze3A_410 = vector.extract %slice3A_409[0] : i32 from vector<1xi32>
      %multiple_of3A_411 = tpu.assume_multiple %squeeze3A_410, 8 : i32
      %dma_start3A_412 = arith.constant 6 : i32
      %dma_start3A_413 = arith.constant 0 : i32
      %dma_start3A_414 = arith.constant 0 : i32
      %dma_start3A_415 = tpu.memref_slice %arg12[%dma_start3A_412, %dma_start3A_413, %dma_start3A_414] : memref<16x8x64xf32, #tpu.memory_space<vmem>> -> memref<1x8x64xf32, #tpu.memory_space<vmem>>
      %dma_start3A_416 = tpu.memref_squeeze %dma_start3A_415 : memref<1x8x64xf32, #tpu.memory_space<vmem>> -> memref<8x64xf32, #tpu.memory_space<vmem>>
      %dma_start3A_417 = arith.constant 0 : i32
      %dma_start3A_418 = tpu.memref_slice %arg5[%multiple_of3A_405, %dma_start3A_417] : memref<1000000x64xf32, #tpu.memory_space<hbm>> -> memref<8x64xf32, #tpu.memory_space<hbm>>
      %dma_start3A_419 = arith.constant 0 : i32
      %dma_start3A_420 = arith.constant 0 : i32
      %dma_start3A_421 = tpu.memref_slice %arg12[%dma_start3A_412, %dma_start3A_419, %dma_start3A_420] : memref<16x8x64xf32, #tpu.memory_space<vmem>> -> memref<1x8x64xf32, #tpu.memory_space<vmem>>
      %dma_start3A_422 = tpu.memref_squeeze %dma_start3A_421 : memref<1x8x64xf32, #tpu.memory_space<vmem>> -> memref<8x64xf32, #tpu.memory_space<vmem>>
      %dma_start3A_423 = arith.constant 0 : i32
      %dma_start3A_424 = tpu.memref_slice %arg5[%multiple_of3A_405, %dma_start3A_423] : memref<1000000x64xf32, #tpu.memory_space<hbm>> -> memref<8x64xf32, #tpu.memory_space<hbm>>
      tpu.enqueue_dma source(%dma_start3A_424 : memref<8x64xf32, #tpu.memory_space<hbm>>) target(%dma_start3A_422 : memref<8x64xf32, #tpu.memory_space<vmem>>) target_semaphore(%arg18 : memref<!tpu.dma_semaphore, #tpu.memory_space<semaphore_mem>>)
      %dma_start3A_425 = arith.constant 6 : i32
      %dma_start3A_426 = arith.constant 0 : i32
      %dma_start3A_427 = arith.constant 0 : i32
      %dma_start3A_428 = tpu.memref_slice %arg13[%dma_start3A_425, %dma_start3A_426, %dma_start3A_427] : memref<16x8x64xf32, #tpu.memory_space<vmem>> -> memref<1x8x64xf32, #tpu.memory_space<vmem>>
      %dma_start3A_429 = tpu.memref_squeeze %dma_start3A_428 : memref<1x8x64xf32, #tpu.memory_space<vmem>> -> memref<8x64xf32, #tpu.memory_space<vmem>>
      %dma_start3A_430 = arith.constant 0 : i32
      %dma_start3A_431 = tpu.memref_slice %arg6[%multiple_of3A_408, %dma_start3A_430] : memref<1000000x64xf32, #tpu.memory_space<hbm>> -> memref<8x64xf32, #tpu.memory_space<hbm>>
      %dma_start3A_432 = arith.constant 0 : i32
      %dma_start3A_433 = arith.constant 0 : i32
      %dma_start3A_434 = tpu.memref_slice %arg13[%dma_start3A_425, %dma_start3A_432, %dma_start3A_433] : memref<16x8x64xf32, #tpu.memory_space<vmem>> -> memref<1x8x64xf32, #tpu.memory_space<vmem>>
      %dma_start3A_435 = tpu.memref_squeeze %dma_start3A_434 : memref<1x8x64xf32, #tpu.memory_space<vmem>> -> memref<8x64xf32, #tpu.memory_space<vmem>>
      %dma_start3A_436 = arith.constant 0 : i32
      %dma_start3A_437 = tpu.memref_slice %arg6[%multiple_of3A_408, %dma_start3A_436] : memref<1000000x64xf32, #tpu.memory_space<hbm>> -> memref<8x64xf32, #tpu.memory_space<hbm>>
      tpu.enqueue_dma source(%dma_start3A_437 : memref<8x64xf32, #tpu.memory_space<hbm>>) target(%dma_start3A_435 : memref<8x64xf32, #tpu.memory_space<vmem>>) target_semaphore(%arg18 : memref<!tpu.dma_semaphore, #tpu.memory_space<semaphore_mem>>)
      %dma_start3A_438 = arith.constant 6 : i32
      %dma_start3A_439 = arith.constant 0 : i32
      %dma_start3A_440 = arith.constant 0 : i32
      %dma_start3A_441 = tpu.memref_slice %arg14[%dma_start3A_438, %dma_start3A_439, %dma_start3A_440] : memref<16x8x64xf32, #tpu.memory_space<vmem>> -> memref<1x8x64xf32, #tpu.memory_space<vmem>>
      %dma_start3A_442 = tpu.memref_squeeze %dma_start3A_441 : memref<1x8x64xf32, #tpu.memory_space<vmem>> -> memref<8x64xf32, #tpu.memory_space<vmem>>
      %dma_start3A_443 = arith.constant 0 : i32
      %dma_start3A_444 = tpu.memref_slice %arg5[%multiple_of3A_411, %dma_start3A_443] : memref<1000000x64xf32, #tpu.memory_space<hbm>> -> memref<8x64xf32, #tpu.memory_space<hbm>>
      %dma_start3A_445 = arith.constant 0 : i32
      %dma_start3A_446 = arith.constant 0 : i32
      %dma_start3A_447 = tpu.memref_slice %arg14[%dma_start3A_438, %dma_start3A_445, %dma_start3A_446] : memref<16x8x64xf32, #tpu.memory_space<vmem>> -> memref<1x8x64xf32, #tpu.memory_space<vmem>>
      %dma_start3A_448 = tpu.memref_squeeze %dma_start3A_447 : memref<1x8x64xf32, #tpu.memory_space<vmem>> -> memref<8x64xf32, #tpu.memory_space<vmem>>
      %dma_start3A_449 = arith.constant 0 : i32
      %dma_start3A_450 = tpu.memref_slice %arg5[%multiple_of3A_411, %dma_start3A_449] : memref<1000000x64xf32, #tpu.memory_space<hbm>> -> memref<8x64xf32, #tpu.memory_space<hbm>>
      tpu.enqueue_dma source(%dma_start3A_450 : memref<8x64xf32, #tpu.memory_space<hbm>>) target(%dma_start3A_448 : memref<8x64xf32, #tpu.memory_space<vmem>>) target_semaphore(%arg18 : memref<!tpu.dma_semaphore, #tpu.memory_space<semaphore_mem>>)
      %dma_start3A_451 = arith.constant 6 : i32
      %dma_start3A_452 = arith.constant 0 : i32
      %dma_start3A_453 = arith.constant 0 : i32
      %dma_start3A_454 = tpu.memref_slice %arg15[%dma_start3A_451, %dma_start3A_452, %dma_start3A_453] : memref<16x8x64xf32, #tpu.memory_space<vmem>> -> memref<1x8x64xf32, #tpu.memory_space<vmem>>
      %dma_start3A_455 = tpu.memref_squeeze %dma_start3A_454 : memref<1x8x64xf32, #tpu.memory_space<vmem>> -> memref<8x64xf32, #tpu.memory_space<vmem>>
      %dma_start3A_456 = arith.constant 0 : i32
      %dma_start3A_457 = tpu.memref_slice %arg7[%multiple_of3A_408, %dma_start3A_456] : memref<1000000x64xf32, #tpu.memory_space<hbm>> -> memref<8x64xf32, #tpu.memory_space<hbm>>
      %dma_start3A_458 = arith.constant 0 : i32
      %dma_start3A_459 = arith.constant 0 : i32
      %dma_start3A_460 = tpu.memref_slice %arg15[%dma_start3A_451, %dma_start3A_458, %dma_start3A_459] : memref<16x8x64xf32, #tpu.memory_space<vmem>> -> memref<1x8x64xf32, #tpu.memory_space<vmem>>
      %dma_start3A_461 = tpu.memref_squeeze %dma_start3A_460 : memref<1x8x64xf32, #tpu.memory_space<vmem>> -> memref<8x64xf32, #tpu.memory_space<vmem>>
      %dma_start3A_462 = arith.constant 0 : i32
      %dma_start3A_463 = tpu.memref_slice %arg7[%multiple_of3A_408, %dma_start3A_462] : memref<1000000x64xf32, #tpu.memory_space<hbm>> -> memref<8x64xf32, #tpu.memory_space<hbm>>
      tpu.enqueue_dma source(%dma_start3A_463 : memref<8x64xf32, #tpu.memory_space<hbm>>) target(%dma_start3A_461 : memref<8x64xf32, #tpu.memory_space<vmem>>) target_semaphore(%arg18 : memref<!tpu.dma_semaphore, #tpu.memory_space<semaphore_mem>>)
      %slice3A_464 = vector.extract_strided_slice %mul3A_20 {offsets = [7], sizes = [1], strides = [1]} : vector<16xi32> to vector<1xi32>
      %squeeze3A_465 = vector.extract %slice3A_464[0] : i32 from vector<1xi32>
      %multiple_of3A_466 = tpu.assume_multiple %squeeze3A_465, 8 : i32
      %slice3A_467 = vector.extract_strided_slice %mul3A_26 {offsets = [7], sizes = [1], strides = [1]} : vector<16xi32> to vector<1xi32>
      %squeeze3A_468 = vector.extract %slice3A_467[0] : i32 from vector<1xi32>
      %multiple_of3A_469 = tpu.assume_multiple %squeeze3A_468, 8 : i32
      %slice3A_470 = vector.extract_strided_slice %mul3A_32 {offsets = [7], sizes = [1], strides = [1]} : vector<16xi32> to vector<1xi32>
      %squeeze3A_471 = vector.extract %slice3A_470[0] : i32 from vector<1xi32>
      %multiple_of3A_472 = tpu.assume_multiple %squeeze3A_471, 8 : i32
      %dma_start3A_473 = arith.constant 7 : i32
      %dma_start3A_474 = arith.constant 0 : i32
      %dma_start3A_475 = arith.constant 0 : i32
      %dma_start3A_476 = tpu.memref_slice %arg12[%dma_start3A_473, %dma_start3A_474, %dma_start3A_475] : memref<16x8x64xf32, #tpu.memory_space<vmem>> -> memref<1x8x64xf32, #tpu.memory_space<vmem>>
      %dma_start3A_477 = tpu.memref_squeeze %dma_start3A_476 : memref<1x8x64xf32, #tpu.memory_space<vmem>> -> memref<8x64xf32, #tpu.memory_space<vmem>>
      %dma_start3A_478 = arith.constant 0 : i32
      %dma_start3A_479 = tpu.memref_slice %arg5[%multiple_of3A_466, %dma_start3A_478] : memref<1000000x64xf32, #tpu.memory_space<hbm>> -> memref<8x64xf32, #tpu.memory_space<hbm>>
      %dma_start3A_480 = arith.constant 0 : i32
      %dma_start3A_481 = arith.constant 0 : i32
      %dma_start3A_482 = tpu.memref_slice %arg12[%dma_start3A_473, %dma_start3A_480, %dma_start3A_481] : memref<16x8x64xf32, #tpu.memory_space<vmem>> -> memref<1x8x64xf32, #tpu.memory_space<vmem>>
      %dma_start3A_483 = tpu.memref_squeeze %dma_start3A_482 : memref<1x8x64xf32, #tpu.memory_space<vmem>> -> memref<8x64xf32, #tpu.memory_space<vmem>>
      %dma_start3A_484 = arith.constant 0 : i32
      %dma_start3A_485 = tpu.memref_slice %arg5[%multiple_of3A_466, %dma_start3A_484] : memref<1000000x64xf32, #tpu.memory_space<hbm>> -> memref<8x64xf32, #tpu.memory_space<hbm>>
      tpu.enqueue_dma source(%dma_start3A_485 : memref<8x64xf32, #tpu.memory_space<hbm>>) target(%dma_start3A_483 : memref<8x64xf32, #tpu.memory_space<vmem>>) target_semaphore(%arg18 : memref<!tpu.dma_semaphore, #tpu.memory_space<semaphore_mem>>)
      %dma_start3A_486 = arith.constant 7 : i32
      %dma_start3A_487 = arith.constant 0 : i32
      %dma_start3A_488 = arith.constant 0 : i32
      %dma_start3A_489 = tpu.memref_slice %arg13[%dma_start3A_486, %dma_start3A_487, %dma_start3A_488] : memref<16x8x64xf32, #tpu.memory_space<vmem>> -> memref<1x8x64xf32, #tpu.memory_space<vmem>>
      %dma_start3A_490 = tpu.memref_squeeze %dma_start3A_489 : memref<1x8x64xf32, #tpu.memory_space<vmem>> -> memref<8x64xf32, #tpu.memory_space<vmem>>
      %dma_start3A_491 = arith.constant 0 : i32
      %dma_start3A_492 = tpu.memref_slice %arg6[%multiple_of3A_469, %dma_start3A_491] : memref<1000000x64xf32, #tpu.memory_space<hbm>> -> memref<8x64xf32, #tpu.memory_space<hbm>>
      %dma_start3A_493 = arith.constant 0 : i32
      %dma_start3A_494 = arith.constant 0 : i32
      %dma_start3A_495 = tpu.memref_slice %arg13[%dma_start3A_486, %dma_start3A_493, %dma_start3A_494] : memref<16x8x64xf32, #tpu.memory_space<vmem>> -> memref<1x8x64xf32, #tpu.memory_space<vmem>>
      %dma_start3A_496 = tpu.memref_squeeze %dma_start3A_495 : memref<1x8x64xf32, #tpu.memory_space<vmem>> -> memref<8x64xf32, #tpu.memory_space<vmem>>
      %dma_start3A_497 = arith.constant 0 : i32
      %dma_start3A_498 = tpu.memref_slice %arg6[%multiple_of3A_469, %dma_start3A_497] : memref<1000000x64xf32, #tpu.memory_space<hbm>> -> memref<8x64xf32, #tpu.memory_space<hbm>>
      tpu.enqueue_dma source(%dma_start3A_498 : memref<8x64xf32, #tpu.memory_space<hbm>>) target(%dma_start3A_496 : memref<8x64xf32, #tpu.memory_space<vmem>>) target_semaphore(%arg18 : memref<!tpu.dma_semaphore, #tpu.memory_space<semaphore_mem>>)
      %dma_start3A_499 = arith.constant 7 : i32
      %dma_start3A_500 = arith.constant 0 : i32
      %dma_start3A_501 = arith.constant 0 : i32
      %dma_start3A_502 = tpu.memref_slice %arg14[%dma_start3A_499, %dma_start3A_500, %dma_start3A_501] : memref<16x8x64xf32, #tpu.memory_space<vmem>> -> memref<1x8x64xf32, #tpu.memory_space<vmem>>
      %dma_start3A_503 = tpu.memref_squeeze %dma_start3A_502 : memref<1x8x64xf32, #tpu.memory_space<vmem>> -> memref<8x64xf32, #tpu.memory_space<vmem>>
      %dma_start3A_504 = arith.constant 0 : i32
      %dma_start3A_505 = tpu.memref_slice %arg5[%multiple_of3A_472, %dma_start3A_504] : memref<1000000x64xf32, #tpu.memory_space<hbm>> -> memref<8x64xf32, #tpu.memory_space<hbm>>
      %dma_start3A_506 = arith.constant 0 : i32
      %dma_start3A_507 = arith.constant 0 : i32
      %dma_start3A_508 = tpu.memref_slice %arg14[%dma_start3A_499, %dma_start3A_506, %dma_start3A_507] : memref<16x8x64xf32, #tpu.memory_space<vmem>> -> memref<1x8x64xf32, #tpu.memory_space<vmem>>
      %dma_start3A_509 = tpu.memref_squeeze %dma_start3A_508 : memref<1x8x64xf32, #tpu.memory_space<vmem>> -> memref<8x64xf32, #tpu.memory_space<vmem>>
      %dma_start3A_510 = arith.constant 0 : i32
      %dma_start3A_511 = tpu.memref_slice %arg5[%multiple_of3A_472, %dma_start3A_510] : memref<1000000x64xf32, #tpu.memory_space<hbm>> -> memref<8x64xf32, #tpu.memory_space<hbm>>
      tpu.enqueue_dma source(%dma_start3A_511 : memref<8x64xf32, #tpu.memory_space<hbm>>) target(%dma_start3A_509 : memref<8x64xf32, #tpu.memory_space<vmem>>) target_semaphore(%arg18 : memref<!tpu.dma_semaphore, #tpu.memory_space<semaphore_mem>>)
      %dma_start3A_512 = arith.constant 7 : i32
      %dma_start3A_513 = arith.constant 0 : i32
      %dma_start3A_514 = arith.constant 0 : i32
      %dma_start3A_515 = tpu.memref_slice %arg15[%dma_start3A_512, %dma_start3A_513, %dma_start3A_514] : memref<16x8x64xf32, #tpu.memory_space<vmem>> -> memref<1x8x64xf32, #tpu.memory_space<vmem>>
      %dma_start3A_516 = tpu.memref_squeeze %dma_start3A_515 : memref<1x8x64xf32, #tpu.memory_space<vmem>> -> memref<8x64xf32, #tpu.memory_space<vmem>>
      %dma_start3A_517 = arith.constant 0 : i32
      %dma_start3A_518 = tpu.memref_slice %arg7[%multiple_of3A_469, %dma_start3A_517] : memref<1000000x64xf32, #tpu.memory_space<hbm>> -> memref<8x64xf32, #tpu.memory_space<hbm>>
      %dma_start3A_519 = arith.constant 0 : i32
      %dma_start3A_520 = arith.constant 0 : i32
      %dma_start3A_521 = tpu.memref_slice %arg15[%dma_start3A_512, %dma_start3A_519, %dma_start3A_520] : memref<16x8x64xf32, #tpu.memory_space<vmem>> -> memref<1x8x64xf32, #tpu.memory_space<vmem>>
      %dma_start3A_522 = tpu.memref_squeeze %dma_start3A_521 : memref<1x8x64xf32, #tpu.memory_space<vmem>> -> memref<8x64xf32, #tpu.memory_space<vmem>>
      %dma_start3A_523 = arith.constant 0 : i32
      %dma_start3A_524 = tpu.memref_slice %arg7[%multiple_of3A_469, %dma_start3A_523] : memref<1000000x64xf32, #tpu.memory_space<hbm>> -> memref<8x64xf32, #tpu.memory_space<hbm>>
      tpu.enqueue_dma source(%dma_start3A_524 : memref<8x64xf32, #tpu.memory_space<hbm>>) target(%dma_start3A_522 : memref<8x64xf32, #tpu.memory_space<vmem>>) target_semaphore(%arg18 : memref<!tpu.dma_semaphore, #tpu.memory_space<semaphore_mem>>)
      %slice3A_525 = vector.extract_strided_slice %mul3A_20 {offsets = [8], sizes = [1], strides = [1]} : vector<16xi32> to vector<1xi32>
      %squeeze3A_526 = vector.extract %slice3A_525[0] : i32 from vector<1xi32>
      %multiple_of3A_527 = tpu.assume_multiple %squeeze3A_526, 8 : i32
      %slice3A_528 = vector.extract_strided_slice %mul3A_26 {offsets = [8], sizes = [1], strides = [1]} : vector<16xi32> to vector<1xi32>
      %squeeze3A_529 = vector.extract %slice3A_528[0] : i32 from vector<1xi32>
      %multiple_of3A_530 = tpu.assume_multiple %squeeze3A_529, 8 : i32
      %slice3A_531 = vector.extract_strided_slice %mul3A_32 {offsets = [8], sizes = [1], strides = [1]} : vector<16xi32> to vector<1xi32>
      %squeeze3A_532 = vector.extract %slice3A_531[0] : i32 from vector<1xi32>
      %multiple_of3A_533 = tpu.assume_multiple %squeeze3A_532, 8 : i32
      %dma_start3A_534 = arith.constant 8 : i32
      %dma_start3A_535 = arith.constant 0 : i32
      %dma_start3A_536 = arith.constant 0 : i32
      %dma_start3A_537 = tpu.memref_slice %arg12[%dma_start3A_534, %dma_start3A_535, %dma_start3A_536] : memref<16x8x64xf32, #tpu.memory_space<vmem>> -> memref<1x8x64xf32, #tpu.memory_space<vmem>>
      %dma_start3A_538 = tpu.memref_squeeze %dma_start3A_537 : memref<1x8x64xf32, #tpu.memory_space<vmem>> -> memref<8x64xf32, #tpu.memory_space<vmem>>
      %dma_start3A_539 = arith.constant 0 : i32
      %dma_start3A_540 = tpu.memref_slice %arg5[%multiple_of3A_527, %dma_start3A_539] : memref<1000000x64xf32, #tpu.memory_space<hbm>> -> memref<8x64xf32, #tpu.memory_space<hbm>>
      %dma_start3A_541 = arith.constant 0 : i32
      %dma_start3A_542 = arith.constant 0 : i32
      %dma_start3A_543 = tpu.memref_slice %arg12[%dma_start3A_534, %dma_start3A_541, %dma_start3A_542] : memref<16x8x64xf32, #tpu.memory_space<vmem>> -> memref<1x8x64xf32, #tpu.memory_space<vmem>>
      %dma_start3A_544 = tpu.memref_squeeze %dma_start3A_543 : memref<1x8x64xf32, #tpu.memory_space<vmem>> -> memref<8x64xf32, #tpu.memory_space<vmem>>
      %dma_start3A_545 = arith.constant 0 : i32
      %dma_start3A_546 = tpu.memref_slice %arg5[%multiple_of3A_527, %dma_start3A_545] : memref<1000000x64xf32, #tpu.memory_space<hbm>> -> memref<8x64xf32, #tpu.memory_space<hbm>>
      tpu.enqueue_dma source(%dma_start3A_546 : memref<8x64xf32, #tpu.memory_space<hbm>>) target(%dma_start3A_544 : memref<8x64xf32, #tpu.memory_space<vmem>>) target_semaphore(%arg18 : memref<!tpu.dma_semaphore, #tpu.memory_space<semaphore_mem>>)
      %dma_start3A_547 = arith.constant 8 : i32
      %dma_start3A_548 = arith.constant 0 : i32
      %dma_start3A_549 = arith.constant 0 : i32
      %dma_start3A_550 = tpu.memref_slice %arg13[%dma_start3A_547, %dma_start3A_548, %dma_start3A_549] : memref<16x8x64xf32, #tpu.memory_space<vmem>> -> memref<1x8x64xf32, #tpu.memory_space<vmem>>
      %dma_start3A_551 = tpu.memref_squeeze %dma_start3A_550 : memref<1x8x64xf32, #tpu.memory_space<vmem>> -> memref<8x64xf32, #tpu.memory_space<vmem>>
      %dma_start3A_552 = arith.constant 0 : i32
      %dma_start3A_553 = tpu.memref_slice %arg6[%multiple_of3A_530, %dma_start3A_552] : memref<1000000x64xf32, #tpu.memory_space<hbm>> -> memref<8x64xf32, #tpu.memory_space<hbm>>
      %dma_start3A_554 = arith.constant 0 : i32
      %dma_start3A_555 = arith.constant 0 : i32
      %dma_start3A_556 = tpu.memref_slice %arg13[%dma_start3A_547, %dma_start3A_554, %dma_start3A_555] : memref<16x8x64xf32, #tpu.memory_space<vmem>> -> memref<1x8x64xf32, #tpu.memory_space<vmem>>
      %dma_start3A_557 = tpu.memref_squeeze %dma_start3A_556 : memref<1x8x64xf32, #tpu.memory_space<vmem>> -> memref<8x64xf32, #tpu.memory_space<vmem>>
      %dma_start3A_558 = arith.constant 0 : i32
      %dma_start3A_559 = tpu.memref_slice %arg6[%multiple_of3A_530, %dma_start3A_558] : memref<1000000x64xf32, #tpu.memory_space<hbm>> -> memref<8x64xf32, #tpu.memory_space<hbm>>
      tpu.enqueue_dma source(%dma_start3A_559 : memref<8x64xf32, #tpu.memory_space<hbm>>) target(%dma_start3A_557 : memref<8x64xf32, #tpu.memory_space<vmem>>) target_semaphore(%arg18 : memref<!tpu.dma_semaphore, #tpu.memory_space<semaphore_mem>>)
      %dma_start3A_560 = arith.constant 8 : i32
      %dma_start3A_561 = arith.constant 0 : i32
      %dma_start3A_562 = arith.constant 0 : i32
      %dma_start3A_563 = tpu.memref_slice %arg14[%dma_start3A_560, %dma_start3A_561, %dma_start3A_562] : memref<16x8x64xf32, #tpu.memory_space<vmem>> -> memref<1x8x64xf32, #tpu.memory_space<vmem>>
      %dma_start3A_564 = tpu.memref_squeeze %dma_start3A_563 : memref<1x8x64xf32, #tpu.memory_space<vmem>> -> memref<8x64xf32, #tpu.memory_space<vmem>>
      %dma_start3A_565 = arith.constant 0 : i32
      %dma_start3A_566 = tpu.memref_slice %arg5[%multiple_of3A_533, %dma_start3A_565] : memref<1000000x64xf32, #tpu.memory_space<hbm>> -> memref<8x64xf32, #tpu.memory_space<hbm>>
      %dma_start3A_567 = arith.constant 0 : i32
      %dma_start3A_568 = arith.constant 0 : i32
      %dma_start3A_569 = tpu.memref_slice %arg14[%dma_start3A_560, %dma_start3A_567, %dma_start3A_568] : memref<16x8x64xf32, #tpu.memory_space<vmem>> -> memref<1x8x64xf32, #tpu.memory_space<vmem>>
      %dma_start3A_570 = tpu.memref_squeeze %dma_start3A_569 : memref<1x8x64xf32, #tpu.memory_space<vmem>> -> memref<8x64xf32, #tpu.memory_space<vmem>>
      %dma_start3A_571 = arith.constant 0 : i32
      %dma_start3A_572 = tpu.memref_slice %arg5[%multiple_of3A_533, %dma_start3A_571] : memref<1000000x64xf32, #tpu.memory_space<hbm>> -> memref<8x64xf32, #tpu.memory_space<hbm>>
      tpu.enqueue_dma source(%dma_start3A_572 : memref<8x64xf32, #tpu.memory_space<hbm>>) target(%dma_start3A_570 : memref<8x64xf32, #tpu.memory_space<vmem>>) target_semaphore(%arg18 : memref<!tpu.dma_semaphore, #tpu.memory_space<semaphore_mem>>)
      %dma_start3A_573 = arith.constant 8 : i32
      %dma_start3A_574 = arith.constant 0 : i32
      %dma_start3A_575 = arith.constant 0 : i32
      %dma_start3A_576 = tpu.memref_slice %arg15[%dma_start3A_573, %dma_start3A_574, %dma_start3A_575] : memref<16x8x64xf32, #tpu.memory_space<vmem>> -> memref<1x8x64xf32, #tpu.memory_space<vmem>>
      %dma_start3A_577 = tpu.memref_squeeze %dma_start3A_576 : memref<1x8x64xf32, #tpu.memory_space<vmem>> -> memref<8x64xf32, #tpu.memory_space<vmem>>
      %dma_start3A_578 = arith.constant 0 : i32
      %dma_start3A_579 = tpu.memref_slice %arg7[%multiple_of3A_530, %dma_start3A_578] : memref<1000000x64xf32, #tpu.memory_space<hbm>> -> memref<8x64xf32, #tpu.memory_space<hbm>>
      %dma_start3A_580 = arith.constant 0 : i32
      %dma_start3A_581 = arith.constant 0 : i32
      %dma_start3A_582 = tpu.memref_slice %arg15[%dma_start3A_573, %dma_start3A_580, %dma_start3A_581] : memref<16x8x64xf32, #tpu.memory_space<vmem>> -> memref<1x8x64xf32, #tpu.memory_space<vmem>>
      %dma_start3A_583 = tpu.memref_squeeze %dma_start3A_582 : memref<1x8x64xf32, #tpu.memory_space<vmem>> -> memref<8x64xf32, #tpu.memory_space<vmem>>
      %dma_start3A_584 = arith.constant 0 : i32
      %dma_start3A_585 = tpu.memref_slice %arg7[%multiple_of3A_530, %dma_start3A_584] : memref<1000000x64xf32, #tpu.memory_space<hbm>> -> memref<8x64xf32, #tpu.memory_space<hbm>>
      tpu.enqueue_dma source(%dma_start3A_585 : memref<8x64xf32, #tpu.memory_space<hbm>>) target(%dma_start3A_583 : memref<8x64xf32, #tpu.memory_space<vmem>>) target_semaphore(%arg18 : memref<!tpu.dma_semaphore, #tpu.memory_space<semaphore_mem>>)
      %slice3A_586 = vector.extract_strided_slice %mul3A_20 {offsets = [9], sizes = [1], strides = [1]} : vector<16xi32> to vector<1xi32>
      %squeeze3A_587 = vector.extract %slice3A_586[0] : i32 from vector<1xi32>
      %multiple_of3A_588 = tpu.assume_multiple %squeeze3A_587, 8 : i32
      %slice3A_589 = vector.extract_strided_slice %mul3A_26 {offsets = [9], sizes = [1], strides = [1]} : vector<16xi32> to vector<1xi32>
      %squeeze3A_590 = vector.extract %slice3A_589[0] : i32 from vector<1xi32>
      %multiple_of3A_591 = tpu.assume_multiple %squeeze3A_590, 8 : i32
      %slice3A_592 = vector.extract_strided_slice %mul3A_32 {offsets = [9], sizes = [1], strides = [1]} : vector<16xi32> to vector<1xi32>
      %squeeze3A_593 = vector.extract %slice3A_592[0] : i32 from vector<1xi32>
      %multiple_of3A_594 = tpu.assume_multiple %squeeze3A_593, 8 : i32
      %dma_start3A_595 = arith.constant 9 : i32
      %dma_start3A_596 = arith.constant 0 : i32
      %dma_start3A_597 = arith.constant 0 : i32
      %dma_start3A_598 = tpu.memref_slice %arg12[%dma_start3A_595, %dma_start3A_596, %dma_start3A_597] : memref<16x8x64xf32, #tpu.memory_space<vmem>> -> memref<1x8x64xf32, #tpu.memory_space<vmem>>
      %dma_start3A_599 = tpu.memref_squeeze %dma_start3A_598 : memref<1x8x64xf32, #tpu.memory_space<vmem>> -> memref<8x64xf32, #tpu.memory_space<vmem>>
      %dma_start3A_600 = arith.constant 0 : i32
      %dma_start3A_601 = tpu.memref_slice %arg5[%multiple_of3A_588, %dma_start3A_600] : memref<1000000x64xf32, #tpu.memory_space<hbm>> -> memref<8x64xf32, #tpu.memory_space<hbm>>
      %dma_start3A_602 = arith.constant 0 : i32
      %dma_start3A_603 = arith.constant 0 : i32
      %dma_start3A_604 = tpu.memref_slice %arg12[%dma_start3A_595, %dma_start3A_602, %dma_start3A_603] : memref<16x8x64xf32, #tpu.memory_space<vmem>> -> memref<1x8x64xf32, #tpu.memory_space<vmem>>
      %dma_start3A_605 = tpu.memref_squeeze %dma_start3A_604 : memref<1x8x64xf32, #tpu.memory_space<vmem>> -> memref<8x64xf32, #tpu.memory_space<vmem>>
      %dma_start3A_606 = arith.constant 0 : i32
      %dma_start3A_607 = tpu.memref_slice %arg5[%multiple_of3A_588, %dma_start3A_606] : memref<1000000x64xf32, #tpu.memory_space<hbm>> -> memref<8x64xf32, #tpu.memory_space<hbm>>
      tpu.enqueue_dma source(%dma_start3A_607 : memref<8x64xf32, #tpu.memory_space<hbm>>) target(%dma_start3A_605 : memref<8x64xf32, #tpu.memory_space<vmem>>) target_semaphore(%arg18 : memref<!tpu.dma_semaphore, #tpu.memory_space<semaphore_mem>>)
      %dma_start3A_608 = arith.constant 9 : i32
      %dma_start3A_609 = arith.constant 0 : i32
      %dma_start3A_610 = arith.constant 0 : i32
      %dma_start3A_611 = tpu.memref_slice %arg13[%dma_start3A_608, %dma_start3A_609, %dma_start3A_610] : memref<16x8x64xf32, #tpu.memory_space<vmem>> -> memref<1x8x64xf32, #tpu.memory_space<vmem>>
      %dma_start3A_612 = tpu.memref_squeeze %dma_start3A_611 : memref<1x8x64xf32, #tpu.memory_space<vmem>> -> memref<8x64xf32, #tpu.memory_space<vmem>>
      %dma_start3A_613 = arith.constant 0 : i32
      %dma_start3A_614 = tpu.memref_slice %arg6[%multiple_of3A_591, %dma_start3A_613] : memref<1000000x64xf32, #tpu.memory_space<hbm>> -> memref<8x64xf32, #tpu.memory_space<hbm>>
      %dma_start3A_615 = arith.constant 0 : i32
      %dma_start3A_616 = arith.constant 0 : i32
      %dma_start3A_617 = tpu.memref_slice %arg13[%dma_start3A_608, %dma_start3A_615, %dma_start3A_616] : memref<16x8x64xf32, #tpu.memory_space<vmem>> -> memref<1x8x64xf32, #tpu.memory_space<vmem>>
      %dma_start3A_618 = tpu.memref_squeeze %dma_start3A_617 : memref<1x8x64xf32, #tpu.memory_space<vmem>> -> memref<8x64xf32, #tpu.memory_space<vmem>>
      %dma_start3A_619 = arith.constant 0 : i32
      %dma_start3A_620 = tpu.memref_slice %arg6[%multiple_of3A_591, %dma_start3A_619] : memref<1000000x64xf32, #tpu.memory_space<hbm>> -> memref<8x64xf32, #tpu.memory_space<hbm>>
      tpu.enqueue_dma source(%dma_start3A_620 : memref<8x64xf32, #tpu.memory_space<hbm>>) target(%dma_start3A_618 : memref<8x64xf32, #tpu.memory_space<vmem>>) target_semaphore(%arg18 : memref<!tpu.dma_semaphore, #tpu.memory_space<semaphore_mem>>)
      %dma_start3A_621 = arith.constant 9 : i32
      %dma_start3A_622 = arith.constant 0 : i32
      %dma_start3A_623 = arith.constant 0 : i32
      %dma_start3A_624 = tpu.memref_slice %arg14[%dma_start3A_621, %dma_start3A_622, %dma_start3A_623] : memref<16x8x64xf32, #tpu.memory_space<vmem>> -> memref<1x8x64xf32, #tpu.memory_space<vmem>>
      %dma_start3A_625 = tpu.memref_squeeze %dma_start3A_624 : memref<1x8x64xf32, #tpu.memory_space<vmem>> -> memref<8x64xf32, #tpu.memory_space<vmem>>
      %dma_start3A_626 = arith.constant 0 : i32
      %dma_start3A_627 = tpu.memref_slice %arg5[%multiple_of3A_594, %dma_start3A_626] : memref<1000000x64xf32, #tpu.memory_space<hbm>> -> memref<8x64xf32, #tpu.memory_space<hbm>>
      %dma_start3A_628 = arith.constant 0 : i32
      %dma_start3A_629 = arith.constant 0 : i32
      %dma_start3A_630 = tpu.memref_slice %arg14[%dma_start3A_621, %dma_start3A_628, %dma_start3A_629] : memref<16x8x64xf32, #tpu.memory_space<vmem>> -> memref<1x8x64xf32, #tpu.memory_space<vmem>>
      %dma_start3A_631 = tpu.memref_squeeze %dma_start3A_630 : memref<1x8x64xf32, #tpu.memory_space<vmem>> -> memref<8x64xf32, #tpu.memory_space<vmem>>
      %dma_start3A_632 = arith.constant 0 : i32
      %dma_start3A_633 = tpu.memref_slice %arg5[%multiple_of3A_594, %dma_start3A_632] : memref<1000000x64xf32, #tpu.memory_space<hbm>> -> memref<8x64xf32, #tpu.memory_space<hbm>>
      tpu.enqueue_dma source(%dma_start3A_633 : memref<8x64xf32, #tpu.memory_space<hbm>>) target(%dma_start3A_631 : memref<8x64xf32, #tpu.memory_space<vmem>>) target_semaphore(%arg18 : memref<!tpu.dma_semaphore, #tpu.memory_space<semaphore_mem>>)
      %dma_start3A_634 = arith.constant 9 : i32
      %dma_start3A_635 = arith.constant 0 : i32
      %dma_start3A_636 = arith.constant 0 : i32
      %dma_start3A_637 = tpu.memref_slice %arg15[%dma_start3A_634, %dma_start3A_635, %dma_start3A_636] : memref<16x8x64xf32, #tpu.memory_space<vmem>> -> memref<1x8x64xf32, #tpu.memory_space<vmem>>
      %dma_start3A_638 = tpu.memref_squeeze %dma_start3A_637 : memref<1x8x64xf32, #tpu.memory_space<vmem>> -> memref<8x64xf32, #tpu.memory_space<vmem>>
      %dma_start3A_639 = arith.constant 0 : i32
      %dma_start3A_640 = tpu.memref_slice %arg7[%multiple_of3A_591, %dma_start3A_639] : memref<1000000x64xf32, #tpu.memory_space<hbm>> -> memref<8x64xf32, #tpu.memory_space<hbm>>
      %dma_start3A_641 = arith.constant 0 : i32
      %dma_start3A_642 = arith.constant 0 : i32
      %dma_start3A_643 = tpu.memref_slice %arg15[%dma_start3A_634, %dma_start3A_641, %dma_start3A_642] : memref<16x8x64xf32, #tpu.memory_space<vmem>> -> memref<1x8x64xf32, #tpu.memory_space<vmem>>
      %dma_start3A_644 = tpu.memref_squeeze %dma_start3A_643 : memref<1x8x64xf32, #tpu.memory_space<vmem>> -> memref<8x64xf32, #tpu.memory_space<vmem>>
      %dma_start3A_645 = arith.constant 0 : i32
      %dma_start3A_646 = tpu.memref_slice %arg7[%multiple_of3A_591, %dma_start3A_645] : memref<1000000x64xf32, #tpu.memory_space<hbm>> -> memref<8x64xf32, #tpu.memory_space<hbm>>
      tpu.enqueue_dma source(%dma_start3A_646 : memref<8x64xf32, #tpu.memory_space<hbm>>) target(%dma_start3A_644 : memref<8x64xf32, #tpu.memory_space<vmem>>) target_semaphore(%arg18 : memref<!tpu.dma_semaphore, #tpu.memory_space<semaphore_mem>>)
      %slice3A_647 = vector.extract_strided_slice %mul3A_20 {offsets = [10], sizes = [1], strides = [1]} : vector<16xi32> to vector<1xi32>
      %squeeze3A_648 = vector.extract %slice3A_647[0] : i32 from vector<1xi32>
      %multiple_of3A_649 = tpu.assume_multiple %squeeze3A_648, 8 : i32
      %slice3A_650 = vector.extract_strided_slice %mul3A_26 {offsets = [10], sizes = [1], strides = [1]} : vector<16xi32> to vector<1xi32>
      %squeeze3A_651 = vector.extract %slice3A_650[0] : i32 from vector<1xi32>
      %multiple_of3A_652 = tpu.assume_multiple %squeeze3A_651, 8 : i32
      %slice3A_653 = vector.extract_strided_slice %mul3A_32 {offsets = [10], sizes = [1], strides = [1]} : vector<16xi32> to vector<1xi32>
      %squeeze3A_654 = vector.extract %slice3A_653[0] : i32 from vector<1xi32>
      %multiple_of3A_655 = tpu.assume_multiple %squeeze3A_654, 8 : i32
      %dma_start3A_656 = arith.constant 10 : i32
      %dma_start3A_657 = arith.constant 0 : i32
      %dma_start3A_658 = arith.constant 0 : i32
      %dma_start3A_659 = tpu.memref_slice %arg12[%dma_start3A_656, %dma_start3A_657, %dma_start3A_658] : memref<16x8x64xf32, #tpu.memory_space<vmem>> -> memref<1x8x64xf32, #tpu.memory_space<vmem>>
      %dma_start3A_660 = tpu.memref_squeeze %dma_start3A_659 : memref<1x8x64xf32, #tpu.memory_space<vmem>> -> memref<8x64xf32, #tpu.memory_space<vmem>>
      %dma_start3A_661 = arith.constant 0 : i32
      %dma_start3A_662 = tpu.memref_slice %arg5[%multiple_of3A_649, %dma_start3A_661] : memref<1000000x64xf32, #tpu.memory_space<hbm>> -> memref<8x64xf32, #tpu.memory_space<hbm>>
      %dma_start3A_663 = arith.constant 0 : i32
      %dma_start3A_664 = arith.constant 0 : i32
      %dma_start3A_665 = tpu.memref_slice %arg12[%dma_start3A_656, %dma_start3A_663, %dma_start3A_664] : memref<16x8x64xf32, #tpu.memory_space<vmem>> -> memref<1x8x64xf32, #tpu.memory_space<vmem>>
      %dma_start3A_666 = tpu.memref_squeeze %dma_start3A_665 : memref<1x8x64xf32, #tpu.memory_space<vmem>> -> memref<8x64xf32, #tpu.memory_space<vmem>>
      %dma_start3A_667 = arith.constant 0 : i32
      %dma_start3A_668 = tpu.memref_slice %arg5[%multiple_of3A_649, %dma_start3A_667] : memref<1000000x64xf32, #tpu.memory_space<hbm>> -> memref<8x64xf32, #tpu.memory_space<hbm>>
      tpu.enqueue_dma source(%dma_start3A_668 : memref<8x64xf32, #tpu.memory_space<hbm>>) target(%dma_start3A_666 : memref<8x64xf32, #tpu.memory_space<vmem>>) target_semaphore(%arg18 : memref<!tpu.dma_semaphore, #tpu.memory_space<semaphore_mem>>)
      %dma_start3A_669 = arith.constant 10 : i32
      %dma_start3A_670 = arith.constant 0 : i32
      %dma_start3A_671 = arith.constant 0 : i32
      %dma_start3A_672 = tpu.memref_slice %arg13[%dma_start3A_669, %dma_start3A_670, %dma_start3A_671] : memref<16x8x64xf32, #tpu.memory_space<vmem>> -> memref<1x8x64xf32, #tpu.memory_space<vmem>>
      %dma_start3A_673 = tpu.memref_squeeze %dma_start3A_672 : memref<1x8x64xf32, #tpu.memory_space<vmem>> -> memref<8x64xf32, #tpu.memory_space<vmem>>
      %dma_start3A_674 = arith.constant 0 : i32
      %dma_start3A_675 = tpu.memref_slice %arg6[%multiple_of3A_652, %dma_start3A_674] : memref<1000000x64xf32, #tpu.memory_space<hbm>> -> memref<8x64xf32, #tpu.memory_space<hbm>>
      %dma_start3A_676 = arith.constant 0 : i32
      %dma_start3A_677 = arith.constant 0 : i32
      %dma_start3A_678 = tpu.memref_slice %arg13[%dma_start3A_669, %dma_start3A_676, %dma_start3A_677] : memref<16x8x64xf32, #tpu.memory_space<vmem>> -> memref<1x8x64xf32, #tpu.memory_space<vmem>>
      %dma_start3A_679 = tpu.memref_squeeze %dma_start3A_678 : memref<1x8x64xf32, #tpu.memory_space<vmem>> -> memref<8x64xf32, #tpu.memory_space<vmem>>
      %dma_start3A_680 = arith.constant 0 : i32
      %dma_start3A_681 = tpu.memref_slice %arg6[%multiple_of3A_652, %dma_start3A_680] : memref<1000000x64xf32, #tpu.memory_space<hbm>> -> memref<8x64xf32, #tpu.memory_space<hbm>>
      tpu.enqueue_dma source(%dma_start3A_681 : memref<8x64xf32, #tpu.memory_space<hbm>>) target(%dma_start3A_679 : memref<8x64xf32, #tpu.memory_space<vmem>>) target_semaphore(%arg18 : memref<!tpu.dma_semaphore, #tpu.memory_space<semaphore_mem>>)
      %dma_start3A_682 = arith.constant 10 : i32
      %dma_start3A_683 = arith.constant 0 : i32
      %dma_start3A_684 = arith.constant 0 : i32
      %dma_start3A_685 = tpu.memref_slice %arg14[%dma_start3A_682, %dma_start3A_683, %dma_start3A_684] : memref<16x8x64xf32, #tpu.memory_space<vmem>> -> memref<1x8x64xf32, #tpu.memory_space<vmem>>
      %dma_start3A_686 = tpu.memref_squeeze %dma_start3A_685 : memref<1x8x64xf32, #tpu.memory_space<vmem>> -> memref<8x64xf32, #tpu.memory_space<vmem>>
      %dma_start3A_687 = arith.constant 0 : i32
      %dma_start3A_688 = tpu.memref_slice %arg5[%multiple_of3A_655, %dma_start3A_687] : memref<1000000x64xf32, #tpu.memory_space<hbm>> -> memref<8x64xf32, #tpu.memory_space<hbm>>
      %dma_start3A_689 = arith.constant 0 : i32
      %dma_start3A_690 = arith.constant 0 : i32
      %dma_start3A_691 = tpu.memref_slice %arg14[%dma_start3A_682, %dma_start3A_689, %dma_start3A_690] : memref<16x8x64xf32, #tpu.memory_space<vmem>> -> memref<1x8x64xf32, #tpu.memory_space<vmem>>
      %dma_start3A_692 = tpu.memref_squeeze %dma_start3A_691 : memref<1x8x64xf32, #tpu.memory_space<vmem>> -> memref<8x64xf32, #tpu.memory_space<vmem>>
      %dma_start3A_693 = arith.constant 0 : i32
      %dma_start3A_694 = tpu.memref_slice %arg5[%multiple_of3A_655, %dma_start3A_693] : memref<1000000x64xf32, #tpu.memory_space<hbm>> -> memref<8x64xf32, #tpu.memory_space<hbm>>
      tpu.enqueue_dma source(%dma_start3A_694 : memref<8x64xf32, #tpu.memory_space<hbm>>) target(%dma_start3A_692 : memref<8x64xf32, #tpu.memory_space<vmem>>) target_semaphore(%arg18 : memref<!tpu.dma_semaphore, #tpu.memory_space<semaphore_mem>>)
      %dma_start3A_695 = arith.constant 10 : i32
      %dma_start3A_696 = arith.constant 0 : i32
      %dma_start3A_697 = arith.constant 0 : i32
      %dma_start3A_698 = tpu.memref_slice %arg15[%dma_start3A_695, %dma_start3A_696, %dma_start3A_697] : memref<16x8x64xf32, #tpu.memory_space<vmem>> -> memref<1x8x64xf32, #tpu.memory_space<vmem>>
      %dma_start3A_699 = tpu.memref_squeeze %dma_start3A_698 : memref<1x8x64xf32, #tpu.memory_space<vmem>> -> memref<8x64xf32, #tpu.memory_space<vmem>>
      %dma_start3A_700 = arith.constant 0 : i32
      %dma_start3A_701 = tpu.memref_slice %arg7[%multiple_of3A_652, %dma_start3A_700] : memref<1000000x64xf32, #tpu.memory_space<hbm>> -> memref<8x64xf32, #tpu.memory_space<hbm>>
      %dma_start3A_702 = arith.constant 0 : i32
      %dma_start3A_703 = arith.constant 0 : i32
      %dma_start3A_704 = tpu.memref_slice %arg15[%dma_start3A_695, %dma_start3A_702, %dma_start3A_703] : memref<16x8x64xf32, #tpu.memory_space<vmem>> -> memref<1x8x64xf32, #tpu.memory_space<vmem>>
      %dma_start3A_705 = tpu.memref_squeeze %dma_start3A_704 : memref<1x8x64xf32, #tpu.memory_space<vmem>> -> memref<8x64xf32, #tpu.memory_space<vmem>>
      %dma_start3A_706 = arith.constant 0 : i32
      %dma_start3A_707 = tpu.memref_slice %arg7[%multiple_of3A_652, %dma_start3A_706] : memref<1000000x64xf32, #tpu.memory_space<hbm>> -> memref<8x64xf32, #tpu.memory_space<hbm>>
      tpu.enqueue_dma source(%dma_start3A_707 : memref<8x64xf32, #tpu.memory_space<hbm>>) target(%dma_start3A_705 : memref<8x64xf32, #tpu.memory_space<vmem>>) target_semaphore(%arg18 : memref<!tpu.dma_semaphore, #tpu.memory_space<semaphore_mem>>)
      %slice3A_708 = vector.extract_strided_slice %mul3A_20 {offsets = [11], sizes = [1], strides = [1]} : vector<16xi32> to vector<1xi32>
      %squeeze3A_709 = vector.extract %slice3A_708[0] : i32 from vector<1xi32>
      %multiple_of3A_710 = tpu.assume_multiple %squeeze3A_709, 8 : i32
      %slice3A_711 = vector.extract_strided_slice %mul3A_26 {offsets = [11], sizes = [1], strides = [1]} : vector<16xi32> to vector<1xi32>
      %squeeze3A_712 = vector.extract %slice3A_711[0] : i32 from vector<1xi32>
      %multiple_of3A_713 = tpu.assume_multiple %squeeze3A_712, 8 : i32
      %slice3A_714 = vector.extract_strided_slice %mul3A_32 {offsets = [11], sizes = [1], strides = [1]} : vector<16xi32> to vector<1xi32>
      %squeeze3A_715 = vector.extract %slice3A_714[0] : i32 from vector<1xi32>
      %multiple_of3A_716 = tpu.assume_multiple %squeeze3A_715, 8 : i32
      %dma_start3A_717 = arith.constant 11 : i32
      %dma_start3A_718 = arith.constant 0 : i32
      %dma_start3A_719 = arith.constant 0 : i32
      %dma_start3A_720 = tpu.memref_slice %arg12[%dma_start3A_717, %dma_start3A_718, %dma_start3A_719] : memref<16x8x64xf32, #tpu.memory_space<vmem>> -> memref<1x8x64xf32, #tpu.memory_space<vmem>>
      %dma_start3A_721 = tpu.memref_squeeze %dma_start3A_720 : memref<1x8x64xf32, #tpu.memory_space<vmem>> -> memref<8x64xf32, #tpu.memory_space<vmem>>
      %dma_start3A_722 = arith.constant 0 : i32
      %dma_start3A_723 = tpu.memref_slice %arg5[%multiple_of3A_710, %dma_start3A_722] : memref<1000000x64xf32, #tpu.memory_space<hbm>> -> memref<8x64xf32, #tpu.memory_space<hbm>>
      %dma_start3A_724 = arith.constant 0 : i32
      %dma_start3A_725 = arith.constant 0 : i32
      %dma_start3A_726 = tpu.memref_slice %arg12[%dma_start3A_717, %dma_start3A_724, %dma_start3A_725] : memref<16x8x64xf32, #tpu.memory_space<vmem>> -> memref<1x8x64xf32, #tpu.memory_space<vmem>>
      %dma_start3A_727 = tpu.memref_squeeze %dma_start3A_726 : memref<1x8x64xf32, #tpu.memory_space<vmem>> -> memref<8x64xf32, #tpu.memory_space<vmem>>
      %dma_start3A_728 = arith.constant 0 : i32
      %dma_start3A_729 = tpu.memref_slice %arg5[%multiple_of3A_710, %dma_start3A_728] : memref<1000000x64xf32, #tpu.memory_space<hbm>> -> memref<8x64xf32, #tpu.memory_space<hbm>>
      tpu.enqueue_dma source(%dma_start3A_729 : memref<8x64xf32, #tpu.memory_space<hbm>>) target(%dma_start3A_727 : memref<8x64xf32, #tpu.memory_space<vmem>>) target_semaphore(%arg18 : memref<!tpu.dma_semaphore, #tpu.memory_space<semaphore_mem>>)
      %dma_start3A_730 = arith.constant 11 : i32
      %dma_start3A_731 = arith.constant 0 : i32
      %dma_start3A_732 = arith.constant 0 : i32
      %dma_start3A_733 = tpu.memref_slice %arg13[%dma_start3A_730, %dma_start3A_731, %dma_start3A_732] : memref<16x8x64xf32, #tpu.memory_space<vmem>> -> memref<1x8x64xf32, #tpu.memory_space<vmem>>
      %dma_start3A_734 = tpu.memref_squeeze %dma_start3A_733 : memref<1x8x64xf32, #tpu.memory_space<vmem>> -> memref<8x64xf32, #tpu.memory_space<vmem>>
      %dma_start3A_735 = arith.constant 0 : i32
      %dma_start3A_736 = tpu.memref_slice %arg6[%multiple_of3A_713, %dma_start3A_735] : memref<1000000x64xf32, #tpu.memory_space<hbm>> -> memref<8x64xf32, #tpu.memory_space<hbm>>
      %dma_start3A_737 = arith.constant 0 : i32
      %dma_start3A_738 = arith.constant 0 : i32
      %dma_start3A_739 = tpu.memref_slice %arg13[%dma_start3A_730, %dma_start3A_737, %dma_start3A_738] : memref<16x8x64xf32, #tpu.memory_space<vmem>> -> memref<1x8x64xf32, #tpu.memory_space<vmem>>
      %dma_start3A_740 = tpu.memref_squeeze %dma_start3A_739 : memref<1x8x64xf32, #tpu.memory_space<vmem>> -> memref<8x64xf32, #tpu.memory_space<vmem>>
      %dma_start3A_741 = arith.constant 0 : i32
      %dma_start3A_742 = tpu.memref_slice %arg6[%multiple_of3A_713, %dma_start3A_741] : memref<1000000x64xf32, #tpu.memory_space<hbm>> -> memref<8x64xf32, #tpu.memory_space<hbm>>
      tpu.enqueue_dma source(%dma_start3A_742 : memref<8x64xf32, #tpu.memory_space<hbm>>) target(%dma_start3A_740 : memref<8x64xf32, #tpu.memory_space<vmem>>) target_semaphore(%arg18 : memref<!tpu.dma_semaphore, #tpu.memory_space<semaphore_mem>>)
      %dma_start3A_743 = arith.constant 11 : i32
      %dma_start3A_744 = arith.constant 0 : i32
      %dma_start3A_745 = arith.constant 0 : i32
      %dma_start3A_746 = tpu.memref_slice %arg14[%dma_start3A_743, %dma_start3A_744, %dma_start3A_745] : memref<16x8x64xf32, #tpu.memory_space<vmem>> -> memref<1x8x64xf32, #tpu.memory_space<vmem>>
      %dma_start3A_747 = tpu.memref_squeeze %dma_start3A_746 : memref<1x8x64xf32, #tpu.memory_space<vmem>> -> memref<8x64xf32, #tpu.memory_space<vmem>>
      %dma_start3A_748 = arith.constant 0 : i32
      %dma_start3A_749 = tpu.memref_slice %arg5[%multiple_of3A_716, %dma_start3A_748] : memref<1000000x64xf32, #tpu.memory_space<hbm>> -> memref<8x64xf32, #tpu.memory_space<hbm>>
      %dma_start3A_750 = arith.constant 0 : i32
      %dma_start3A_751 = arith.constant 0 : i32
      %dma_start3A_752 = tpu.memref_slice %arg14[%dma_start3A_743, %dma_start3A_750, %dma_start3A_751] : memref<16x8x64xf32, #tpu.memory_space<vmem>> -> memref<1x8x64xf32, #tpu.memory_space<vmem>>
      %dma_start3A_753 = tpu.memref_squeeze %dma_start3A_752 : memref<1x8x64xf32, #tpu.memory_space<vmem>> -> memref<8x64xf32, #tpu.memory_space<vmem>>
      %dma_start3A_754 = arith.constant 0 : i32
      %dma_start3A_755 = tpu.memref_slice %arg5[%multiple_of3A_716, %dma_start3A_754] : memref<1000000x64xf32, #tpu.memory_space<hbm>> -> memref<8x64xf32, #tpu.memory_space<hbm>>
      tpu.enqueue_dma source(%dma_start3A_755 : memref<8x64xf32, #tpu.memory_space<hbm>>) target(%dma_start3A_753 : memref<8x64xf32, #tpu.memory_space<vmem>>) target_semaphore(%arg18 : memref<!tpu.dma_semaphore, #tpu.memory_space<semaphore_mem>>)
      %dma_start3A_756 = arith.constant 11 : i32
      %dma_start3A_757 = arith.constant 0 : i32
      %dma_start3A_758 = arith.constant 0 : i32
      %dma_start3A_759 = tpu.memref_slice %arg15[%dma_start3A_756, %dma_start3A_757, %dma_start3A_758] : memref<16x8x64xf32, #tpu.memory_space<vmem>> -> memref<1x8x64xf32, #tpu.memory_space<vmem>>
      %dma_start3A_760 = tpu.memref_squeeze %dma_start3A_759 : memref<1x8x64xf32, #tpu.memory_space<vmem>> -> memref<8x64xf32, #tpu.memory_space<vmem>>
      %dma_start3A_761 = arith.constant 0 : i32
      %dma_start3A_762 = tpu.memref_slice %arg7[%multiple_of3A_713, %dma_start3A_761] : memref<1000000x64xf32, #tpu.memory_space<hbm>> -> memref<8x64xf32, #tpu.memory_space<hbm>>
      %dma_start3A_763 = arith.constant 0 : i32
      %dma_start3A_764 = arith.constant 0 : i32
      %dma_start3A_765 = tpu.memref_slice %arg15[%dma_start3A_756, %dma_start3A_763, %dma_start3A_764] : memref<16x8x64xf32, #tpu.memory_space<vmem>> -> memref<1x8x64xf32, #tpu.memory_space<vmem>>
      %dma_start3A_766 = tpu.memref_squeeze %dma_start3A_765 : memref<1x8x64xf32, #tpu.memory_space<vmem>> -> memref<8x64xf32, #tpu.memory_space<vmem>>
      %dma_start3A_767 = arith.constant 0 : i32
      %dma_start3A_768 = tpu.memref_slice %arg7[%multiple_of3A_713, %dma_start3A_767] : memref<1000000x64xf32, #tpu.memory_space<hbm>> -> memref<8x64xf32, #tpu.memory_space<hbm>>
      tpu.enqueue_dma source(%dma_start3A_768 : memref<8x64xf32, #tpu.memory_space<hbm>>) target(%dma_start3A_766 : memref<8x64xf32, #tpu.memory_space<vmem>>) target_semaphore(%arg18 : memref<!tpu.dma_semaphore, #tpu.memory_space<semaphore_mem>>)
      %slice3A_769 = vector.extract_strided_slice %mul3A_20 {offsets = [12], sizes = [1], strides = [1]} : vector<16xi32> to vector<1xi32>
      %squeeze3A_770 = vector.extract %slice3A_769[0] : i32 from vector<1xi32>
      %multiple_of3A_771 = tpu.assume_multiple %squeeze3A_770, 8 : i32
      %slice3A_772 = vector.extract_strided_slice %mul3A_26 {offsets = [12], sizes = [1], strides = [1]} : vector<16xi32> to vector<1xi32>
      %squeeze3A_773 = vector.extract %slice3A_772[0] : i32 from vector<1xi32>
      %multiple_of3A_774 = tpu.assume_multiple %squeeze3A_773, 8 : i32
      %slice3A_775 = vector.extract_strided_slice %mul3A_32 {offsets = [12], sizes = [1], strides = [1]} : vector<16xi32> to vector<1xi32>
      %squeeze3A_776 = vector.extract %slice3A_775[0] : i32 from vector<1xi32>
      %multiple_of3A_777 = tpu.assume_multiple %squeeze3A_776, 8 : i32
      %dma_start3A_778 = arith.constant 12 : i32
      %dma_start3A_779 = arith.constant 0 : i32
      %dma_start3A_780 = arith.constant 0 : i32
      %dma_start3A_781 = tpu.memref_slice %arg12[%dma_start3A_778, %dma_start3A_779, %dma_start3A_780] : memref<16x8x64xf32, #tpu.memory_space<vmem>> -> memref<1x8x64xf32, #tpu.memory_space<vmem>>
      %dma_start3A_782 = tpu.memref_squeeze %dma_start3A_781 : memref<1x8x64xf32, #tpu.memory_space<vmem>> -> memref<8x64xf32, #tpu.memory_space<vmem>>
      %dma_start3A_783 = arith.constant 0 : i32
      %dma_start3A_784 = tpu.memref_slice %arg5[%multiple_of3A_771, %dma_start3A_783] : memref<1000000x64xf32, #tpu.memory_space<hbm>> -> memref<8x64xf32, #tpu.memory_space<hbm>>
      %dma_start3A_785 = arith.constant 0 : i32
      %dma_start3A_786 = arith.constant 0 : i32
      %dma_start3A_787 = tpu.memref_slice %arg12[%dma_start3A_778, %dma_start3A_785, %dma_start3A_786] : memref<16x8x64xf32, #tpu.memory_space<vmem>> -> memref<1x8x64xf32, #tpu.memory_space<vmem>>
      %dma_start3A_788 = tpu.memref_squeeze %dma_start3A_787 : memref<1x8x64xf32, #tpu.memory_space<vmem>> -> memref<8x64xf32, #tpu.memory_space<vmem>>
      %dma_start3A_789 = arith.constant 0 : i32
      %dma_start3A_790 = tpu.memref_slice %arg5[%multiple_of3A_771, %dma_start3A_789] : memref<1000000x64xf32, #tpu.memory_space<hbm>> -> memref<8x64xf32, #tpu.memory_space<hbm>>
      tpu.enqueue_dma source(%dma_start3A_790 : memref<8x64xf32, #tpu.memory_space<hbm>>) target(%dma_start3A_788 : memref<8x64xf32, #tpu.memory_space<vmem>>) target_semaphore(%arg18 : memref<!tpu.dma_semaphore, #tpu.memory_space<semaphore_mem>>)
      %dma_start3A_791 = arith.constant 12 : i32
      %dma_start3A_792 = arith.constant 0 : i32
      %dma_start3A_793 = arith.constant 0 : i32
      %dma_start3A_794 = tpu.memref_slice %arg13[%dma_start3A_791, %dma_start3A_792, %dma_start3A_793] : memref<16x8x64xf32, #tpu.memory_space<vmem>> -> memref<1x8x64xf32, #tpu.memory_space<vmem>>
      %dma_start3A_795 = tpu.memref_squeeze %dma_start3A_794 : memref<1x8x64xf32, #tpu.memory_space<vmem>> -> memref<8x64xf32, #tpu.memory_space<vmem>>
      %dma_start3A_796 = arith.constant 0 : i32
      %dma_start3A_797 = tpu.memref_slice %arg6[%multiple_of3A_774, %dma_start3A_796] : memref<1000000x64xf32, #tpu.memory_space<hbm>> -> memref<8x64xf32, #tpu.memory_space<hbm>>
      %dma_start3A_798 = arith.constant 0 : i32
      %dma_start3A_799 = arith.constant 0 : i32
      %dma_start3A_800 = tpu.memref_slice %arg13[%dma_start3A_791, %dma_start3A_798, %dma_start3A_799] : memref<16x8x64xf32, #tpu.memory_space<vmem>> -> memref<1x8x64xf32, #tpu.memory_space<vmem>>
      %dma_start3A_801 = tpu.memref_squeeze %dma_start3A_800 : memref<1x8x64xf32, #tpu.memory_space<vmem>> -> memref<8x64xf32, #tpu.memory_space<vmem>>
      %dma_start3A_802 = arith.constant 0 : i32
      %dma_start3A_803 = tpu.memref_slice %arg6[%multiple_of3A_774, %dma_start3A_802] : memref<1000000x64xf32, #tpu.memory_space<hbm>> -> memref<8x64xf32, #tpu.memory_space<hbm>>
      tpu.enqueue_dma source(%dma_start3A_803 : memref<8x64xf32, #tpu.memory_space<hbm>>) target(%dma_start3A_801 : memref<8x64xf32, #tpu.memory_space<vmem>>) target_semaphore(%arg18 : memref<!tpu.dma_semaphore, #tpu.memory_space<semaphore_mem>>)
      %dma_start3A_804 = arith.constant 12 : i32
      %dma_start3A_805 = arith.constant 0 : i32
      %dma_start3A_806 = arith.constant 0 : i32
      %dma_start3A_807 = tpu.memref_slice %arg14[%dma_start3A_804, %dma_start3A_805, %dma_start3A_806] : memref<16x8x64xf32, #tpu.memory_space<vmem>> -> memref<1x8x64xf32, #tpu.memory_space<vmem>>
      %dma_start3A_808 = tpu.memref_squeeze %dma_start3A_807 : memref<1x8x64xf32, #tpu.memory_space<vmem>> -> memref<8x64xf32, #tpu.memory_space<vmem>>
      %dma_start3A_809 = arith.constant 0 : i32
      %dma_start3A_810 = tpu.memref_slice %arg5[%multiple_of3A_777, %dma_start3A_809] : memref<1000000x64xf32, #tpu.memory_space<hbm>> -> memref<8x64xf32, #tpu.memory_space<hbm>>
      %dma_start3A_811 = arith.constant 0 : i32
      %dma_start3A_812 = arith.constant 0 : i32
      %dma_start3A_813 = tpu.memref_slice %arg14[%dma_start3A_804, %dma_start3A_811, %dma_start3A_812] : memref<16x8x64xf32, #tpu.memory_space<vmem>> -> memref<1x8x64xf32, #tpu.memory_space<vmem>>
      %dma_start3A_814 = tpu.memref_squeeze %dma_start3A_813 : memref<1x8x64xf32, #tpu.memory_space<vmem>> -> memref<8x64xf32, #tpu.memory_space<vmem>>
      %dma_start3A_815 = arith.constant 0 : i32
      %dma_start3A_816 = tpu.memref_slice %arg5[%multiple_of3A_777, %dma_start3A_815] : memref<1000000x64xf32, #tpu.memory_space<hbm>> -> memref<8x64xf32, #tpu.memory_space<hbm>>
      tpu.enqueue_dma source(%dma_start3A_816 : memref<8x64xf32, #tpu.memory_space<hbm>>) target(%dma_start3A_814 : memref<8x64xf32, #tpu.memory_space<vmem>>) target_semaphore(%arg18 : memref<!tpu.dma_semaphore, #tpu.memory_space<semaphore_mem>>)
      %dma_start3A_817 = arith.constant 12 : i32
      %dma_start3A_818 = arith.constant 0 : i32
      %dma_start3A_819 = arith.constant 0 : i32
      %dma_start3A_820 = tpu.memref_slice %arg15[%dma_start3A_817, %dma_start3A_818, %dma_start3A_819] : memref<16x8x64xf32, #tpu.memory_space<vmem>> -> memref<1x8x64xf32, #tpu.memory_space<vmem>>
      %dma_start3A_821 = tpu.memref_squeeze %dma_start3A_820 : memref<1x8x64xf32, #tpu.memory_space<vmem>> -> memref<8x64xf32, #tpu.memory_space<vmem>>
      %dma_start3A_822 = arith.constant 0 : i32
      %dma_start3A_823 = tpu.memref_slice %arg7[%multiple_of3A_774, %dma_start3A_822] : memref<1000000x64xf32, #tpu.memory_space<hbm>> -> memref<8x64xf32, #tpu.memory_space<hbm>>
      %dma_start3A_824 = arith.constant 0 : i32
      %dma_start3A_825 = arith.constant 0 : i32
      %dma_start3A_826 = tpu.memref_slice %arg15[%dma_start3A_817, %dma_start3A_824, %dma_start3A_825] : memref<16x8x64xf32, #tpu.memory_space<vmem>> -> memref<1x8x64xf32, #tpu.memory_space<vmem>>
      %dma_start3A_827 = tpu.memref_squeeze %dma_start3A_826 : memref<1x8x64xf32, #tpu.memory_space<vmem>> -> memref<8x64xf32, #tpu.memory_space<vmem>>
      %dma_start3A_828 = arith.constant 0 : i32
      %dma_start3A_829 = tpu.memref_slice %arg7[%multiple_of3A_774, %dma_start3A_828] : memref<1000000x64xf32, #tpu.memory_space<hbm>> -> memref<8x64xf32, #tpu.memory_space<hbm>>
      tpu.enqueue_dma source(%dma_start3A_829 : memref<8x64xf32, #tpu.memory_space<hbm>>) target(%dma_start3A_827 : memref<8x64xf32, #tpu.memory_space<vmem>>) target_semaphore(%arg18 : memref<!tpu.dma_semaphore, #tpu.memory_space<semaphore_mem>>)
      %slice3A_830 = vector.extract_strided_slice %mul3A_20 {offsets = [13], sizes = [1], strides = [1]} : vector<16xi32> to vector<1xi32>
      %squeeze3A_831 = vector.extract %slice3A_830[0] : i32 from vector<1xi32>
      %multiple_of3A_832 = tpu.assume_multiple %squeeze3A_831, 8 : i32
      %slice3A_833 = vector.extract_strided_slice %mul3A_26 {offsets = [13], sizes = [1], strides = [1]} : vector<16xi32> to vector<1xi32>
      %squeeze3A_834 = vector.extract %slice3A_833[0] : i32 from vector<1xi32>
      %multiple_of3A_835 = tpu.assume_multiple %squeeze3A_834, 8 : i32
      %slice3A_836 = vector.extract_strided_slice %mul3A_32 {offsets = [13], sizes = [1], strides = [1]} : vector<16xi32> to vector<1xi32>
      %squeeze3A_837 = vector.extract %slice3A_836[0] : i32 from vector<1xi32>
      %multiple_of3A_838 = tpu.assume_multiple %squeeze3A_837, 8 : i32
      %dma_start3A_839 = arith.constant 13 : i32
      %dma_start3A_840 = arith.constant 0 : i32
      %dma_start3A_841 = arith.constant 0 : i32
      %dma_start3A_842 = tpu.memref_slice %arg12[%dma_start3A_839, %dma_start3A_840, %dma_start3A_841] : memref<16x8x64xf32, #tpu.memory_space<vmem>> -> memref<1x8x64xf32, #tpu.memory_space<vmem>>
      %dma_start3A_843 = tpu.memref_squeeze %dma_start3A_842 : memref<1x8x64xf32, #tpu.memory_space<vmem>> -> memref<8x64xf32, #tpu.memory_space<vmem>>
      %dma_start3A_844 = arith.constant 0 : i32
      %dma_start3A_845 = tpu.memref_slice %arg5[%multiple_of3A_832, %dma_start3A_844] : memref<1000000x64xf32, #tpu.memory_space<hbm>> -> memref<8x64xf32, #tpu.memory_space<hbm>>
      %dma_start3A_846 = arith.constant 0 : i32
      %dma_start3A_847 = arith.constant 0 : i32
      %dma_start3A_848 = tpu.memref_slice %arg12[%dma_start3A_839, %dma_start3A_846, %dma_start3A_847] : memref<16x8x64xf32, #tpu.memory_space<vmem>> -> memref<1x8x64xf32, #tpu.memory_space<vmem>>
      %dma_start3A_849 = tpu.memref_squeeze %dma_start3A_848 : memref<1x8x64xf32, #tpu.memory_space<vmem>> -> memref<8x64xf32, #tpu.memory_space<vmem>>
      %dma_start3A_850 = arith.constant 0 : i32
      %dma_start3A_851 = tpu.memref_slice %arg5[%multiple_of3A_832, %dma_start3A_850] : memref<1000000x64xf32, #tpu.memory_space<hbm>> -> memref<8x64xf32, #tpu.memory_space<hbm>>
      tpu.enqueue_dma source(%dma_start3A_851 : memref<8x64xf32, #tpu.memory_space<hbm>>) target(%dma_start3A_849 : memref<8x64xf32, #tpu.memory_space<vmem>>) target_semaphore(%arg18 : memref<!tpu.dma_semaphore, #tpu.memory_space<semaphore_mem>>)
      %dma_start3A_852 = arith.constant 13 : i32
      %dma_start3A_853 = arith.constant 0 : i32
      %dma_start3A_854 = arith.constant 0 : i32
      %dma_start3A_855 = tpu.memref_slice %arg13[%dma_start3A_852, %dma_start3A_853, %dma_start3A_854] : memref<16x8x64xf32, #tpu.memory_space<vmem>> -> memref<1x8x64xf32, #tpu.memory_space<vmem>>
      %dma_start3A_856 = tpu.memref_squeeze %dma_start3A_855 : memref<1x8x64xf32, #tpu.memory_space<vmem>> -> memref<8x64xf32, #tpu.memory_space<vmem>>
      %dma_start3A_857 = arith.constant 0 : i32
      %dma_start3A_858 = tpu.memref_slice %arg6[%multiple_of3A_835, %dma_start3A_857] : memref<1000000x64xf32, #tpu.memory_space<hbm>> -> memref<8x64xf32, #tpu.memory_space<hbm>>
      %dma_start3A_859 = arith.constant 0 : i32
      %dma_start3A_860 = arith.constant 0 : i32
      %dma_start3A_861 = tpu.memref_slice %arg13[%dma_start3A_852, %dma_start3A_859, %dma_start3A_860] : memref<16x8x64xf32, #tpu.memory_space<vmem>> -> memref<1x8x64xf32, #tpu.memory_space<vmem>>
      %dma_start3A_862 = tpu.memref_squeeze %dma_start3A_861 : memref<1x8x64xf32, #tpu.memory_space<vmem>> -> memref<8x64xf32, #tpu.memory_space<vmem>>
      %dma_start3A_863 = arith.constant 0 : i32
      %dma_start3A_864 = tpu.memref_slice %arg6[%multiple_of3A_835, %dma_start3A_863] : memref<1000000x64xf32, #tpu.memory_space<hbm>> -> memref<8x64xf32, #tpu.memory_space<hbm>>
      tpu.enqueue_dma source(%dma_start3A_864 : memref<8x64xf32, #tpu.memory_space<hbm>>) target(%dma_start3A_862 : memref<8x64xf32, #tpu.memory_space<vmem>>) target_semaphore(%arg18 : memref<!tpu.dma_semaphore, #tpu.memory_space<semaphore_mem>>)
      %dma_start3A_865 = arith.constant 13 : i32
      %dma_start3A_866 = arith.constant 0 : i32
      %dma_start3A_867 = arith.constant 0 : i32
      %dma_start3A_868 = tpu.memref_slice %arg14[%dma_start3A_865, %dma_start3A_866, %dma_start3A_867] : memref<16x8x64xf32, #tpu.memory_space<vmem>> -> memref<1x8x64xf32, #tpu.memory_space<vmem>>
      %dma_start3A_869 = tpu.memref_squeeze %dma_start3A_868 : memref<1x8x64xf32, #tpu.memory_space<vmem>> -> memref<8x64xf32, #tpu.memory_space<vmem>>
      %dma_start3A_870 = arith.constant 0 : i32
      %dma_start3A_871 = tpu.memref_slice %arg5[%multiple_of3A_838, %dma_start3A_870] : memref<1000000x64xf32, #tpu.memory_space<hbm>> -> memref<8x64xf32, #tpu.memory_space<hbm>>
      %dma_start3A_872 = arith.constant 0 : i32
      %dma_start3A_873 = arith.constant 0 : i32
      %dma_start3A_874 = tpu.memref_slice %arg14[%dma_start3A_865, %dma_start3A_872, %dma_start3A_873] : memref<16x8x64xf32, #tpu.memory_space<vmem>> -> memref<1x8x64xf32, #tpu.memory_space<vmem>>
      %dma_start3A_875 = tpu.memref_squeeze %dma_start3A_874 : memref<1x8x64xf32, #tpu.memory_space<vmem>> -> memref<8x64xf32, #tpu.memory_space<vmem>>
      %dma_start3A_876 = arith.constant 0 : i32
      %dma_start3A_877 = tpu.memref_slice %arg5[%multiple_of3A_838, %dma_start3A_876] : memref<1000000x64xf32, #tpu.memory_space<hbm>> -> memref<8x64xf32, #tpu.memory_space<hbm>>
      tpu.enqueue_dma source(%dma_start3A_877 : memref<8x64xf32, #tpu.memory_space<hbm>>) target(%dma_start3A_875 : memref<8x64xf32, #tpu.memory_space<vmem>>) target_semaphore(%arg18 : memref<!tpu.dma_semaphore, #tpu.memory_space<semaphore_mem>>)
      %dma_start3A_878 = arith.constant 13 : i32
      %dma_start3A_879 = arith.constant 0 : i32
      %dma_start3A_880 = arith.constant 0 : i32
      %dma_start3A_881 = tpu.memref_slice %arg15[%dma_start3A_878, %dma_start3A_879, %dma_start3A_880] : memref<16x8x64xf32, #tpu.memory_space<vmem>> -> memref<1x8x64xf32, #tpu.memory_space<vmem>>
      %dma_start3A_882 = tpu.memref_squeeze %dma_start3A_881 : memref<1x8x64xf32, #tpu.memory_space<vmem>> -> memref<8x64xf32, #tpu.memory_space<vmem>>
      %dma_start3A_883 = arith.constant 0 : i32
      %dma_start3A_884 = tpu.memref_slice %arg7[%multiple_of3A_835, %dma_start3A_883] : memref<1000000x64xf32, #tpu.memory_space<hbm>> -> memref<8x64xf32, #tpu.memory_space<hbm>>
      %dma_start3A_885 = arith.constant 0 : i32
      %dma_start3A_886 = arith.constant 0 : i32
      %dma_start3A_887 = tpu.memref_slice %arg15[%dma_start3A_878, %dma_start3A_885, %dma_start3A_886] : memref<16x8x64xf32, #tpu.memory_space<vmem>> -> memref<1x8x64xf32, #tpu.memory_space<vmem>>
      %dma_start3A_888 = tpu.memref_squeeze %dma_start3A_887 : memref<1x8x64xf32, #tpu.memory_space<vmem>> -> memref<8x64xf32, #tpu.memory_space<vmem>>
      %dma_start3A_889 = arith.constant 0 : i32
      %dma_start3A_890 = tpu.memref_slice %arg7[%multiple_of3A_835, %dma_start3A_889] : memref<1000000x64xf32, #tpu.memory_space<hbm>> -> memref<8x64xf32, #tpu.memory_space<hbm>>
      tpu.enqueue_dma source(%dma_start3A_890 : memref<8x64xf32, #tpu.memory_space<hbm>>) target(%dma_start3A_888 : memref<8x64xf32, #tpu.memory_space<vmem>>) target_semaphore(%arg18 : memref<!tpu.dma_semaphore, #tpu.memory_space<semaphore_mem>>)
      %slice3A_891 = vector.extract_strided_slice %mul3A_20 {offsets = [14], sizes = [1], strides = [1]} : vector<16xi32> to vector<1xi32>
      %squeeze3A_892 = vector.extract %slice3A_891[0] : i32 from vector<1xi32>
      %multiple_of3A_893 = tpu.assume_multiple %squeeze3A_892, 8 : i32
      %slice3A_894 = vector.extract_strided_slice %mul3A_26 {offsets = [14], sizes = [1], strides = [1]} : vector<16xi32> to vector<1xi32>
      %squeeze3A_895 = vector.extract %slice3A_894[0] : i32 from vector<1xi32>
      %multiple_of3A_896 = tpu.assume_multiple %squeeze3A_895, 8 : i32
      %slice3A_897 = vector.extract_strided_slice %mul3A_32 {offsets = [14], sizes = [1], strides = [1]} : vector<16xi32> to vector<1xi32>
      %squeeze3A_898 = vector.extract %slice3A_897[0] : i32 from vector<1xi32>
      %multiple_of3A_899 = tpu.assume_multiple %squeeze3A_898, 8 : i32
      %dma_start3A_900 = arith.constant 14 : i32
      %dma_start3A_901 = arith.constant 0 : i32
      %dma_start3A_902 = arith.constant 0 : i32
      %dma_start3A_903 = tpu.memref_slice %arg12[%dma_start3A_900, %dma_start3A_901, %dma_start3A_902] : memref<16x8x64xf32, #tpu.memory_space<vmem>> -> memref<1x8x64xf32, #tpu.memory_space<vmem>>
      %dma_start3A_904 = tpu.memref_squeeze %dma_start3A_903 : memref<1x8x64xf32, #tpu.memory_space<vmem>> -> memref<8x64xf32, #tpu.memory_space<vmem>>
      %dma_start3A_905 = arith.constant 0 : i32
      %dma_start3A_906 = tpu.memref_slice %arg5[%multiple_of3A_893, %dma_start3A_905] : memref<1000000x64xf32, #tpu.memory_space<hbm>> -> memref<8x64xf32, #tpu.memory_space<hbm>>
      %dma_start3A_907 = arith.constant 0 : i32
      %dma_start3A_908 = arith.constant 0 : i32
      %dma_start3A_909 = tpu.memref_slice %arg12[%dma_start3A_900, %dma_start3A_907, %dma_start3A_908] : memref<16x8x64xf32, #tpu.memory_space<vmem>> -> memref<1x8x64xf32, #tpu.memory_space<vmem>>
      %dma_start3A_910 = tpu.memref_squeeze %dma_start3A_909 : memref<1x8x64xf32, #tpu.memory_space<vmem>> -> memref<8x64xf32, #tpu.memory_space<vmem>>
      %dma_start3A_911 = arith.constant 0 : i32
      %dma_start3A_912 = tpu.memref_slice %arg5[%multiple_of3A_893, %dma_start3A_911] : memref<1000000x64xf32, #tpu.memory_space<hbm>> -> memref<8x64xf32, #tpu.memory_space<hbm>>
      tpu.enqueue_dma source(%dma_start3A_912 : memref<8x64xf32, #tpu.memory_space<hbm>>) target(%dma_start3A_910 : memref<8x64xf32, #tpu.memory_space<vmem>>) target_semaphore(%arg18 : memref<!tpu.dma_semaphore, #tpu.memory_space<semaphore_mem>>)
      %dma_start3A_913 = arith.constant 14 : i32
      %dma_start3A_914 = arith.constant 0 : i32
      %dma_start3A_915 = arith.constant 0 : i32
      %dma_start3A_916 = tpu.memref_slice %arg13[%dma_start3A_913, %dma_start3A_914, %dma_start3A_915] : memref<16x8x64xf32, #tpu.memory_space<vmem>> -> memref<1x8x64xf32, #tpu.memory_space<vmem>>
      %dma_start3A_917 = tpu.memref_squeeze %dma_start3A_916 : memref<1x8x64xf32, #tpu.memory_space<vmem>> -> memref<8x64xf32, #tpu.memory_space<vmem>>
      %dma_start3A_918 = arith.constant 0 : i32
      %dma_start3A_919 = tpu.memref_slice %arg6[%multiple_of3A_896, %dma_start3A_918] : memref<1000000x64xf32, #tpu.memory_space<hbm>> -> memref<8x64xf32, #tpu.memory_space<hbm>>
      %dma_start3A_920 = arith.constant 0 : i32
      %dma_start3A_921 = arith.constant 0 : i32
      %dma_start3A_922 = tpu.memref_slice %arg13[%dma_start3A_913, %dma_start3A_920, %dma_start3A_921] : memref<16x8x64xf32, #tpu.memory_space<vmem>> -> memref<1x8x64xf32, #tpu.memory_space<vmem>>
      %dma_start3A_923 = tpu.memref_squeeze %dma_start3A_922 : memref<1x8x64xf32, #tpu.memory_space<vmem>> -> memref<8x64xf32, #tpu.memory_space<vmem>>
      %dma_start3A_924 = arith.constant 0 : i32
      %dma_start3A_925 = tpu.memref_slice %arg6[%multiple_of3A_896, %dma_start3A_924] : memref<1000000x64xf32, #tpu.memory_space<hbm>> -> memref<8x64xf32, #tpu.memory_space<hbm>>
      tpu.enqueue_dma source(%dma_start3A_925 : memref<8x64xf32, #tpu.memory_space<hbm>>) target(%dma_start3A_923 : memref<8x64xf32, #tpu.memory_space<vmem>>) target_semaphore(%arg18 : memref<!tpu.dma_semaphore, #tpu.memory_space<semaphore_mem>>)
      %dma_start3A_926 = arith.constant 14 : i32
      %dma_start3A_927 = arith.constant 0 : i32
      %dma_start3A_928 = arith.constant 0 : i32
      %dma_start3A_929 = tpu.memref_slice %arg14[%dma_start3A_926, %dma_start3A_927, %dma_start3A_928] : memref<16x8x64xf32, #tpu.memory_space<vmem>> -> memref<1x8x64xf32, #tpu.memory_space<vmem>>
      %dma_start3A_930 = tpu.memref_squeeze %dma_start3A_929 : memref<1x8x64xf32, #tpu.memory_space<vmem>> -> memref<8x64xf32, #tpu.memory_space<vmem>>
      %dma_start3A_931 = arith.constant 0 : i32
      %dma_start3A_932 = tpu.memref_slice %arg5[%multiple_of3A_899, %dma_start3A_931] : memref<1000000x64xf32, #tpu.memory_space<hbm>> -> memref<8x64xf32, #tpu.memory_space<hbm>>
      %dma_start3A_933 = arith.constant 0 : i32
      %dma_start3A_934 = arith.constant 0 : i32
      %dma_start3A_935 = tpu.memref_slice %arg14[%dma_start3A_926, %dma_start3A_933, %dma_start3A_934] : memref<16x8x64xf32, #tpu.memory_space<vmem>> -> memref<1x8x64xf32, #tpu.memory_space<vmem>>
      %dma_start3A_936 = tpu.memref_squeeze %dma_start3A_935 : memref<1x8x64xf32, #tpu.memory_space<vmem>> -> memref<8x64xf32, #tpu.memory_space<vmem>>
      %dma_start3A_937 = arith.constant 0 : i32
      %dma_start3A_938 = tpu.memref_slice %arg5[%multiple_of3A_899, %dma_start3A_937] : memref<1000000x64xf32, #tpu.memory_space<hbm>> -> memref<8x64xf32, #tpu.memory_space<hbm>>
      tpu.enqueue_dma source(%dma_start3A_938 : memref<8x64xf32, #tpu.memory_space<hbm>>) target(%dma_start3A_936 : memref<8x64xf32, #tpu.memory_space<vmem>>) target_semaphore(%arg18 : memref<!tpu.dma_semaphore, #tpu.memory_space<semaphore_mem>>)
      %dma_start3A_939 = arith.constant 14 : i32
      %dma_start3A_940 = arith.constant 0 : i32
      %dma_start3A_941 = arith.constant 0 : i32
      %dma_start3A_942 = tpu.memref_slice %arg15[%dma_start3A_939, %dma_start3A_940, %dma_start3A_941] : memref<16x8x64xf32, #tpu.memory_space<vmem>> -> memref<1x8x64xf32, #tpu.memory_space<vmem>>
      %dma_start3A_943 = tpu.memref_squeeze %dma_start3A_942 : memref<1x8x64xf32, #tpu.memory_space<vmem>> -> memref<8x64xf32, #tpu.memory_space<vmem>>
      %dma_start3A_944 = arith.constant 0 : i32
      %dma_start3A_945 = tpu.memref_slice %arg7[%multiple_of3A_896, %dma_start3A_944] : memref<1000000x64xf32, #tpu.memory_space<hbm>> -> memref<8x64xf32, #tpu.memory_space<hbm>>
      %dma_start3A_946 = arith.constant 0 : i32
      %dma_start3A_947 = arith.constant 0 : i32
      %dma_start3A_948 = tpu.memref_slice %arg15[%dma_start3A_939, %dma_start3A_946, %dma_start3A_947] : memref<16x8x64xf32, #tpu.memory_space<vmem>> -> memref<1x8x64xf32, #tpu.memory_space<vmem>>
      %dma_start3A_949 = tpu.memref_squeeze %dma_start3A_948 : memref<1x8x64xf32, #tpu.memory_space<vmem>> -> memref<8x64xf32, #tpu.memory_space<vmem>>
      %dma_start3A_950 = arith.constant 0 : i32
      %dma_start3A_951 = tpu.memref_slice %arg7[%multiple_of3A_896, %dma_start3A_950] : memref<1000000x64xf32, #tpu.memory_space<hbm>> -> memref<8x64xf32, #tpu.memory_space<hbm>>
      tpu.enqueue_dma source(%dma_start3A_951 : memref<8x64xf32, #tpu.memory_space<hbm>>) target(%dma_start3A_949 : memref<8x64xf32, #tpu.memory_space<vmem>>) target_semaphore(%arg18 : memref<!tpu.dma_semaphore, #tpu.memory_space<semaphore_mem>>)
      %slice3A_952 = vector.extract_strided_slice %mul3A_20 {offsets = [15], sizes = [1], strides = [1]} : vector<16xi32> to vector<1xi32>
      %squeeze3A_953 = vector.extract %slice3A_952[0] : i32 from vector<1xi32>
      %multiple_of3A_954 = tpu.assume_multiple %squeeze3A_953, 8 : i32
      %slice3A_955 = vector.extract_strided_slice %mul3A_26 {offsets = [15], sizes = [1], strides = [1]} : vector<16xi32> to vector<1xi32>
      %squeeze3A_956 = vector.extract %slice3A_955[0] : i32 from vector<1xi32>
      %multiple_of3A_957 = tpu.assume_multiple %squeeze3A_956, 8 : i32
      %slice3A_958 = vector.extract_strided_slice %mul3A_32 {offsets = [15], sizes = [1], strides = [1]} : vector<16xi32> to vector<1xi32>
      %squeeze3A_959 = vector.extract %slice3A_958[0] : i32 from vector<1xi32>
      %multiple_of3A_960 = tpu.assume_multiple %squeeze3A_959, 8 : i32
      %dma_start3A_961 = arith.constant 15 : i32
      %dma_start3A_962 = arith.constant 0 : i32
      %dma_start3A_963 = arith.constant 0 : i32
      %dma_start3A_964 = tpu.memref_slice %arg12[%dma_start3A_961, %dma_start3A_962, %dma_start3A_963] : memref<16x8x64xf32, #tpu.memory_space<vmem>> -> memref<1x8x64xf32, #tpu.memory_space<vmem>>
      %dma_start3A_965 = tpu.memref_squeeze %dma_start3A_964 : memref<1x8x64xf32, #tpu.memory_space<vmem>> -> memref<8x64xf32, #tpu.memory_space<vmem>>
      %dma_start3A_966 = arith.constant 0 : i32
      %dma_start3A_967 = tpu.memref_slice %arg5[%multiple_of3A_954, %dma_start3A_966] : memref<1000000x64xf32, #tpu.memory_space<hbm>> -> memref<8x64xf32, #tpu.memory_space<hbm>>
      %dma_start3A_968 = arith.constant 0 : i32
      %dma_start3A_969 = arith.constant 0 : i32
      %dma_start3A_970 = tpu.memref_slice %arg12[%dma_start3A_961, %dma_start3A_968, %dma_start3A_969] : memref<16x8x64xf32, #tpu.memory_space<vmem>> -> memref<1x8x64xf32, #tpu.memory_space<vmem>>
      %dma_start3A_971 = tpu.memref_squeeze %dma_start3A_970 : memref<1x8x64xf32, #tpu.memory_space<vmem>> -> memref<8x64xf32, #tpu.memory_space<vmem>>
      %dma_start3A_972 = arith.constant 0 : i32
      %dma_start3A_973 = tpu.memref_slice %arg5[%multiple_of3A_954, %dma_start3A_972] : memref<1000000x64xf32, #tpu.memory_space<hbm>> -> memref<8x64xf32, #tpu.memory_space<hbm>>
      tpu.enqueue_dma source(%dma_start3A_973 : memref<8x64xf32, #tpu.memory_space<hbm>>) target(%dma_start3A_971 : memref<8x64xf32, #tpu.memory_space<vmem>>) target_semaphore(%arg18 : memref<!tpu.dma_semaphore, #tpu.memory_space<semaphore_mem>>)
      %dma_start3A_974 = arith.constant 15 : i32
      %dma_start3A_975 = arith.constant 0 : i32
      %dma_start3A_976 = arith.constant 0 : i32
      %dma_start3A_977 = tpu.memref_slice %arg13[%dma_start3A_974, %dma_start3A_975, %dma_start3A_976] : memref<16x8x64xf32, #tpu.memory_space<vmem>> -> memref<1x8x64xf32, #tpu.memory_space<vmem>>
      %dma_start3A_978 = tpu.memref_squeeze %dma_start3A_977 : memref<1x8x64xf32, #tpu.memory_space<vmem>> -> memref<8x64xf32, #tpu.memory_space<vmem>>
      %dma_start3A_979 = arith.constant 0 : i32
      %dma_start3A_980 = tpu.memref_slice %arg6[%multiple_of3A_957, %dma_start3A_979] : memref<1000000x64xf32, #tpu.memory_space<hbm>> -> memref<8x64xf32, #tpu.memory_space<hbm>>
      %dma_start3A_981 = arith.constant 0 : i32
      %dma_start3A_982 = arith.constant 0 : i32
      %dma_start3A_983 = tpu.memref_slice %arg13[%dma_start3A_974, %dma_start3A_981, %dma_start3A_982] : memref<16x8x64xf32, #tpu.memory_space<vmem>> -> memref<1x8x64xf32, #tpu.memory_space<vmem>>
      %dma_start3A_984 = tpu.memref_squeeze %dma_start3A_983 : memref<1x8x64xf32, #tpu.memory_space<vmem>> -> memref<8x64xf32, #tpu.memory_space<vmem>>
      %dma_start3A_985 = arith.constant 0 : i32
      %dma_start3A_986 = tpu.memref_slice %arg6[%multiple_of3A_957, %dma_start3A_985] : memref<1000000x64xf32, #tpu.memory_space<hbm>> -> memref<8x64xf32, #tpu.memory_space<hbm>>
      tpu.enqueue_dma source(%dma_start3A_986 : memref<8x64xf32, #tpu.memory_space<hbm>>) target(%dma_start3A_984 : memref<8x64xf32, #tpu.memory_space<vmem>>) target_semaphore(%arg18 : memref<!tpu.dma_semaphore, #tpu.memory_space<semaphore_mem>>)
      %dma_start3A_987 = arith.constant 15 : i32
      %dma_start3A_988 = arith.constant 0 : i32
      %dma_start3A_989 = arith.constant 0 : i32
      %dma_start3A_990 = tpu.memref_slice %arg14[%dma_start3A_987, %dma_start3A_988, %dma_start3A_989] : memref<16x8x64xf32, #tpu.memory_space<vmem>> -> memref<1x8x64xf32, #tpu.memory_space<vmem>>
      %dma_start3A_991 = tpu.memref_squeeze %dma_start3A_990 : memref<1x8x64xf32, #tpu.memory_space<vmem>> -> memref<8x64xf32, #tpu.memory_space<vmem>>
      %dma_start3A_992 = arith.constant 0 : i32
      %dma_start3A_993 = tpu.memref_slice %arg5[%multiple_of3A_960, %dma_start3A_992] : memref<1000000x64xf32, #tpu.memory_space<hbm>> -> memref<8x64xf32, #tpu.memory_space<hbm>>
      %dma_start3A_994 = arith.constant 0 : i32
      %dma_start3A_995 = arith.constant 0 : i32
      %dma_start3A_996 = tpu.memref_slice %arg14[%dma_start3A_987, %dma_start3A_994, %dma_start3A_995] : memref<16x8x64xf32, #tpu.memory_space<vmem>> -> memref<1x8x64xf32, #tpu.memory_space<vmem>>
      %dma_start3A_997 = tpu.memref_squeeze %dma_start3A_996 : memref<1x8x64xf32, #tpu.memory_space<vmem>> -> memref<8x64xf32, #tpu.memory_space<vmem>>
      %dma_start3A_998 = arith.constant 0 : i32
      %dma_start3A_999 = tpu.memref_slice %arg5[%multiple_of3A_960, %dma_start3A_998] : memref<1000000x64xf32, #tpu.memory_space<hbm>> -> memref<8x64xf32, #tpu.memory_space<hbm>>
      tpu.enqueue_dma source(%dma_start3A_999 : memref<8x64xf32, #tpu.memory_space<hbm>>) target(%dma_start3A_997 : memref<8x64xf32, #tpu.memory_space<vmem>>) target_semaphore(%arg18 : memref<!tpu.dma_semaphore, #tpu.memory_space<semaphore_mem>>)
      %dma_start3A_1000 = arith.constant 15 : i32
      %dma_start3A_1001 = arith.constant 0 : i32
      %dma_start3A_1002 = arith.constant 0 : i32
      %dma_start3A_1003 = tpu.memref_slice %arg15[%dma_start3A_1000, %dma_start3A_1001, %dma_start3A_1002] : memref<16x8x64xf32, #tpu.memory_space<vmem>> -> memref<1x8x64xf32, #tpu.memory_space<vmem>>
      %dma_start3A_1004 = tpu.memref_squeeze %dma_start3A_1003 : memref<1x8x64xf32, #tpu.memory_space<vmem>> -> memref<8x64xf32, #tpu.memory_space<vmem>>
      %dma_start3A_1005 = arith.constant 0 : i32
      %dma_start3A_1006 = tpu.memref_slice %arg7[%multiple_of3A_957, %dma_start3A_1005] : memref<1000000x64xf32, #tpu.memory_space<hbm>> -> memref<8x64xf32, #tpu.memory_space<hbm>>
      %dma_start3A_1007 = arith.constant 0 : i32
      %dma_start3A_1008 = arith.constant 0 : i32
      %dma_start3A_1009 = tpu.memref_slice %arg15[%dma_start3A_1000, %dma_start3A_1007, %dma_start3A_1008] : memref<16x8x64xf32, #tpu.memory_space<vmem>> -> memref<1x8x64xf32, #tpu.memory_space<vmem>>
      %dma_start3A_1010 = tpu.memref_squeeze %dma_start3A_1009 : memref<1x8x64xf32, #tpu.memory_space<vmem>> -> memref<8x64xf32, #tpu.memory_space<vmem>>
      %dma_start3A_1011 = arith.constant 0 : i32
      %dma_start3A_1012 = tpu.memref_slice %arg7[%multiple_of3A_957, %dma_start3A_1011] : memref<1000000x64xf32, #tpu.memory_space<hbm>> -> memref<8x64xf32, #tpu.memory_space<hbm>>
      tpu.enqueue_dma source(%dma_start3A_1012 : memref<8x64xf32, #tpu.memory_space<hbm>>) target(%dma_start3A_1010 : memref<8x64xf32, #tpu.memory_space<vmem>>) target_semaphore(%arg18 : memref<!tpu.dma_semaphore, #tpu.memory_space<semaphore_mem>>)
      %broadcast_in_dim3A = arith.constant 0.000000e+00 : f32
      %broadcast_in_dim3A_1013 = vector.broadcast %broadcast_in_dim3A : f32 to vector<16xf32>
      %scan3A_1014 = arith.constant 0 : i32
      %scan3A_1015 = arith.constant 8 : i32
      %scan3A_1016 = arith.addi %scan3A_1014, %scan3A_1015 : i32
      %scan3A_1017 = arith.constant 1 : i32
      %scan3A_1018 = scf.for %scan3A_1021 = %scan3A_1014 to %scan3A_1016 step %scan3A_1017 iter_args(%scan3A_1022 = %broadcast_in_dim3A_1013) -> (vector<16xf32>)  : i32 {
        %dma_wait3A = arith.constant 0 : i32
        %dma_wait3A_1023 = arith.constant 0 : i32
        %dma_wait3A_1024 = tpu.memref_slice %arg5[%dma_wait3A, %dma_wait3A_1023] : memref<1000000x64xf32, #tpu.memory_space<hbm>> -> memref<64x64xf32, #tpu.memory_space<hbm>>
        %dma_wait3A_1025 = arith.constant 0 : i32
        %dma_wait3A_1026 = arith.constant 0 : i32
        %dma_wait3A_1027 = tpu.memref_slice %arg5[%dma_wait3A_1025, %dma_wait3A_1026] : memref<1000000x64xf32, #tpu.memory_space<hbm>> -> memref<64x64xf32, #tpu.memory_space<hbm>>
        tpu.wait_dma2 semaphore(%arg18 : memref<!tpu.dma_semaphore, #tpu.memory_space<semaphore_mem>>) src(%dma_wait3A_1027 : memref<64x64xf32, #tpu.memory_space<hbm>>) dst(%arg17 : memref<64x64xf32, #tpu.memory_space<vmem>>)
        %mul3A_1028 = arith.constant 2 : i32
        %mul3A_1029 = arith.muli %mul3A_1028, %scan3A_1021 : i32
        %broadcast_in_dim3A_1030 = vector.broadcast %mul3A_1029 : i32 to vector<16xi32>
        %reshape3A = vector.shape_cast %broadcast_in_dim3A_1030 : vector<16xi32> to vector<16x1xi32>
        %gather3A = vector.shape_cast %reshape3A : vector<16x1xi32> to vector<16xi32>
        %gather3A_1031 = tpu.dynamic_gather %and3A_34[%gather3A] in [0] : vector<16xi32>, vector<16xi32> -> vector<16xi32>
        %gather3A_1032 = vector.shape_cast %reshape3A : vector<16x1xi32> to vector<16xi32>
        %gather3A_1033 = tpu.dynamic_gather %and3A_37[%gather3A_1032] in [0] : vector<16xi32>, vector<16xi32> -> vector<16xi32>
        %gather3A_1034 = vector.shape_cast %reshape3A : vector<16x1xi32> to vector<16xi32>
        %gather3A_1035 = tpu.dynamic_gather %and3A_40[%gather3A_1034] in [0] : vector<16xi32>, vector<16xi32> -> vector<16xi32>
        %add3A_1036 = arith.constant 0 : i32
        %add3A_1037 = vector.broadcast %add3A_1036 : i32 to vector<16xi32>
        %add3A_1038 = arith.addi %iota3A, %add3A_1037 : vector<16xi32>
        %gather3A_1039 = tpu.vector_load_idx %arg12[%broadcast_in_dim3A_1030, %gather3A_1031, %add3A_1038] : memref<16x8x64xf32, #tpu.memory_space<vmem>>[vector<16xi32>, vector<16xi32>, vector<16xi32>], vector<16xf32>,
        %add3A_1040 = arith.constant 16 : i32
        %add3A_1041 = vector.broadcast %add3A_1040 : i32 to vector<16xi32>
        %add3A_1042 = arith.addi %iota3A, %add3A_1041 : vector<16xi32>
        %gather3A_1043 = tpu.vector_load_idx %arg12[%broadcast_in_dim3A_1030, %gather3A_1031, %add3A_1042] : memref<16x8x64xf32, #tpu.memory_space<vmem>>[vector<16xi32>, vector<16xi32>, vector<16xi32>], vector<16xf32>,
        %add3A_1044 = arith.constant 32 : i32
        %add3A_1045 = vector.broadcast %add3A_1044 : i32 to vector<16xi32>
        %add3A_1046 = arith.addi %iota3A, %add3A_1045 : vector<16xi32>
        %gather3A_1047 = tpu.vector_load_idx %arg12[%broadcast_in_dim3A_1030, %gather3A_1031, %add3A_1046] : memref<16x8x64xf32, #tpu.memory_space<vmem>>[vector<16xi32>, vector<16xi32>, vector<16xi32>], vector<16xf32>,
        %add3A_1048 = arith.constant 48 : i32
        %add3A_1049 = vector.broadcast %add3A_1048 : i32 to vector<16xi32>
        %add3A_1050 = arith.addi %iota3A, %add3A_1049 : vector<16xi32>
        %gather3A_1051 = tpu.vector_load_idx %arg12[%broadcast_in_dim3A_1030, %gather3A_1031, %add3A_1050] : memref<16x8x64xf32, #tpu.memory_space<vmem>>[vector<16xi32>, vector<16xi32>, vector<16xi32>], vector<16xf32>,
        %add3A_1052 = arith.constant 0 : i32
        %add3A_1053 = vector.broadcast %add3A_1052 : i32 to vector<16xi32>
        %add3A_1054 = arith.addi %iota3A, %add3A_1053 : vector<16xi32>
        %gather3A_1055 = tpu.vector_load_idx %arg15[%broadcast_in_dim3A_1030, %gather3A_1033, %add3A_1054] : memref<16x8x64xf32, #tpu.memory_space<vmem>>[vector<16xi32>, vector<16xi32>, vector<16xi32>], vector<16xf32>,
        %add3A_1056 = arith.constant 16 : i32
        %add3A_1057 = vector.broadcast %add3A_1056 : i32 to vector<16xi32>
        %add3A_1058 = arith.addi %iota3A, %add3A_1057 : vector<16xi32>
        %gather3A_1059 = tpu.vector_load_idx %arg15[%broadcast_in_dim3A_1030, %gather3A_1033, %add3A_1058] : memref<16x8x64xf32, #tpu.memory_space<vmem>>[vector<16xi32>, vector<16xi32>, vector<16xi32>], vector<16xf32>,
        %add3A_1060 = arith.constant 32 : i32
        %add3A_1061 = vector.broadcast %add3A_1060 : i32 to vector<16xi32>
        %add3A_1062 = arith.addi %iota3A, %add3A_1061 : vector<16xi32>
        %gather3A_1063 = tpu.vector_load_idx %arg15[%broadcast_in_dim3A_1030, %gather3A_1033, %add3A_1062] : memref<16x8x64xf32, #tpu.memory_space<vmem>>[vector<16xi32>, vector<16xi32>, vector<16xi32>], vector<16xf32>,
        %add3A_1064 = arith.constant 48 : i32
        %add3A_1065 = vector.broadcast %add3A_1064 : i32 to vector<16xi32>
        %add3A_1066 = arith.addi %iota3A, %add3A_1065 : vector<16xi32>
        %gather3A_1067 = tpu.vector_load_idx %arg15[%broadcast_in_dim3A_1030, %gather3A_1033, %add3A_1066] : memref<16x8x64xf32, #tpu.memory_space<vmem>>[vector<16xi32>, vector<16xi32>, vector<16xi32>], vector<16xf32>,
        %add3A_1068 = arith.constant 0 : i32
        %add3A_1069 = vector.broadcast %add3A_1068 : i32 to vector<16xi32>
        %add3A_1070 = arith.addi %iota3A, %add3A_1069 : vector<16xi32>
        %gather3A_1071 = tpu.vector_load_idx %arg14[%broadcast_in_dim3A_1030, %gather3A_1035, %add3A_1070] : memref<16x8x64xf32, #tpu.memory_space<vmem>>[vector<16xi32>, vector<16xi32>, vector<16xi32>], vector<16xf32>,
        %add3A_1072 = arith.constant 16 : i32
        %add3A_1073 = vector.broadcast %add3A_1072 : i32 to vector<16xi32>
        %add3A_1074 = arith.addi %iota3A, %add3A_1073 : vector<16xi32>
        %gather3A_1075 = tpu.vector_load_idx %arg14[%broadcast_in_dim3A_1030, %gather3A_1035, %add3A_1074] : memref<16x8x64xf32, #tpu.memory_space<vmem>>[vector<16xi32>, vector<16xi32>, vector<16xi32>], vector<16xf32>,
        %add3A_1076 = arith.constant 32 : i32
        %add3A_1077 = vector.broadcast %add3A_1076 : i32 to vector<16xi32>
        %add3A_1078 = arith.addi %iota3A, %add3A_1077 : vector<16xi32>
        %gather3A_1079 = tpu.vector_load_idx %arg14[%broadcast_in_dim3A_1030, %gather3A_1035, %add3A_1078] : memref<16x8x64xf32, #tpu.memory_space<vmem>>[vector<16xi32>, vector<16xi32>, vector<16xi32>], vector<16xf32>,
        %add3A_1080 = arith.constant 48 : i32
        %add3A_1081 = vector.broadcast %add3A_1080 : i32 to vector<16xi32>
        %add3A_1082 = arith.addi %iota3A, %add3A_1081 : vector<16xi32>
        %gather3A_1083 = tpu.vector_load_idx %arg14[%broadcast_in_dim3A_1030, %gather3A_1035, %add3A_1082] : memref<16x8x64xf32, #tpu.memory_space<vmem>>[vector<16xi32>, vector<16xi32>, vector<16xi32>], vector<16xf32>,
        %add3A_1084 = arith.constant 0 : i32
        %add3A_1085 = vector.broadcast %add3A_1084 : i32 to vector<16xi32>
        %add3A_1086 = arith.addi %iota3A, %add3A_1085 : vector<16xi32>
        %gather3A_1087 = tpu.vector_load_idx %arg13[%broadcast_in_dim3A_1030, %gather3A_1033, %add3A_1086] : memref<16x8x64xf32, #tpu.memory_space<vmem>>[vector<16xi32>, vector<16xi32>, vector<16xi32>], vector<16xf32>,
        %add3A_1088 = arith.constant 16 : i32
        %add3A_1089 = vector.broadcast %add3A_1088 : i32 to vector<16xi32>
        %add3A_1090 = arith.addi %iota3A, %add3A_1089 : vector<16xi32>
        %gather3A_1091 = tpu.vector_load_idx %arg13[%broadcast_in_dim3A_1030, %gather3A_1033, %add3A_1090] : memref<16x8x64xf32, #tpu.memory_space<vmem>>[vector<16xi32>, vector<16xi32>, vector<16xi32>], vector<16xf32>,
        %add3A_1092 = arith.constant 32 : i32
        %add3A_1093 = vector.broadcast %add3A_1092 : i32 to vector<16xi32>
        %add3A_1094 = arith.addi %iota3A, %add3A_1093 : vector<16xi32>
        %gather3A_1095 = tpu.vector_load_idx %arg13[%broadcast_in_dim3A_1030, %gather3A_1033, %add3A_1094] : memref<16x8x64xf32, #tpu.memory_space<vmem>>[vector<16xi32>, vector<16xi32>, vector<16xi32>], vector<16xf32>,
        %add3A_1096 = arith.constant 48 : i32
        %add3A_1097 = vector.broadcast %add3A_1096 : i32 to vector<16xi32>
        %add3A_1098 = arith.addi %iota3A, %add3A_1097 : vector<16xi32>
        %gather3A_1099 = tpu.vector_load_idx %arg13[%broadcast_in_dim3A_1030, %gather3A_1033, %add3A_1098] : memref<16x8x64xf32, #tpu.memory_space<vmem>>[vector<16xi32>, vector<16xi32>, vector<16xi32>], vector<16xf32>,
        %mul3A_1100 = arith.mulf %gather3A_1055, %gather3A_1055 : vector<16xf32>
        %add3A_1101 = arith.constant 0.000000e+00 : f32
        %add3A_1102 = vector.broadcast %add3A_1101 : f32 to vector<16xf32>
        %add3A_1103 = arith.addf %add3A_1102, %mul3A_1100 : vector<16xf32>
        %mul3A_1104 = arith.mulf %gather3A_1059, %gather3A_1059 : vector<16xf32>
        %add3A_1105 = arith.addf %add3A_1103, %mul3A_1104 : vector<16xf32>
        %mul3A_1106 = arith.mulf %gather3A_1063, %gather3A_1063 : vector<16xf32>
        %add3A_1107 = arith.addf %add3A_1105, %mul3A_1106 : vector<16xf32>
        %mul3A_1108 = arith.mulf %gather3A_1067, %gather3A_1067 : vector<16xf32>
        %add3A_1109 = arith.addf %add3A_1107, %mul3A_1108 : vector<16xf32>
        %iota3A_1110 = tpu.iota {dimensions = array<i32: 0>} : vector<16xi32>
        %xor3A = arith.constant 1 : i32
        %xor3A_1111 = vector.broadcast %xor3A : i32 to vector<16xi32>
        %xor3A_1112 = arith.xori %iota3A_1110, %xor3A_1111 : vector<16xi32>
        %reshape3A_1113 = vector.shape_cast %xor3A_1112 : vector<16xi32> to vector<16x1xi32>
        %gather3A_1114 = vector.shape_cast %reshape3A_1113 : vector<16x1xi32> to vector<16xi32>
        %gather3A_1115 = tpu.dynamic_gather %add3A_1109[%gather3A_1114] in [0] : vector<16xf32>, vector<16xi32> -> vector<16xf32>
        %add3A_1116 = arith.addf %add3A_1109, %gather3A_1115 : vector<16xf32>
        %xor3A_1117 = arith.constant 2 : i32
        %xor3A_1118 = vector.broadcast %xor3A_1117 : i32 to vector<16xi32>
        %xor3A_1119 = arith.xori %iota3A_1110, %xor3A_1118 : vector<16xi32>
        %reshape3A_1120 = vector.shape_cast %xor3A_1119 : vector<16xi32> to vector<16x1xi32>
        %gather3A_1121 = vector.shape_cast %reshape3A_1120 : vector<16x1xi32> to vector<16xi32>
        %gather3A_1122 = tpu.dynamic_gather %add3A_1116[%gather3A_1121] in [0] : vector<16xf32>, vector<16xi32> -> vector<16xf32>
        %add3A_1123 = arith.addf %add3A_1116, %gather3A_1122 : vector<16xf32>
        %xor3A_1124 = arith.constant 4 : i32
        %xor3A_1125 = vector.broadcast %xor3A_1124 : i32 to vector<16xi32>
        %xor3A_1126 = arith.xori %iota3A_1110, %xor3A_1125 : vector<16xi32>
        %reshape3A_1127 = vector.shape_cast %xor3A_1126 : vector<16xi32> to vector<16x1xi32>
        %gather3A_1128 = vector.shape_cast %reshape3A_1127 : vector<16x1xi32> to vector<16xi32>
        %gather3A_1129 = tpu.dynamic_gather %add3A_1123[%gather3A_1128] in [0] : vector<16xf32>, vector<16xi32> -> vector<16xf32>
        %add3A_1130 = arith.addf %add3A_1123, %gather3A_1129 : vector<16xf32>
        %xor3A_1131 = arith.constant 8 : i32
        %xor3A_1132 = vector.broadcast %xor3A_1131 : i32 to vector<16xi32>
        %xor3A_1133 = arith.xori %iota3A_1110, %xor3A_1132 : vector<16xi32>
        %reshape3A_1134 = vector.shape_cast %xor3A_1133 : vector<16xi32> to vector<16x1xi32>
        %gather3A_1135 = vector.shape_cast %reshape3A_1134 : vector<16x1xi32> to vector<16xi32>
        %gather3A_1136 = tpu.dynamic_gather %add3A_1130[%gather3A_1135] in [0] : vector<16xf32>, vector<16xi32> -> vector<16xf32>
        %add3A_1137 = arith.addf %add3A_1130, %gather3A_1136 : vector<16xf32>
        %mul3A_1138 = arith.mulf %gather3A_1039, %gather3A_1055 : vector<16xf32>
        %add3A_1139 = arith.constant 0.000000e+00 : f32
        %add3A_1140 = vector.broadcast %add3A_1139 : f32 to vector<16xf32>
        %add3A_1141 = arith.addf %add3A_1140, %mul3A_1138 : vector<16xf32>
        %mul3A_1142 = arith.mulf %gather3A_1043, %gather3A_1059 : vector<16xf32>
        %add3A_1143 = arith.addf %add3A_1141, %mul3A_1142 : vector<16xf32>
        %mul3A_1144 = arith.mulf %gather3A_1047, %gather3A_1063 : vector<16xf32>
        %add3A_1145 = arith.addf %add3A_1143, %mul3A_1144 : vector<16xf32>
        %mul3A_1146 = arith.mulf %gather3A_1051, %gather3A_1067 : vector<16xf32>
        %add3A_1147 = arith.addf %add3A_1145, %mul3A_1146 : vector<16xf32>
        %iota3A_1148 = tpu.iota {dimensions = array<i32: 0>} : vector<16xi32>
        %xor3A_1149 = arith.constant 1 : i32
        %xor3A_1150 = vector.broadcast %xor3A_1149 : i32 to vector<16xi32>
        %xor3A_1151 = arith.xori %iota3A_1148, %xor3A_1150 : vector<16xi32>
        %reshape3A_1152 = vector.shape_cast %xor3A_1151 : vector<16xi32> to vector<16x1xi32>
        %gather3A_1153 = vector.shape_cast %reshape3A_1152 : vector<16x1xi32> to vector<16xi32>
        %gather3A_1154 = tpu.dynamic_gather %add3A_1147[%gather3A_1153] in [0] : vector<16xf32>, vector<16xi32> -> vector<16xf32>
        %add3A_1155 = arith.addf %add3A_1147, %gather3A_1154 : vector<16xf32>
        %xor3A_1156 = arith.constant 2 : i32
        %xor3A_1157 = vector.broadcast %xor3A_1156 : i32 to vector<16xi32>
        %xor3A_1158 = arith.xori %iota3A_1148, %xor3A_1157 : vector<16xi32>
        %reshape3A_1159 = vector.shape_cast %xor3A_1158 : vector<16xi32> to vector<16x1xi32>
        %gather3A_1160 = vector.shape_cast %reshape3A_1159 : vector<16x1xi32> to vector<16xi32>
        %gather3A_1161 = tpu.dynamic_gather %add3A_1155[%gather3A_1160] in [0] : vector<16xf32>, vector<16xi32> -> vector<16xf32>
        %add3A_1162 = arith.addf %add3A_1155, %gather3A_1161 : vector<16xf32>
        %xor3A_1163 = arith.constant 4 : i32
        %xor3A_1164 = vector.broadcast %xor3A_1163 : i32 to vector<16xi32>
        %xor3A_1165 = arith.xori %iota3A_1148, %xor3A_1164 : vector<16xi32>
        %reshape3A_1166 = vector.shape_cast %xor3A_1165 : vector<16xi32> to vector<16x1xi32>
        %gather3A_1167 = vector.shape_cast %reshape3A_1166 : vector<16x1xi32> to vector<16xi32>
        %gather3A_1168 = tpu.dynamic_gather %add3A_1162[%gather3A_1167] in [0] : vector<16xf32>, vector<16xi32> -> vector<16xf32>
        %add3A_1169 = arith.addf %add3A_1162, %gather3A_1168 : vector<16xf32>
        %xor3A_1170 = arith.constant 8 : i32
        %xor3A_1171 = vector.broadcast %xor3A_1170 : i32 to vector<16xi32>
        %xor3A_1172 = arith.xori %iota3A_1148, %xor3A_1171 : vector<16xi32>
        %reshape3A_1173 = vector.shape_cast %xor3A_1172 : vector<16xi32> to vector<16x1xi32>
        %gather3A_1174 = vector.shape_cast %reshape3A_1173 : vector<16x1xi32> to vector<16xi32>
        %gather3A_1175 = tpu.dynamic_gather %add3A_1169[%gather3A_1174] in [0] : vector<16xf32>, vector<16xi32> -> vector<16xf32>
        %add3A_1176 = arith.addf %add3A_1169, %gather3A_1175 : vector<16xf32>
        %mul3A_1177 = arith.mulf %gather3A_1071, %gather3A_1055 : vector<16xf32>
        %add3A_1178 = arith.constant 0.000000e+00 : f32
        %add3A_1179 = vector.broadcast %add3A_1178 : f32 to vector<16xf32>
        %add3A_1180 = arith.addf %add3A_1179, %mul3A_1177 : vector<16xf32>
        %mul3A_1181 = arith.mulf %gather3A_1075, %gather3A_1059 : vector<16xf32>
        %add3A_1182 = arith.addf %add3A_1180, %mul3A_1181 : vector<16xf32>
        %mul3A_1183 = arith.mulf %gather3A_1079, %gather3A_1063 : vector<16xf32>
        %add3A_1184 = arith.addf %add3A_1182, %mul3A_1183 : vector<16xf32>
        %mul3A_1185 = arith.mulf %gather3A_1083, %gather3A_1067 : vector<16xf32>
        %add3A_1186 = arith.addf %add3A_1184, %mul3A_1185 : vector<16xf32>
        %iota3A_1187 = tpu.iota {dimensions = array<i32: 0>} : vector<16xi32>
        %xor3A_1188 = arith.constant 1 : i32
        %xor3A_1189 = vector.broadcast %xor3A_1188 : i32 to vector<16xi32>
        %xor3A_1190 = arith.xori %iota3A_1187, %xor3A_1189 : vector<16xi32>
        %reshape3A_1191 = vector.shape_cast %xor3A_1190 : vector<16xi32> to vector<16x1xi32>
        %gather3A_1192 = vector.shape_cast %reshape3A_1191 : vector<16x1xi32> to vector<16xi32>
        %gather3A_1193 = tpu.dynamic_gather %add3A_1186[%gather3A_1192] in [0] : vector<16xf32>, vector<16xi32> -> vector<16xf32>
        %add3A_1194 = arith.addf %add3A_1186, %gather3A_1193 : vector<16xf32>
        %xor3A_1195 = arith.constant 2 : i32
        %xor3A_1196 = vector.broadcast %xor3A_1195 : i32 to vector<16xi32>
        %xor3A_1197 = arith.xori %iota3A_1187, %xor3A_1196 : vector<16xi32>
        %reshape3A_1198 = vector.shape_cast %xor3A_1197 : vector<16xi32> to vector<16x1xi32>
        %gather3A_1199 = vector.shape_cast %reshape3A_1198 : vector<16x1xi32> to vector<16xi32>
        %gather3A_1200 = tpu.dynamic_gather %add3A_1194[%gather3A_1199] in [0] : vector<16xf32>, vector<16xi32> -> vector<16xf32>
        %add3A_1201 = arith.addf %add3A_1194, %gather3A_1200 : vector<16xf32>
        %xor3A_1202 = arith.constant 4 : i32
        %xor3A_1203 = vector.broadcast %xor3A_1202 : i32 to vector<16xi32>
        %xor3A_1204 = arith.xori %iota3A_1187, %xor3A_1203 : vector<16xi32>
        %reshape3A_1205 = vector.shape_cast %xor3A_1204 : vector<16xi32> to vector<16x1xi32>
        %gather3A_1206 = vector.shape_cast %reshape3A_1205 : vector<16x1xi32> to vector<16xi32>
        %gather3A_1207 = tpu.dynamic_gather %add3A_1201[%gather3A_1206] in [0] : vector<16xf32>, vector<16xi32> -> vector<16xf32>
        %add3A_1208 = arith.addf %add3A_1201, %gather3A_1207 : vector<16xf32>
        %xor3A_1209 = arith.constant 8 : i32
        %xor3A_1210 = vector.broadcast %xor3A_1209 : i32 to vector<16xi32>
        %xor3A_1211 = arith.xori %iota3A_1187, %xor3A_1210 : vector<16xi32>
        %reshape3A_1212 = vector.shape_cast %xor3A_1211 : vector<16xi32> to vector<16x1xi32>
        %gather3A_1213 = vector.shape_cast %reshape3A_1212 : vector<16x1xi32> to vector<16xi32>
        %gather3A_1214 = tpu.dynamic_gather %add3A_1208[%gather3A_1213] in [0] : vector<16xf32>, vector<16xi32> -> vector<16xf32>
        %add3A_1215 = arith.addf %add3A_1208, %gather3A_1214 : vector<16xf32>
        %max3A = arith.constant 1.000000e-24 : f32
        %max3A_1216 = vector.broadcast %max3A : f32 to vector<16xf32>
        %max3A_1217 = arith.maximumf %add3A_1137, %max3A_1216 : vector<16xf32>
        %div3A = arith.constant 1.000000e+00 : f32
        %div3A_1218 = vector.broadcast %div3A : f32 to vector<16xf32>
        %div3A_1219 = arith.divf %div3A_1218, %max3A_1217 : vector<16xf32>
        %mul3A_1220 = arith.mulf %add3A_1176, %div3A_1219 : vector<16xf32>
        %mul3A_1221 = arith.mulf %add3A_1215, %div3A_1219 : vector<16xf32>
        %mul3A_1222 = arith.mulf %mul3A_1220, %gather3A_1055 : vector<16xf32>
        %sub3A = arith.subf %gather3A_1039, %mul3A_1222 : vector<16xf32>
        %mul3A_1223 = arith.mulf %mul3A_1220, %gather3A_1059 : vector<16xf32>
        %sub3A_1224 = arith.subf %gather3A_1043, %mul3A_1223 : vector<16xf32>
        %mul3A_1225 = arith.mulf %mul3A_1220, %gather3A_1063 : vector<16xf32>
        %sub3A_1226 = arith.subf %gather3A_1047, %mul3A_1225 : vector<16xf32>
        %mul3A_1227 = arith.mulf %mul3A_1220, %gather3A_1067 : vector<16xf32>
        %sub3A_1228 = arith.subf %gather3A_1051, %mul3A_1227 : vector<16xf32>
        %mul3A_1229 = arith.mulf %mul3A_1221, %gather3A_1055 : vector<16xf32>
        %sub3A_1230 = arith.subf %gather3A_1071, %mul3A_1229 : vector<16xf32>
        %mul3A_1231 = arith.mulf %mul3A_1221, %gather3A_1059 : vector<16xf32>
        %sub3A_1232 = arith.subf %gather3A_1075, %mul3A_1231 : vector<16xf32>
        %mul3A_1233 = arith.mulf %mul3A_1221, %gather3A_1063 : vector<16xf32>
        %sub3A_1234 = arith.subf %gather3A_1079, %mul3A_1233 : vector<16xf32>
        %mul3A_1235 = arith.mulf %mul3A_1221, %gather3A_1067 : vector<16xf32>
        %sub3A_1236 = arith.subf %gather3A_1083, %mul3A_1235 : vector<16xf32>
        %mul3A_1237 = arith.mulf %sub3A, %sub3A : vector<16xf32>
        %add3A_1238 = arith.constant 0.000000e+00 : f32
        %add3A_1239 = vector.broadcast %add3A_1238 : f32 to vector<16xf32>
        %add3A_1240 = arith.addf %add3A_1239, %mul3A_1237 : vector<16xf32>
        %mul3A_1241 = arith.mulf %sub3A_1224, %sub3A_1224 : vector<16xf32>
        %add3A_1242 = arith.addf %add3A_1240, %mul3A_1241 : vector<16xf32>
        %mul3A_1243 = arith.mulf %sub3A_1226, %sub3A_1226 : vector<16xf32>
        %add3A_1244 = arith.addf %add3A_1242, %mul3A_1243 : vector<16xf32>
        %mul3A_1245 = arith.mulf %sub3A_1228, %sub3A_1228 : vector<16xf32>
        %add3A_1246 = arith.addf %add3A_1244, %mul3A_1245 : vector<16xf32>
        %iota3A_1247 = tpu.iota {dimensions = array<i32: 0>} : vector<16xi32>
        %xor3A_1248 = arith.constant 1 : i32
        %xor3A_1249 = vector.broadcast %xor3A_1248 : i32 to vector<16xi32>
        %xor3A_1250 = arith.xori %iota3A_1247, %xor3A_1249 : vector<16xi32>
        %reshape3A_1251 = vector.shape_cast %xor3A_1250 : vector<16xi32> to vector<16x1xi32>
        %gather3A_1252 = vector.shape_cast %reshape3A_1251 : vector<16x1xi32> to vector<16xi32>
        %gather3A_1253 = tpu.dynamic_gather %add3A_1246[%gather3A_1252] in [0] : vector<16xf32>, vector<16xi32> -> vector<16xf32>
        %add3A_1254 = arith.addf %add3A_1246, %gather3A_1253 : vector<16xf32>
        %xor3A_1255 = arith.constant 2 : i32
        %xor3A_1256 = vector.broadcast %xor3A_1255 : i32 to vector<16xi32>
        %xor3A_1257 = arith.xori %iota3A_1247, %xor3A_1256 : vector<16xi32>
        %reshape3A_1258 = vector.shape_cast %xor3A_1257 : vector<16xi32> to vector<16x1xi32>
        %gather3A_1259 = vector.shape_cast %reshape3A_1258 : vector<16x1xi32> to vector<16xi32>
        %gather3A_1260 = tpu.dynamic_gather %add3A_1254[%gather3A_1259] in [0] : vector<16xf32>, vector<16xi32> -> vector<16xf32>
        %add3A_1261 = arith.addf %add3A_1254, %gather3A_1260 : vector<16xf32>
        %xor3A_1262 = arith.constant 4 : i32
        %xor3A_1263 = vector.broadcast %xor3A_1262 : i32 to vector<16xi32>
        %xor3A_1264 = arith.xori %iota3A_1247, %xor3A_1263 : vector<16xi32>
        %reshape3A_1265 = vector.shape_cast %xor3A_1264 : vector<16xi32> to vector<16x1xi32>
        %gather3A_1266 = vector.shape_cast %reshape3A_1265 : vector<16x1xi32> to vector<16xi32>
        %gather3A_1267 = tpu.dynamic_gather %add3A_1261[%gather3A_1266] in [0] : vector<16xf32>, vector<16xi32> -> vector<16xf32>
        %add3A_1268 = arith.addf %add3A_1261, %gather3A_1267 : vector<16xf32>
        %xor3A_1269 = arith.constant 8 : i32
        %xor3A_1270 = vector.broadcast %xor3A_1269 : i32 to vector<16xi32>
        %xor3A_1271 = arith.xori %iota3A_1247, %xor3A_1270 : vector<16xi32>
        %reshape3A_1272 = vector.shape_cast %xor3A_1271 : vector<16xi32> to vector<16x1xi32>
        %gather3A_1273 = vector.shape_cast %reshape3A_1272 : vector<16x1xi32> to vector<16xi32>
        %gather3A_1274 = tpu.dynamic_gather %add3A_1268[%gather3A_1273] in [0] : vector<16xf32>, vector<16xi32> -> vector<16xf32>
        %add3A_1275 = arith.addf %add3A_1268, %gather3A_1274 : vector<16xf32>
        %mul3A_1276 = arith.mulf %gather3A_1087, %gather3A_1087 : vector<16xf32>
        %add3A_1277 = arith.constant 0.000000e+00 : f32
        %add3A_1278 = vector.broadcast %add3A_1277 : f32 to vector<16xf32>
        %add3A_1279 = arith.addf %add3A_1278, %mul3A_1276 : vector<16xf32>
        %mul3A_1280 = arith.mulf %gather3A_1091, %gather3A_1091 : vector<16xf32>
        %add3A_1281 = arith.addf %add3A_1279, %mul3A_1280 : vector<16xf32>
        %mul3A_1282 = arith.mulf %gather3A_1095, %gather3A_1095 : vector<16xf32>
        %add3A_1283 = arith.addf %add3A_1281, %mul3A_1282 : vector<16xf32>
        %mul3A_1284 = arith.mulf %gather3A_1099, %gather3A_1099 : vector<16xf32>
        %add3A_1285 = arith.addf %add3A_1283, %mul3A_1284 : vector<16xf32>
        %iota3A_1286 = tpu.iota {dimensions = array<i32: 0>} : vector<16xi32>
        %xor3A_1287 = arith.constant 1 : i32
        %xor3A_1288 = vector.broadcast %xor3A_1287 : i32 to vector<16xi32>
        %xor3A_1289 = arith.xori %iota3A_1286, %xor3A_1288 : vector<16xi32>
        %reshape3A_1290 = vector.shape_cast %xor3A_1289 : vector<16xi32> to vector<16x1xi32>
        %gather3A_1291 = vector.shape_cast %reshape3A_1290 : vector<16x1xi32> to vector<16xi32>
        %gather3A_1292 = tpu.dynamic_gather %add3A_1285[%gather3A_1291] in [0] : vector<16xf32>, vector<16xi32> -> vector<16xf32>
        %add3A_1293 = arith.addf %add3A_1285, %gather3A_1292 : vector<16xf32>
        %xor3A_1294 = arith.constant 2 : i32
        %xor3A_1295 = vector.broadcast %xor3A_1294 : i32 to vector<16xi32>
        %xor3A_1296 = arith.xori %iota3A_1286, %xor3A_1295 : vector<16xi32>
        %reshape3A_1297 = vector.shape_cast %xor3A_1296 : vector<16xi32> to vector<16x1xi32>
        %gather3A_1298 = vector.shape_cast %reshape3A_1297 : vector<16x1xi32> to vector<16xi32>
        %gather3A_1299 = tpu.dynamic_gather %add3A_1293[%gather3A_1298] in [0] : vector<16xf32>, vector<16xi32> -> vector<16xf32>
        %add3A_1300 = arith.addf %add3A_1293, %gather3A_1299 : vector<16xf32>
        %xor3A_1301 = arith.constant 4 : i32
        %xor3A_1302 = vector.broadcast %xor3A_1301 : i32 to vector<16xi32>
        %xor3A_1303 = arith.xori %iota3A_1286, %xor3A_1302 : vector<16xi32>
        %reshape3A_1304 = vector.shape_cast %xor3A_1303 : vector<16xi32> to vector<16x1xi32>
        %gather3A_1305 = vector.shape_cast %reshape3A_1304 : vector<16x1xi32> to vector<16xi32>
        %gather3A_1306 = tpu.dynamic_gather %add3A_1300[%gather3A_1305] in [0] : vector<16xf32>, vector<16xi32> -> vector<16xf32>
        %add3A_1307 = arith.addf %add3A_1300, %gather3A_1306 : vector<16xf32>
        %xor3A_1308 = arith.constant 8 : i32
        %xor3A_1309 = vector.broadcast %xor3A_1308 : i32 to vector<16xi32>
        %xor3A_1310 = arith.xori %iota3A_1286, %xor3A_1309 : vector<16xi32>
        %reshape3A_1311 = vector.shape_cast %xor3A_1310 : vector<16xi32> to vector<16x1xi32>
        %gather3A_1312 = vector.shape_cast %reshape3A_1311 : vector<16x1xi32> to vector<16xi32>
        %gather3A_1313 = tpu.dynamic_gather %add3A_1307[%gather3A_1312] in [0] : vector<16xf32>, vector<16xi32> -> vector<16xf32>
        %add3A_1314 = arith.addf %add3A_1307, %gather3A_1313 : vector<16xf32>
        %mul3A_1315 = arith.mulf %sub3A_1230, %sub3A_1230 : vector<16xf32>
        %add3A_1316 = arith.constant 0.000000e+00 : f32
        %add3A_1317 = vector.broadcast %add3A_1316 : f32 to vector<16xf32>
        %add3A_1318 = arith.addf %add3A_1317, %mul3A_1315 : vector<16xf32>
        %mul3A_1319 = arith.mulf %sub3A_1232, %sub3A_1232 : vector<16xf32>
        %add3A_1320 = arith.addf %add3A_1318, %mul3A_1319 : vector<16xf32>
        %mul3A_1321 = arith.mulf %sub3A_1234, %sub3A_1234 : vector<16xf32>
        %add3A_1322 = arith.addf %add3A_1320, %mul3A_1321 : vector<16xf32>
        %mul3A_1323 = arith.mulf %sub3A_1236, %sub3A_1236 : vector<16xf32>
        %add3A_1324 = arith.addf %add3A_1322, %mul3A_1323 : vector<16xf32>
        %iota3A_1325 = tpu.iota {dimensions = array<i32: 0>} : vector<16xi32>
        %xor3A_1326 = arith.constant 1 : i32
        %xor3A_1327 = vector.broadcast %xor3A_1326 : i32 to vector<16xi32>
        %xor3A_1328 = arith.xori %iota3A_1325, %xor3A_1327 : vector<16xi32>
        %reshape3A_1329 = vector.shape_cast %xor3A_1328 : vector<16xi32> to vector<16x1xi32>
        %gather3A_1330 = vector.shape_cast %reshape3A_1329 : vector<16x1xi32> to vector<16xi32>
        %gather3A_1331 = tpu.dynamic_gather %add3A_1324[%gather3A_1330] in [0] : vector<16xf32>, vector<16xi32> -> vector<16xf32>
        %add3A_1332 = arith.addf %add3A_1324, %gather3A_1331 : vector<16xf32>
        %xor3A_1333 = arith.constant 2 : i32
        %xor3A_1334 = vector.broadcast %xor3A_1333 : i32 to vector<16xi32>
        %xor3A_1335 = arith.xori %iota3A_1325, %xor3A_1334 : vector<16xi32>
        %reshape3A_1336 = vector.shape_cast %xor3A_1335 : vector<16xi32> to vector<16x1xi32>
        %gather3A_1337 = vector.shape_cast %reshape3A_1336 : vector<16x1xi32> to vector<16xi32>
        %gather3A_1338 = tpu.dynamic_gather %add3A_1332[%gather3A_1337] in [0] : vector<16xf32>, vector<16xi32> -> vector<16xf32>
        %add3A_1339 = arith.addf %add3A_1332, %gather3A_1338 : vector<16xf32>
        %xor3A_1340 = arith.constant 4 : i32
        %xor3A_1341 = vector.broadcast %xor3A_1340 : i32 to vector<16xi32>
        %xor3A_1342 = arith.xori %iota3A_1325, %xor3A_1341 : vector<16xi32>
        %reshape3A_1343 = vector.shape_cast %xor3A_1342 : vector<16xi32> to vector<16x1xi32>
        %gather3A_1344 = vector.shape_cast %reshape3A_1343 : vector<16x1xi32> to vector<16xi32>
        %gather3A_1345 = tpu.dynamic_gather %add3A_1339[%gather3A_1344] in [0] : vector<16xf32>, vector<16xi32> -> vector<16xf32>
        %add3A_1346 = arith.addf %add3A_1339, %gather3A_1345 : vector<16xf32>
        %xor3A_1347 = arith.constant 8 : i32
        %xor3A_1348 = vector.broadcast %xor3A_1347 : i32 to vector<16xi32>
        %xor3A_1349 = arith.xori %iota3A_1325, %xor3A_1348 : vector<16xi32>
        %reshape3A_1350 = vector.shape_cast %xor3A_1349 : vector<16xi32> to vector<16x1xi32>
        %gather3A_1351 = vector.shape_cast %reshape3A_1350 : vector<16x1xi32> to vector<16xi32>
        %gather3A_1352 = tpu.dynamic_gather %add3A_1346[%gather3A_1351] in [0] : vector<16xf32>, vector<16xi32> -> vector<16xf32>
        %add3A_1353 = arith.addf %add3A_1346, %gather3A_1352 : vector<16xf32>
        %bitcast_convert_type3A = tpu.bitcast %add3A_1275 : vector<16xf32> -> vector<16xi32>
        %shift_right_logical3A_1354 = arith.constant 1 : i32
        %shift_right_logical3A_1355 = vector.broadcast %shift_right_logical3A_1354 : i32 to vector<16xi32>
        %shift_right_logical3A_1356 = arith.shrui %bitcast_convert_type3A, %shift_right_logical3A_1355 : vector<16xi32>
        %sub3A_1357 = arith.constant 1597463007 : i32
        %sub3A_1358 = vector.broadcast %sub3A_1357 : i32 to vector<16xi32>
        %sub3A_1359 = arith.subi %sub3A_1358, %shift_right_logical3A_1356 : vector<16xi32>
        %bitcast_convert_type3A_1360 = tpu.bitcast %sub3A_1359 : vector<16xi32> -> vector<16xf32>
        %mul3A_1361 = arith.constant 5.000000e-01 : f32
        %mul3A_1362 = vector.broadcast %mul3A_1361 : f32 to vector<16xf32>
        %mul3A_1363 = arith.mulf %add3A_1275, %mul3A_1362 : vector<16xf32>
        %mul3A_1364 = arith.mulf %mul3A_1363, %bitcast_convert_type3A_1360 : vector<16xf32>
        %mul3A_1365 = arith.mulf %mul3A_1364, %bitcast_convert_type3A_1360 : vector<16xf32>
        %sub3A_1366 = arith.constant 1.500000e+00 : f32
        %sub3A_1367 = vector.broadcast %sub3A_1366 : f32 to vector<16xf32>
        %sub3A_1368 = arith.subf %sub3A_1367, %mul3A_1365 : vector<16xf32>
        %mul3A_1369 = arith.mulf %bitcast_convert_type3A_1360, %sub3A_1368 : vector<16xf32>
        %mul3A_1370 = arith.mulf %mul3A_1363, %mul3A_1369 : vector<16xf32>
        %mul3A_1371 = arith.mulf %mul3A_1370, %mul3A_1369 : vector<16xf32>
        %sub3A_1372 = arith.constant 1.500000e+00 : f32
        %sub3A_1373 = vector.broadcast %sub3A_1372 : f32 to vector<16xf32>
        %sub3A_1374 = arith.subf %sub3A_1373, %mul3A_1371 : vector<16xf32>
        %mul3A_1375 = arith.mulf %mul3A_1369, %sub3A_1374 : vector<16xf32>
        %mul3A_1376 = arith.mulf %mul3A_1363, %mul3A_1375 : vector<16xf32>
        %mul3A_1377 = arith.mulf %mul3A_1376, %mul3A_1375 : vector<16xf32>
        %sub3A_1378 = arith.constant 1.500000e+00 : f32
        %sub3A_1379 = vector.broadcast %sub3A_1378 : f32 to vector<16xf32>
        %sub3A_1380 = arith.subf %sub3A_1379, %mul3A_1377 : vector<16xf32>
        %mul3A_1381 = arith.mulf %mul3A_1375, %sub3A_1380 : vector<16xf32>
        %min3A = arith.constant 9.99999995E+11 : f32
        %min3A_1382 = vector.broadcast %min3A : f32 to vector<16xf32>
        %min3A_1383 = arith.minimumf %mul3A_1381, %min3A_1382 : vector<16xf32>
        %bitcast_convert_type3A_1384 = tpu.bitcast %add3A_1314 : vector<16xf32> -> vector<16xi32>
        %shift_right_logical3A_1385 = arith.constant 1 : i32
        %shift_right_logical3A_1386 = vector.broadcast %shift_right_logical3A_1385 : i32 to vector<16xi32>
        %shift_right_logical3A_1387 = arith.shrui %bitcast_convert_type3A_1384, %shift_right_logical3A_1386 : vector<16xi32>
        %sub3A_1388 = arith.constant 1597463007 : i32
        %sub3A_1389 = vector.broadcast %sub3A_1388 : i32 to vector<16xi32>
        %sub3A_1390 = arith.subi %sub3A_1389, %shift_right_logical3A_1387 : vector<16xi32>
        %bitcast_convert_type3A_1391 = tpu.bitcast %sub3A_1390 : vector<16xi32> -> vector<16xf32>
        %mul3A_1392 = arith.constant 5.000000e-01 : f32
        %mul3A_1393 = vector.broadcast %mul3A_1392 : f32 to vector<16xf32>
        %mul3A_1394 = arith.mulf %add3A_1314, %mul3A_1393 : vector<16xf32>
        %mul3A_1395 = arith.mulf %mul3A_1394, %bitcast_convert_type3A_1391 : vector<16xf32>
        %mul3A_1396 = arith.mulf %mul3A_1395, %bitcast_convert_type3A_1391 : vector<16xf32>
        %sub3A_1397 = arith.constant 1.500000e+00 : f32
        %sub3A_1398 = vector.broadcast %sub3A_1397 : f32 to vector<16xf32>
        %sub3A_1399 = arith.subf %sub3A_1398, %mul3A_1396 : vector<16xf32>
        %mul3A_1400 = arith.mulf %bitcast_convert_type3A_1391, %sub3A_1399 : vector<16xf32>
        %mul3A_1401 = arith.mulf %mul3A_1394, %mul3A_1400 : vector<16xf32>
        %mul3A_1402 = arith.mulf %mul3A_1401, %mul3A_1400 : vector<16xf32>
        %sub3A_1403 = arith.constant 1.500000e+00 : f32
        %sub3A_1404 = vector.broadcast %sub3A_1403 : f32 to vector<16xf32>
        %sub3A_1405 = arith.subf %sub3A_1404, %mul3A_1402 : vector<16xf32>
        %mul3A_1406 = arith.mulf %mul3A_1400, %sub3A_1405 : vector<16xf32>
        %mul3A_1407 = arith.mulf %mul3A_1394, %mul3A_1406 : vector<16xf32>
        %mul3A_1408 = arith.mulf %mul3A_1407, %mul3A_1406 : vector<16xf32>
        %sub3A_1409 = arith.constant 1.500000e+00 : f32
        %sub3A_1410 = vector.broadcast %sub3A_1409 : f32 to vector<16xf32>
        %sub3A_1411 = arith.subf %sub3A_1410, %mul3A_1408 : vector<16xf32>
        %mul3A_1412 = arith.mulf %mul3A_1406, %sub3A_1411 : vector<16xf32>
        %min3A_1413 = arith.constant 9.99999995E+11 : f32
        %min3A_1414 = vector.broadcast %min3A_1413 : f32 to vector<16xf32>
        %min3A_1415 = arith.minimumf %mul3A_1412, %min3A_1414 : vector<16xf32>
        %bitcast_convert_type3A_1416 = tpu.bitcast %add3A_1353 : vector<16xf32> -> vector<16xi32>
        %shift_right_logical3A_1417 = arith.constant 1 : i32
        %shift_right_logical3A_1418 = vector.broadcast %shift_right_logical3A_1417 : i32 to vector<16xi32>
        %shift_right_logical3A_1419 = arith.shrui %bitcast_convert_type3A_1416, %shift_right_logical3A_1418 : vector<16xi32>
        %sub3A_1420 = arith.constant 1597463007 : i32
        %sub3A_1421 = vector.broadcast %sub3A_1420 : i32 to vector<16xi32>
        %sub3A_1422 = arith.subi %sub3A_1421, %shift_right_logical3A_1419 : vector<16xi32>
        %bitcast_convert_type3A_1423 = tpu.bitcast %sub3A_1422 : vector<16xi32> -> vector<16xf32>
        %mul3A_1424 = arith.constant 5.000000e-01 : f32
        %mul3A_1425 = vector.broadcast %mul3A_1424 : f32 to vector<16xf32>
        %mul3A_1426 = arith.mulf %add3A_1353, %mul3A_1425 : vector<16xf32>
        %mul3A_1427 = arith.mulf %mul3A_1426, %bitcast_convert_type3A_1423 : vector<16xf32>
        %mul3A_1428 = arith.mulf %mul3A_1427, %bitcast_convert_type3A_1423 : vector<16xf32>
        %sub3A_1429 = arith.constant 1.500000e+00 : f32
        %sub3A_1430 = vector.broadcast %sub3A_1429 : f32 to vector<16xf32>
        %sub3A_1431 = arith.subf %sub3A_1430, %mul3A_1428 : vector<16xf32>
        %mul3A_1432 = arith.mulf %bitcast_convert_type3A_1423, %sub3A_1431 : vector<16xf32>
        %mul3A_1433 = arith.mulf %mul3A_1426, %mul3A_1432 : vector<16xf32>
        %mul3A_1434 = arith.mulf %mul3A_1433, %mul3A_1432 : vector<16xf32>
        %sub3A_1435 = arith.constant 1.500000e+00 : f32
        %sub3A_1436 = vector.broadcast %sub3A_1435 : f32 to vector<16xf32>
        %sub3A_1437 = arith.subf %sub3A_1436, %mul3A_1434 : vector<16xf32>
        %mul3A_1438 = arith.mulf %mul3A_1432, %sub3A_1437 : vector<16xf32>
        %mul3A_1439 = arith.mulf %mul3A_1426, %mul3A_1438 : vector<16xf32>
        %mul3A_1440 = arith.mulf %mul3A_1439, %mul3A_1438 : vector<16xf32>
        %sub3A_1441 = arith.constant 1.500000e+00 : f32
        %sub3A_1442 = vector.broadcast %sub3A_1441 : f32 to vector<16xf32>
        %sub3A_1443 = arith.subf %sub3A_1442, %mul3A_1440 : vector<16xf32>
        %mul3A_1444 = arith.mulf %mul3A_1438, %sub3A_1443 : vector<16xf32>
        %min3A_1445 = arith.constant 9.99999995E+11 : f32
        %min3A_1446 = vector.broadcast %min3A_1445 : f32 to vector<16xf32>
        %min3A_1447 = arith.minimumf %mul3A_1444, %min3A_1446 : vector<16xf32>
        %mul3A_1448 = arith.mulf %sub3A, %min3A_1383 : vector<16xf32>
        %mul3A_1449 = arith.mulf %gather3A_1087, %min3A_1415 : vector<16xf32>
        %add3A_1450 = arith.addf %mul3A_1448, %mul3A_1449 : vector<16xf32>
        %mul3A_1451 = arith.mulf %sub3A_1230, %min3A_1447 : vector<16xf32>
        %sub3A_1452 = arith.subf %add3A_1450, %mul3A_1451 : vector<16xf32>
        %abs3A = math.absf %sub3A_1452 : vector<16xf32>
        %add3A_1453 = arith.constant 0.000000e+00 : f32
        %add3A_1454 = vector.broadcast %add3A_1453 : f32 to vector<16xf32>
        %add3A_1455 = arith.addf %add3A_1454, %abs3A : vector<16xf32>
        %mul3A_1456 = arith.mulf %sub3A_1224, %min3A_1383 : vector<16xf32>
        %mul3A_1457 = arith.mulf %gather3A_1091, %min3A_1415 : vector<16xf32>
        %add3A_1458 = arith.addf %mul3A_1456, %mul3A_1457 : vector<16xf32>
        %mul3A_1459 = arith.mulf %sub3A_1232, %min3A_1447 : vector<16xf32>
        %sub3A_1460 = arith.subf %add3A_1458, %mul3A_1459 : vector<16xf32>
        %abs3A_1461 = math.absf %sub3A_1460 : vector<16xf32>
        %add3A_1462 = arith.addf %add3A_1455, %abs3A_1461 : vector<16xf32>
        %mul3A_1463 = arith.mulf %sub3A_1226, %min3A_1383 : vector<16xf32>
        %mul3A_1464 = arith.mulf %gather3A_1095, %min3A_1415 : vector<16xf32>
        %add3A_1465 = arith.addf %mul3A_1463, %mul3A_1464 : vector<16xf32>
        %mul3A_1466 = arith.mulf %sub3A_1234, %min3A_1447 : vector<16xf32>
        %sub3A_1467 = arith.subf %add3A_1465, %mul3A_1466 : vector<16xf32>
        %abs3A_1468 = math.absf %sub3A_1467 : vector<16xf32>
        %add3A_1469 = arith.addf %add3A_1462, %abs3A_1468 : vector<16xf32>
        %mul3A_1470 = arith.mulf %sub3A_1228, %min3A_1383 : vector<16xf32>
        %mul3A_1471 = arith.mulf %gather3A_1099, %min3A_1415 : vector<16xf32>
        %add3A_1472 = arith.addf %mul3A_1470, %mul3A_1471 : vector<16xf32>
        %mul3A_1473 = arith.mulf %sub3A_1236, %min3A_1447 : vector<16xf32>
        %sub3A_1474 = arith.subf %add3A_1472, %mul3A_1473 : vector<16xf32>
        %abs3A_1475 = math.absf %sub3A_1474 : vector<16xf32>
        %add3A_1476 = arith.addf %add3A_1469, %abs3A_1475 : vector<16xf32>
        %iota3A_1477 = tpu.iota {dimensions = array<i32: 0>} : vector<16xi32>
        %xor3A_1478 = arith.constant 1 : i32
        %xor3A_1479 = vector.broadcast %xor3A_1478 : i32 to vector<16xi32>
        %xor3A_1480 = arith.xori %iota3A_1477, %xor3A_1479 : vector<16xi32>
        %reshape3A_1481 = vector.shape_cast %xor3A_1480 : vector<16xi32> to vector<16x1xi32>
        %gather3A_1482 = vector.shape_cast %reshape3A_1481 : vector<16x1xi32> to vector<16xi32>
        %gather3A_1483 = tpu.dynamic_gather %add3A_1476[%gather3A_1482] in [0] : vector<16xf32>, vector<16xi32> -> vector<16xf32>
        %add3A_1484 = arith.addf %add3A_1476, %gather3A_1483 : vector<16xf32>
        %xor3A_1485 = arith.constant 2 : i32
        %xor3A_1486 = vector.broadcast %xor3A_1485 : i32 to vector<16xi32>
        %xor3A_1487 = arith.xori %iota3A_1477, %xor3A_1486 : vector<16xi32>
        %reshape3A_1488 = vector.shape_cast %xor3A_1487 : vector<16xi32> to vector<16x1xi32>
        %gather3A_1489 = vector.shape_cast %reshape3A_1488 : vector<16x1xi32> to vector<16xi32>
        %gather3A_1490 = tpu.dynamic_gather %add3A_1484[%gather3A_1489] in [0] : vector<16xf32>, vector<16xi32> -> vector<16xf32>
        %add3A_1491 = arith.addf %add3A_1484, %gather3A_1490 : vector<16xf32>
        %xor3A_1492 = arith.constant 4 : i32
        %xor3A_1493 = vector.broadcast %xor3A_1492 : i32 to vector<16xi32>
        %xor3A_1494 = arith.xori %iota3A_1477, %xor3A_1493 : vector<16xi32>
        %reshape3A_1495 = vector.shape_cast %xor3A_1494 : vector<16xi32> to vector<16x1xi32>
        %gather3A_1496 = vector.shape_cast %reshape3A_1495 : vector<16x1xi32> to vector<16xi32>
        %gather3A_1497 = tpu.dynamic_gather %add3A_1491[%gather3A_1496] in [0] : vector<16xf32>, vector<16xi32> -> vector<16xf32>
        %add3A_1498 = arith.addf %add3A_1491, %gather3A_1497 : vector<16xf32>
        %xor3A_1499 = arith.constant 8 : i32
        %xor3A_1500 = vector.broadcast %xor3A_1499 : i32 to vector<16xi32>
        %xor3A_1501 = arith.xori %iota3A_1477, %xor3A_1500 : vector<16xi32>
        %reshape3A_1502 = vector.shape_cast %xor3A_1501 : vector<16xi32> to vector<16x1xi32>
        %gather3A_1503 = vector.shape_cast %reshape3A_1502 : vector<16x1xi32> to vector<16xi32>
        %gather3A_1504 = tpu.dynamic_gather %add3A_1498[%gather3A_1503] in [0] : vector<16xf32>, vector<16xi32> -> vector<16xf32>
        %add3A_1505 = arith.addf %add3A_1498, %gather3A_1504 : vector<16xf32>
        %eq3A = vector.broadcast %mul3A_1029 : i32 to vector<16xi32>
        %eq3A_1506 = arith.cmpi eq, %iota3A, %eq3A : vector<16xi32>
        %select_n3A = arith.select %eq3A_1506, %add3A_1505, %scan3A_1022 : vector<16xi1>, vector<16xf32>
        %mul3A_1507 = arith.constant 2 : i32
        %mul3A_1508 = arith.muli %mul3A_1507, %scan3A_1021 : i32
        %add3A_1509 = arith.constant 1 : i32
        %add3A_1510 = arith.addi %mul3A_1508, %add3A_1509 : i32
        %broadcast_in_dim3A_1511 = vector.broadcast %add3A_1510 : i32 to vector<16xi32>
        %reshape3A_1512 = vector.shape_cast %broadcast_in_dim3A_1511 : vector<16xi32> to vector<16x1xi32>
        %gather3A_1513 = vector.shape_cast %reshape3A_1512 : vector<16x1xi32> to vector<16xi32>
        %gather3A_1514 = tpu.dynamic_gather %and3A_34[%gather3A_1513] in [0] : vector<16xi32>, vector<16xi32> -> vector<16xi32>
        %gather3A_1515 = vector.shape_cast %reshape3A_1512 : vector<16x1xi32> to vector<16xi32>
        %gather3A_1516 = tpu.dynamic_gather %and3A_37[%gather3A_1515] in [0] : vector<16xi32>, vector<16xi32> -> vector<16xi32>
        %gather3A_1517 = vector.shape_cast %reshape3A_1512 : vector<16x1xi32> to vector<16xi32>
        %gather3A_1518 = tpu.dynamic_gather %and3A_40[%gather3A_1517] in [0] : vector<16xi32>, vector<16xi32> -> vector<16xi32>
        %add3A_1519 = arith.constant 0 : i32
        %add3A_1520 = vector.broadcast %add3A_1519 : i32 to vector<16xi32>
        %add3A_1521 = arith.addi %iota3A, %add3A_1520 : vector<16xi32>
        %gather3A_1522 = tpu.vector_load_idx %arg12[%broadcast_in_dim3A_1511, %gather3A_1514, %add3A_1521] : memref<16x8x64xf32, #tpu.memory_space<vmem>>[vector<16xi32>, vector<16xi32>, vector<16xi32>], vector<16xf32>,
        %add3A_1523 = arith.constant 16 : i32
        %add3A_1524 = vector.broadcast %add3A_1523 : i32 to vector<16xi32>
        %add3A_1525 = arith.addi %iota3A, %add3A_1524 : vector<16xi32>
        %gather3A_1526 = tpu.vector_load_idx %arg12[%broadcast_in_dim3A_1511, %gather3A_1514, %add3A_1525] : memref<16x8x64xf32, #tpu.memory_space<vmem>>[vector<16xi32>, vector<16xi32>, vector<16xi32>], vector<16xf32>,
        %add3A_1527 = arith.constant 32 : i32
        %add3A_1528 = vector.broadcast %add3A_1527 : i32 to vector<16xi32>
        %add3A_1529 = arith.addi %iota3A, %add3A_1528 : vector<16xi32>
        %gather3A_1530 = tpu.vector_load_idx %arg12[%broadcast_in_dim3A_1511, %gather3A_1514, %add3A_1529] : memref<16x8x64xf32, #tpu.memory_space<vmem>>[vector<16xi32>, vector<16xi32>, vector<16xi32>], vector<16xf32>,
        %add3A_1531 = arith.constant 48 : i32
        %add3A_1532 = vector.broadcast %add3A_1531 : i32 to vector<16xi32>
        %add3A_1533 = arith.addi %iota3A, %add3A_1532 : vector<16xi32>
        %gather3A_1534 = tpu.vector_load_idx %arg12[%broadcast_in_dim3A_1511, %gather3A_1514, %add3A_1533] : memref<16x8x64xf32, #tpu.memory_space<vmem>>[vector<16xi32>, vector<16xi32>, vector<16xi32>], vector<16xf32>,
        %add3A_1535 = arith.constant 0 : i32
        %add3A_1536 = vector.broadcast %add3A_1535 : i32 to vector<16xi32>
        %add3A_1537 = arith.addi %iota3A, %add3A_1536 : vector<16xi32>
        %gather3A_1538 = tpu.vector_load_idx %arg15[%broadcast_in_dim3A_1511, %gather3A_1516, %add3A_1537] : memref<16x8x64xf32, #tpu.memory_space<vmem>>[vector<16xi32>, vector<16xi32>, vector<16xi32>], vector<16xf32>,
        %add3A_1539 = arith.constant 16 : i32
        %add3A_1540 = vector.broadcast %add3A_1539 : i32 to vector<16xi32>
        %add3A_1541 = arith.addi %iota3A, %add3A_1540 : vector<16xi32>
        %gather3A_1542 = tpu.vector_load_idx %arg15[%broadcast_in_dim3A_1511, %gather3A_1516, %add3A_1541] : memref<16x8x64xf32, #tpu.memory_space<vmem>>[vector<16xi32>, vector<16xi32>, vector<16xi32>], vector<16xf32>,
        %add3A_1543 = arith.constant 32 : i32
        %add3A_1544 = vector.broadcast %add3A_1543 : i32 to vector<16xi32>
        %add3A_1545 = arith.addi %iota3A, %add3A_1544 : vector<16xi32>
        %gather3A_1546 = tpu.vector_load_idx %arg15[%broadcast_in_dim3A_1511, %gather3A_1516, %add3A_1545] : memref<16x8x64xf32, #tpu.memory_space<vmem>>[vector<16xi32>, vector<16xi32>, vector<16xi32>], vector<16xf32>,
        %add3A_1547 = arith.constant 48 : i32
        %add3A_1548 = vector.broadcast %add3A_1547 : i32 to vector<16xi32>
        %add3A_1549 = arith.addi %iota3A, %add3A_1548 : vector<16xi32>
        %gather3A_1550 = tpu.vector_load_idx %arg15[%broadcast_in_dim3A_1511, %gather3A_1516, %add3A_1549] : memref<16x8x64xf32, #tpu.memory_space<vmem>>[vector<16xi32>, vector<16xi32>, vector<16xi32>], vector<16xf32>,
        %add3A_1551 = arith.constant 0 : i32
        %add3A_1552 = vector.broadcast %add3A_1551 : i32 to vector<16xi32>
        %add3A_1553 = arith.addi %iota3A, %add3A_1552 : vector<16xi32>
        %gather3A_1554 = tpu.vector_load_idx %arg14[%broadcast_in_dim3A_1511, %gather3A_1518, %add3A_1553] : memref<16x8x64xf32, #tpu.memory_space<vmem>>[vector<16xi32>, vector<16xi32>, vector<16xi32>], vector<16xf32>,
        %add3A_1555 = arith.constant 16 : i32
        %add3A_1556 = vector.broadcast %add3A_1555 : i32 to vector<16xi32>
        %add3A_1557 = arith.addi %iota3A, %add3A_1556 : vector<16xi32>
        %gather3A_1558 = tpu.vector_load_idx %arg14[%broadcast_in_dim3A_1511, %gather3A_1518, %add3A_1557] : memref<16x8x64xf32, #tpu.memory_space<vmem>>[vector<16xi32>, vector<16xi32>, vector<16xi32>], vector<16xf32>,
        %add3A_1559 = arith.constant 32 : i32
        %add3A_1560 = vector.broadcast %add3A_1559 : i32 to vector<16xi32>
        %add3A_1561 = arith.addi %iota3A, %add3A_1560 : vector<16xi32>
        %gather3A_1562 = tpu.vector_load_idx %arg14[%broadcast_in_dim3A_1511, %gather3A_1518, %add3A_1561] : memref<16x8x64xf32, #tpu.memory_space<vmem>>[vector<16xi32>, vector<16xi32>, vector<16xi32>], vector<16xf32>,
        %add3A_1563 = arith.constant 48 : i32
        %add3A_1564 = vector.broadcast %add3A_1563 : i32 to vector<16xi32>
        %add3A_1565 = arith.addi %iota3A, %add3A_1564 : vector<16xi32>
        %gather3A_1566 = tpu.vector_load_idx %arg14[%broadcast_in_dim3A_1511, %gather3A_1518, %add3A_1565] : memref<16x8x64xf32, #tpu.memory_space<vmem>>[vector<16xi32>, vector<16xi32>, vector<16xi32>], vector<16xf32>,
        %add3A_1567 = arith.constant 0 : i32
        %add3A_1568 = vector.broadcast %add3A_1567 : i32 to vector<16xi32>
        %add3A_1569 = arith.addi %iota3A, %add3A_1568 : vector<16xi32>
        %gather3A_1570 = tpu.vector_load_idx %arg13[%broadcast_in_dim3A_1511, %gather3A_1516, %add3A_1569] : memref<16x8x64xf32, #tpu.memory_space<vmem>>[vector<16xi32>, vector<16xi32>, vector<16xi32>], vector<16xf32>,
        %add3A_1571 = arith.constant 16 : i32
        %add3A_1572 = vector.broadcast %add3A_1571 : i32 to vector<16xi32>
        %add3A_1573 = arith.addi %iota3A, %add3A_1572 : vector<16xi32>
        %gather3A_1574 = tpu.vector_load_idx %arg13[%broadcast_in_dim3A_1511, %gather3A_1516, %add3A_1573] : memref<16x8x64xf32, #tpu.memory_space<vmem>>[vector<16xi32>, vector<16xi32>, vector<16xi32>], vector<16xf32>,
        %add3A_1575 = arith.constant 32 : i32
        %add3A_1576 = vector.broadcast %add3A_1575 : i32 to vector<16xi32>
        %add3A_1577 = arith.addi %iota3A, %add3A_1576 : vector<16xi32>
        %gather3A_1578 = tpu.vector_load_idx %arg13[%broadcast_in_dim3A_1511, %gather3A_1516, %add3A_1577] : memref<16x8x64xf32, #tpu.memory_space<vmem>>[vector<16xi32>, vector<16xi32>, vector<16xi32>], vector<16xf32>,
        %add3A_1579 = arith.constant 48 : i32
        %add3A_1580 = vector.broadcast %add3A_1579 : i32 to vector<16xi32>
        %add3A_1581 = arith.addi %iota3A, %add3A_1580 : vector<16xi32>
        %gather3A_1582 = tpu.vector_load_idx %arg13[%broadcast_in_dim3A_1511, %gather3A_1516, %add3A_1581] : memref<16x8x64xf32, #tpu.memory_space<vmem>>[vector<16xi32>, vector<16xi32>, vector<16xi32>], vector<16xf32>,
        %mul3A_1583 = arith.mulf %gather3A_1538, %gather3A_1538 : vector<16xf32>
        %add3A_1584 = arith.constant 0.000000e+00 : f32
        %add3A_1585 = vector.broadcast %add3A_1584 : f32 to vector<16xf32>
        %add3A_1586 = arith.addf %add3A_1585, %mul3A_1583 : vector<16xf32>
        %mul3A_1587 = arith.mulf %gather3A_1542, %gather3A_1542 : vector<16xf32>
        %add3A_1588 = arith.addf %add3A_1586, %mul3A_1587 : vector<16xf32>
        %mul3A_1589 = arith.mulf %gather3A_1546, %gather3A_1546 : vector<16xf32>
        %add3A_1590 = arith.addf %add3A_1588, %mul3A_1589 : vector<16xf32>
        %mul3A_1591 = arith.mulf %gather3A_1550, %gather3A_1550 : vector<16xf32>
        %add3A_1592 = arith.addf %add3A_1590, %mul3A_1591 : vector<16xf32>
        %iota3A_1593 = tpu.iota {dimensions = array<i32: 0>} : vector<16xi32>
        %xor3A_1594 = arith.constant 1 : i32
        %xor3A_1595 = vector.broadcast %xor3A_1594 : i32 to vector<16xi32>
        %xor3A_1596 = arith.xori %iota3A_1593, %xor3A_1595 : vector<16xi32>
        %reshape3A_1597 = vector.shape_cast %xor3A_1596 : vector<16xi32> to vector<16x1xi32>
        %gather3A_1598 = vector.shape_cast %reshape3A_1597 : vector<16x1xi32> to vector<16xi32>
        %gather3A_1599 = tpu.dynamic_gather %add3A_1592[%gather3A_1598] in [0] : vector<16xf32>, vector<16xi32> -> vector<16xf32>
        %add3A_1600 = arith.addf %add3A_1592, %gather3A_1599 : vector<16xf32>
        %xor3A_1601 = arith.constant 2 : i32
        %xor3A_1602 = vector.broadcast %xor3A_1601 : i32 to vector<16xi32>
        %xor3A_1603 = arith.xori %iota3A_1593, %xor3A_1602 : vector<16xi32>
        %reshape3A_1604 = vector.shape_cast %xor3A_1603 : vector<16xi32> to vector<16x1xi32>
        %gather3A_1605 = vector.shape_cast %reshape3A_1604 : vector<16x1xi32> to vector<16xi32>
        %gather3A_1606 = tpu.dynamic_gather %add3A_1600[%gather3A_1605] in [0] : vector<16xf32>, vector<16xi32> -> vector<16xf32>
        %add3A_1607 = arith.addf %add3A_1600, %gather3A_1606 : vector<16xf32>
        %xor3A_1608 = arith.constant 4 : i32
        %xor3A_1609 = vector.broadcast %xor3A_1608 : i32 to vector<16xi32>
        %xor3A_1610 = arith.xori %iota3A_1593, %xor3A_1609 : vector<16xi32>
        %reshape3A_1611 = vector.shape_cast %xor3A_1610 : vector<16xi32> to vector<16x1xi32>
        %gather3A_1612 = vector.shape_cast %reshape3A_1611 : vector<16x1xi32> to vector<16xi32>
        %gather3A_1613 = tpu.dynamic_gather %add3A_1607[%gather3A_1612] in [0] : vector<16xf32>, vector<16xi32> -> vector<16xf32>
        %add3A_1614 = arith.addf %add3A_1607, %gather3A_1613 : vector<16xf32>
        %xor3A_1615 = arith.constant 8 : i32
        %xor3A_1616 = vector.broadcast %xor3A_1615 : i32 to vector<16xi32>
        %xor3A_1617 = arith.xori %iota3A_1593, %xor3A_1616 : vector<16xi32>
        %reshape3A_1618 = vector.shape_cast %xor3A_1617 : vector<16xi32> to vector<16x1xi32>
        %gather3A_1619 = vector.shape_cast %reshape3A_1618 : vector<16x1xi32> to vector<16xi32>
        %gather3A_1620 = tpu.dynamic_gather %add3A_1614[%gather3A_1619] in [0] : vector<16xf32>, vector<16xi32> -> vector<16xf32>
        %add3A_1621 = arith.addf %add3A_1614, %gather3A_1620 : vector<16xf32>
        %mul3A_1622 = arith.mulf %gather3A_1522, %gather3A_1538 : vector<16xf32>
        %add3A_1623 = arith.constant 0.000000e+00 : f32
        %add3A_1624 = vector.broadcast %add3A_1623 : f32 to vector<16xf32>
        %add3A_1625 = arith.addf %add3A_1624, %mul3A_1622 : vector<16xf32>
        %mul3A_1626 = arith.mulf %gather3A_1526, %gather3A_1542 : vector<16xf32>
        %add3A_1627 = arith.addf %add3A_1625, %mul3A_1626 : vector<16xf32>
        %mul3A_1628 = arith.mulf %gather3A_1530, %gather3A_1546 : vector<16xf32>
        %add3A_1629 = arith.addf %add3A_1627, %mul3A_1628 : vector<16xf32>
        %mul3A_1630 = arith.mulf %gather3A_1534, %gather3A_1550 : vector<16xf32>
        %add3A_1631 = arith.addf %add3A_1629, %mul3A_1630 : vector<16xf32>
        %iota3A_1632 = tpu.iota {dimensions = array<i32: 0>} : vector<16xi32>
        %xor3A_1633 = arith.constant 1 : i32
        %xor3A_1634 = vector.broadcast %xor3A_1633 : i32 to vector<16xi32>
        %xor3A_1635 = arith.xori %iota3A_1632, %xor3A_1634 : vector<16xi32>
        %reshape3A_1636 = vector.shape_cast %xor3A_1635 : vector<16xi32> to vector<16x1xi32>
        %gather3A_1637 = vector.shape_cast %reshape3A_1636 : vector<16x1xi32> to vector<16xi32>
        %gather3A_1638 = tpu.dynamic_gather %add3A_1631[%gather3A_1637] in [0] : vector<16xf32>, vector<16xi32> -> vector<16xf32>
        %add3A_1639 = arith.addf %add3A_1631, %gather3A_1638 : vector<16xf32>
        %xor3A_1640 = arith.constant 2 : i32
        %xor3A_1641 = vector.broadcast %xor3A_1640 : i32 to vector<16xi32>
        %xor3A_1642 = arith.xori %iota3A_1632, %xor3A_1641 : vector<16xi32>
        %reshape3A_1643 = vector.shape_cast %xor3A_1642 : vector<16xi32> to vector<16x1xi32>
        %gather3A_1644 = vector.shape_cast %reshape3A_1643 : vector<16x1xi32> to vector<16xi32>
        %gather3A_1645 = tpu.dynamic_gather %add3A_1639[%gather3A_1644] in [0] : vector<16xf32>, vector<16xi32> -> vector<16xf32>
        %add3A_1646 = arith.addf %add3A_1639, %gather3A_1645 : vector<16xf32>
        %xor3A_1647 = arith.constant 4 : i32
        %xor3A_1648 = vector.broadcast %xor3A_1647 : i32 to vector<16xi32>
        %xor3A_1649 = arith.xori %iota3A_1632, %xor3A_1648 : vector<16xi32>
        %reshape3A_1650 = vector.shape_cast %xor3A_1649 : vector<16xi32> to vector<16x1xi32>
        %gather3A_1651 = vector.shape_cast %reshape3A_1650 : vector<16x1xi32> to vector<16xi32>
        %gather3A_1652 = tpu.dynamic_gather %add3A_1646[%gather3A_1651] in [0] : vector<16xf32>, vector<16xi32> -> vector<16xf32>
        %add3A_1653 = arith.addf %add3A_1646, %gather3A_1652 : vector<16xf32>
        %xor3A_1654 = arith.constant 8 : i32
        %xor3A_1655 = vector.broadcast %xor3A_1654 : i32 to vector<16xi32>
        %xor3A_1656 = arith.xori %iota3A_1632, %xor3A_1655 : vector<16xi32>
        %reshape3A_1657 = vector.shape_cast %xor3A_1656 : vector<16xi32> to vector<16x1xi32>
        %gather3A_1658 = vector.shape_cast %reshape3A_1657 : vector<16x1xi32> to vector<16xi32>
        %gather3A_1659 = tpu.dynamic_gather %add3A_1653[%gather3A_1658] in [0] : vector<16xf32>, vector<16xi32> -> vector<16xf32>
        %add3A_1660 = arith.addf %add3A_1653, %gather3A_1659 : vector<16xf32>
        %mul3A_1661 = arith.mulf %gather3A_1554, %gather3A_1538 : vector<16xf32>
        %add3A_1662 = arith.constant 0.000000e+00 : f32
        %add3A_1663 = vector.broadcast %add3A_1662 : f32 to vector<16xf32>
        %add3A_1664 = arith.addf %add3A_1663, %mul3A_1661 : vector<16xf32>
        %mul3A_1665 = arith.mulf %gather3A_1558, %gather3A_1542 : vector<16xf32>
        %add3A_1666 = arith.addf %add3A_1664, %mul3A_1665 : vector<16xf32>
        %mul3A_1667 = arith.mulf %gather3A_1562, %gather3A_1546 : vector<16xf32>
        %add3A_1668 = arith.addf %add3A_1666, %mul3A_1667 : vector<16xf32>
        %mul3A_1669 = arith.mulf %gather3A_1566, %gather3A_1550 : vector<16xf32>
        %add3A_1670 = arith.addf %add3A_1668, %mul3A_1669 : vector<16xf32>
        %iota3A_1671 = tpu.iota {dimensions = array<i32: 0>} : vector<16xi32>
        %xor3A_1672 = arith.constant 1 : i32
        %xor3A_1673 = vector.broadcast %xor3A_1672 : i32 to vector<16xi32>
        %xor3A_1674 = arith.xori %iota3A_1671, %xor3A_1673 : vector<16xi32>
        %reshape3A_1675 = vector.shape_cast %xor3A_1674 : vector<16xi32> to vector<16x1xi32>
        %gather3A_1676 = vector.shape_cast %reshape3A_1675 : vector<16x1xi32> to vector<16xi32>
        %gather3A_1677 = tpu.dynamic_gather %add3A_1670[%gather3A_1676] in [0] : vector<16xf32>, vector<16xi32> -> vector<16xf32>
        %add3A_1678 = arith.addf %add3A_1670, %gather3A_1677 : vector<16xf32>
        %xor3A_1679 = arith.constant 2 : i32
        %xor3A_1680 = vector.broadcast %xor3A_1679 : i32 to vector<16xi32>
        %xor3A_1681 = arith.xori %iota3A_1671, %xor3A_1680 : vector<16xi32>
        %reshape3A_1682 = vector.shape_cast %xor3A_1681 : vector<16xi32> to vector<16x1xi32>
        %gather3A_1683 = vector.shape_cast %reshape3A_1682 : vector<16x1xi32> to vector<16xi32>
        %gather3A_1684 = tpu.dynamic_gather %add3A_1678[%gather3A_1683] in [0] : vector<16xf32>, vector<16xi32> -> vector<16xf32>
        %add3A_1685 = arith.addf %add3A_1678, %gather3A_1684 : vector<16xf32>
        %xor3A_1686 = arith.constant 4 : i32
        %xor3A_1687 = vector.broadcast %xor3A_1686 : i32 to vector<16xi32>
        %xor3A_1688 = arith.xori %iota3A_1671, %xor3A_1687 : vector<16xi32>
        %reshape3A_1689 = vector.shape_cast %xor3A_1688 : vector<16xi32> to vector<16x1xi32>
        %gather3A_1690 = vector.shape_cast %reshape3A_1689 : vector<16x1xi32> to vector<16xi32>
        %gather3A_1691 = tpu.dynamic_gather %add3A_1685[%gather3A_1690] in [0] : vector<16xf32>, vector<16xi32> -> vector<16xf32>
        %add3A_1692 = arith.addf %add3A_1685, %gather3A_1691 : vector<16xf32>
        %xor3A_1693 = arith.constant 8 : i32
        %xor3A_1694 = vector.broadcast %xor3A_1693 : i32 to vector<16xi32>
        %xor3A_1695 = arith.xori %iota3A_1671, %xor3A_1694 : vector<16xi32>
        %reshape3A_1696 = vector.shape_cast %xor3A_1695 : vector<16xi32> to vector<16x1xi32>
        %gather3A_1697 = vector.shape_cast %reshape3A_1696 : vector<16x1xi32> to vector<16xi32>
        %gather3A_1698 = tpu.dynamic_gather %add3A_1692[%gather3A_1697] in [0] : vector<16xf32>, vector<16xi32> -> vector<16xf32>
        %add3A_1699 = arith.addf %add3A_1692, %gather3A_1698 : vector<16xf32>
        %max3A_1700 = arith.constant 1.000000e-24 : f32
        %max3A_1701 = vector.broadcast %max3A_1700 : f32 to vector<16xf32>
        %max3A_1702 = arith.maximumf %add3A_1621, %max3A_1701 : vector<16xf32>
        %div3A_1703 = arith.constant 1.000000e+00 : f32
        %div3A_1704 = vector.broadcast %div3A_1703 : f32 to vector<16xf32>
        %div3A_1705 = arith.divf %div3A_1704, %max3A_1702 : vector<16xf32>
        %mul3A_1706 = arith.mulf %add3A_1660, %div3A_1705 : vector<16xf32>
        %mul3A_1707 = arith.mulf %add3A_1699, %div3A_1705 : vector<16xf32>
        %mul3A_1708 = arith.mulf %mul3A_1706, %gather3A_1538 : vector<16xf32>
        %sub3A_1709 = arith.subf %gather3A_1522, %mul3A_1708 : vector<16xf32>
        %mul3A_1710 = arith.mulf %mul3A_1706, %gather3A_1542 : vector<16xf32>
        %sub3A_1711 = arith.subf %gather3A_1526, %mul3A_1710 : vector<16xf32>
        %mul3A_1712 = arith.mulf %mul3A_1706, %gather3A_1546 : vector<16xf32>
        %sub3A_1713 = arith.subf %gather3A_1530, %mul3A_1712 : vector<16xf32>
        %mul3A_1714 = arith.mulf %mul3A_1706, %gather3A_1550 : vector<16xf32>
        %sub3A_1715 = arith.subf %gather3A_1534, %mul3A_1714 : vector<16xf32>
        %mul3A_1716 = arith.mulf %mul3A_1707, %gather3A_1538 : vector<16xf32>
        %sub3A_1717 = arith.subf %gather3A_1554, %mul3A_1716 : vector<16xf32>
        %mul3A_1718 = arith.mulf %mul3A_1707, %gather3A_1542 : vector<16xf32>
        %sub3A_1719 = arith.subf %gather3A_1558, %mul3A_1718 : vector<16xf32>
        %mul3A_1720 = arith.mulf %mul3A_1707, %gather3A_1546 : vector<16xf32>
        %sub3A_1721 = arith.subf %gather3A_1562, %mul3A_1720 : vector<16xf32>
        %mul3A_1722 = arith.mulf %mul3A_1707, %gather3A_1550 : vector<16xf32>
        %sub3A_1723 = arith.subf %gather3A_1566, %mul3A_1722 : vector<16xf32>
        %mul3A_1724 = arith.mulf %sub3A_1709, %sub3A_1709 : vector<16xf32>
        %add3A_1725 = arith.constant 0.000000e+00 : f32
        %add3A_1726 = vector.broadcast %add3A_1725 : f32 to vector<16xf32>
        %add3A_1727 = arith.addf %add3A_1726, %mul3A_1724 : vector<16xf32>
        %mul3A_1728 = arith.mulf %sub3A_1711, %sub3A_1711 : vector<16xf32>
        %add3A_1729 = arith.addf %add3A_1727, %mul3A_1728 : vector<16xf32>
        %mul3A_1730 = arith.mulf %sub3A_1713, %sub3A_1713 : vector<16xf32>
        %add3A_1731 = arith.addf %add3A_1729, %mul3A_1730 : vector<16xf32>
        %mul3A_1732 = arith.mulf %sub3A_1715, %sub3A_1715 : vector<16xf32>
        %add3A_1733 = arith.addf %add3A_1731, %mul3A_1732 : vector<16xf32>
        %iota3A_1734 = tpu.iota {dimensions = array<i32: 0>} : vector<16xi32>
        %xor3A_1735 = arith.constant 1 : i32
        %xor3A_1736 = vector.broadcast %xor3A_1735 : i32 to vector<16xi32>
        %xor3A_1737 = arith.xori %iota3A_1734, %xor3A_1736 : vector<16xi32>
        %reshape3A_1738 = vector.shape_cast %xor3A_1737 : vector<16xi32> to vector<16x1xi32>
        %gather3A_1739 = vector.shape_cast %reshape3A_1738 : vector<16x1xi32> to vector<16xi32>
        %gather3A_1740 = tpu.dynamic_gather %add3A_1733[%gather3A_1739] in [0] : vector<16xf32>, vector<16xi32> -> vector<16xf32>
        %add3A_1741 = arith.addf %add3A_1733, %gather3A_1740 : vector<16xf32>
        %xor3A_1742 = arith.constant 2 : i32
        %xor3A_1743 = vector.broadcast %xor3A_1742 : i32 to vector<16xi32>
        %xor3A_1744 = arith.xori %iota3A_1734, %xor3A_1743 : vector<16xi32>
        %reshape3A_1745 = vector.shape_cast %xor3A_1744 : vector<16xi32> to vector<16x1xi32>
        %gather3A_1746 = vector.shape_cast %reshape3A_1745 : vector<16x1xi32> to vector<16xi32>
        %gather3A_1747 = tpu.dynamic_gather %add3A_1741[%gather3A_1746] in [0] : vector<16xf32>, vector<16xi32> -> vector<16xf32>
        %add3A_1748 = arith.addf %add3A_1741, %gather3A_1747 : vector<16xf32>
        %xor3A_1749 = arith.constant 4 : i32
        %xor3A_1750 = vector.broadcast %xor3A_1749 : i32 to vector<16xi32>
        %xor3A_1751 = arith.xori %iota3A_1734, %xor3A_1750 : vector<16xi32>
        %reshape3A_1752 = vector.shape_cast %xor3A_1751 : vector<16xi32> to vector<16x1xi32>
        %gather3A_1753 = vector.shape_cast %reshape3A_1752 : vector<16x1xi32> to vector<16xi32>
        %gather3A_1754 = tpu.dynamic_gather %add3A_1748[%gather3A_1753] in [0] : vector<16xf32>, vector<16xi32> -> vector<16xf32>
        %add3A_1755 = arith.addf %add3A_1748, %gather3A_1754 : vector<16xf32>
        %xor3A_1756 = arith.constant 8 : i32
        %xor3A_1757 = vector.broadcast %xor3A_1756 : i32 to vector<16xi32>
        %xor3A_1758 = arith.xori %iota3A_1734, %xor3A_1757 : vector<16xi32>
        %reshape3A_1759 = vector.shape_cast %xor3A_1758 : vector<16xi32> to vector<16x1xi32>
        %gather3A_1760 = vector.shape_cast %reshape3A_1759 : vector<16x1xi32> to vector<16xi32>
        %gather3A_1761 = tpu.dynamic_gather %add3A_1755[%gather3A_1760] in [0] : vector<16xf32>, vector<16xi32> -> vector<16xf32>
        %add3A_1762 = arith.addf %add3A_1755, %gather3A_1761 : vector<16xf32>
        %mul3A_1763 = arith.mulf %gather3A_1570, %gather3A_1570 : vector<16xf32>
        %add3A_1764 = arith.constant 0.000000e+00 : f32
        %add3A_1765 = vector.broadcast %add3A_1764 : f32 to vector<16xf32>
        %add3A_1766 = arith.addf %add3A_1765, %mul3A_1763 : vector<16xf32>
        %mul3A_1767 = arith.mulf %gather3A_1574, %gather3A_1574 : vector<16xf32>
        %add3A_1768 = arith.addf %add3A_1766, %mul3A_1767 : vector<16xf32>
        %mul3A_1769 = arith.mulf %gather3A_1578, %gather3A_1578 : vector<16xf32>
        %add3A_1770 = arith.addf %add3A_1768, %mul3A_1769 : vector<16xf32>
        %mul3A_1771 = arith.mulf %gather3A_1582, %gather3A_1582 : vector<16xf32>
        %add3A_1772 = arith.addf %add3A_1770, %mul3A_1771 : vector<16xf32>
        %iota3A_1773 = tpu.iota {dimensions = array<i32: 0>} : vector<16xi32>
        %xor3A_1774 = arith.constant 1 : i32
        %xor3A_1775 = vector.broadcast %xor3A_1774 : i32 to vector<16xi32>
        %xor3A_1776 = arith.xori %iota3A_1773, %xor3A_1775 : vector<16xi32>
        %reshape3A_1777 = vector.shape_cast %xor3A_1776 : vector<16xi32> to vector<16x1xi32>
        %gather3A_1778 = vector.shape_cast %reshape3A_1777 : vector<16x1xi32> to vector<16xi32>
        %gather3A_1779 = tpu.dynamic_gather %add3A_1772[%gather3A_1778] in [0] : vector<16xf32>, vector<16xi32> -> vector<16xf32>
        %add3A_1780 = arith.addf %add3A_1772, %gather3A_1779 : vector<16xf32>
        %xor3A_1781 = arith.constant 2 : i32
        %xor3A_1782 = vector.broadcast %xor3A_1781 : i32 to vector<16xi32>
        %xor3A_1783 = arith.xori %iota3A_1773, %xor3A_1782 : vector<16xi32>
        %reshape3A_1784 = vector.shape_cast %xor3A_1783 : vector<16xi32> to vector<16x1xi32>
        %gather3A_1785 = vector.shape_cast %reshape3A_1784 : vector<16x1xi32> to vector<16xi32>
        %gather3A_1786 = tpu.dynamic_gather %add3A_1780[%gather3A_1785] in [0] : vector<16xf32>, vector<16xi32> -> vector<16xf32>
        %add3A_1787 = arith.addf %add3A_1780, %gather3A_1786 : vector<16xf32>
        %xor3A_1788 = arith.constant 4 : i32
        %xor3A_1789 = vector.broadcast %xor3A_1788 : i32 to vector<16xi32>
        %xor3A_1790 = arith.xori %iota3A_1773, %xor3A_1789 : vector<16xi32>
        %reshape3A_1791 = vector.shape_cast %xor3A_1790 : vector<16xi32> to vector<16x1xi32>
        %gather3A_1792 = vector.shape_cast %reshape3A_1791 : vector<16x1xi32> to vector<16xi32>
        %gather3A_1793 = tpu.dynamic_gather %add3A_1787[%gather3A_1792] in [0] : vector<16xf32>, vector<16xi32> -> vector<16xf32>
        %add3A_1794 = arith.addf %add3A_1787, %gather3A_1793 : vector<16xf32>
        %xor3A_1795 = arith.constant 8 : i32
        %xor3A_1796 = vector.broadcast %xor3A_1795 : i32 to vector<16xi32>
        %xor3A_1797 = arith.xori %iota3A_1773, %xor3A_1796 : vector<16xi32>
        %reshape3A_1798 = vector.shape_cast %xor3A_1797 : vector<16xi32> to vector<16x1xi32>
        %gather3A_1799 = vector.shape_cast %reshape3A_1798 : vector<16x1xi32> to vector<16xi32>
        %gather3A_1800 = tpu.dynamic_gather %add3A_1794[%gather3A_1799] in [0] : vector<16xf32>, vector<16xi32> -> vector<16xf32>
        %add3A_1801 = arith.addf %add3A_1794, %gather3A_1800 : vector<16xf32>
        %mul3A_1802 = arith.mulf %sub3A_1717, %sub3A_1717 : vector<16xf32>
        %add3A_1803 = arith.constant 0.000000e+00 : f32
        %add3A_1804 = vector.broadcast %add3A_1803 : f32 to vector<16xf32>
        %add3A_1805 = arith.addf %add3A_1804, %mul3A_1802 : vector<16xf32>
        %mul3A_1806 = arith.mulf %sub3A_1719, %sub3A_1719 : vector<16xf32>
        %add3A_1807 = arith.addf %add3A_1805, %mul3A_1806 : vector<16xf32>
        %mul3A_1808 = arith.mulf %sub3A_1721, %sub3A_1721 : vector<16xf32>
        %add3A_1809 = arith.addf %add3A_1807, %mul3A_1808 : vector<16xf32>
        %mul3A_1810 = arith.mulf %sub3A_1723, %sub3A_1723 : vector<16xf32>
        %add3A_1811 = arith.addf %add3A_1809, %mul3A_1810 : vector<16xf32>
        %iota3A_1812 = tpu.iota {dimensions = array<i32: 0>} : vector<16xi32>
        %xor3A_1813 = arith.constant 1 : i32
        %xor3A_1814 = vector.broadcast %xor3A_1813 : i32 to vector<16xi32>
        %xor3A_1815 = arith.xori %iota3A_1812, %xor3A_1814 : vector<16xi32>
        %reshape3A_1816 = vector.shape_cast %xor3A_1815 : vector<16xi32> to vector<16x1xi32>
        %gather3A_1817 = vector.shape_cast %reshape3A_1816 : vector<16x1xi32> to vector<16xi32>
        %gather3A_1818 = tpu.dynamic_gather %add3A_1811[%gather3A_1817] in [0] : vector<16xf32>, vector<16xi32> -> vector<16xf32>
        %add3A_1819 = arith.addf %add3A_1811, %gather3A_1818 : vector<16xf32>
        %xor3A_1820 = arith.constant 2 : i32
        %xor3A_1821 = vector.broadcast %xor3A_1820 : i32 to vector<16xi32>
        %xor3A_1822 = arith.xori %iota3A_1812, %xor3A_1821 : vector<16xi32>
        %reshape3A_1823 = vector.shape_cast %xor3A_1822 : vector<16xi32> to vector<16x1xi32>
        %gather3A_1824 = vector.shape_cast %reshape3A_1823 : vector<16x1xi32> to vector<16xi32>
        %gather3A_1825 = tpu.dynamic_gather %add3A_1819[%gather3A_1824] in [0] : vector<16xf32>, vector<16xi32> -> vector<16xf32>
        %add3A_1826 = arith.addf %add3A_1819, %gather3A_1825 : vector<16xf32>
        %xor3A_1827 = arith.constant 4 : i32
        %xor3A_1828 = vector.broadcast %xor3A_1827 : i32 to vector<16xi32>
        %xor3A_1829 = arith.xori %iota3A_1812, %xor3A_1828 : vector<16xi32>
        %reshape3A_1830 = vector.shape_cast %xor3A_1829 : vector<16xi32> to vector<16x1xi32>
        %gather3A_1831 = vector.shape_cast %reshape3A_1830 : vector<16x1xi32> to vector<16xi32>
        %gather3A_1832 = tpu.dynamic_gather %add3A_1826[%gather3A_1831] in [0] : vector<16xf32>, vector<16xi32> -> vector<16xf32>
        %add3A_1833 = arith.addf %add3A_1826, %gather3A_1832 : vector<16xf32>
        %xor3A_1834 = arith.constant 8 : i32
        %xor3A_1835 = vector.broadcast %xor3A_1834 : i32 to vector<16xi32>
        %xor3A_1836 = arith.xori %iota3A_1812, %xor3A_1835 : vector<16xi32>
        %reshape3A_1837 = vector.shape_cast %xor3A_1836 : vector<16xi32> to vector<16x1xi32>
        %gather3A_1838 = vector.shape_cast %reshape3A_1837 : vector<16x1xi32> to vector<16xi32>
        %gather3A_1839 = tpu.dynamic_gather %add3A_1833[%gather3A_1838] in [0] : vector<16xf32>, vector<16xi32> -> vector<16xf32>
        %add3A_1840 = arith.addf %add3A_1833, %gather3A_1839 : vector<16xf32>
        %bitcast_convert_type3A_1841 = tpu.bitcast %add3A_1762 : vector<16xf32> -> vector<16xi32>
        %shift_right_logical3A_1842 = arith.constant 1 : i32
        %shift_right_logical3A_1843 = vector.broadcast %shift_right_logical3A_1842 : i32 to vector<16xi32>
        %shift_right_logical3A_1844 = arith.shrui %bitcast_convert_type3A_1841, %shift_right_logical3A_1843 : vector<16xi32>
        %sub3A_1845 = arith.constant 1597463007 : i32
        %sub3A_1846 = vector.broadcast %sub3A_1845 : i32 to vector<16xi32>
        %sub3A_1847 = arith.subi %sub3A_1846, %shift_right_logical3A_1844 : vector<16xi32>
        %bitcast_convert_type3A_1848 = tpu.bitcast %sub3A_1847 : vector<16xi32> -> vector<16xf32>
        %mul3A_1849 = arith.constant 5.000000e-01 : f32
        %mul3A_1850 = vector.broadcast %mul3A_1849 : f32 to vector<16xf32>
        %mul3A_1851 = arith.mulf %add3A_1762, %mul3A_1850 : vector<16xf32>
        %mul3A_1852 = arith.mulf %mul3A_1851, %bitcast_convert_type3A_1848 : vector<16xf32>
        %mul3A_1853 = arith.mulf %mul3A_1852, %bitcast_convert_type3A_1848 : vector<16xf32>
        %sub3A_1854 = arith.constant 1.500000e+00 : f32
        %sub3A_1855 = vector.broadcast %sub3A_1854 : f32 to vector<16xf32>
        %sub3A_1856 = arith.subf %sub3A_1855, %mul3A_1853 : vector<16xf32>
        %mul3A_1857 = arith.mulf %bitcast_convert_type3A_1848, %sub3A_1856 : vector<16xf32>
        %mul3A_1858 = arith.mulf %mul3A_1851, %mul3A_1857 : vector<16xf32>
        %mul3A_1859 = arith.mulf %mul3A_1858, %mul3A_1857 : vector<16xf32>
        %sub3A_1860 = arith.constant 1.500000e+00 : f32
        %sub3A_1861 = vector.broadcast %sub3A_1860 : f32 to vector<16xf32>
        %sub3A_1862 = arith.subf %sub3A_1861, %mul3A_1859 : vector<16xf32>
        %mul3A_1863 = arith.mulf %mul3A_1857, %sub3A_1862 : vector<16xf32>
        %mul3A_1864 = arith.mulf %mul3A_1851, %mul3A_1863 : vector<16xf32>
        %mul3A_1865 = arith.mulf %mul3A_1864, %mul3A_1863 : vector<16xf32>
        %sub3A_1866 = arith.constant 1.500000e+00 : f32
        %sub3A_1867 = vector.broadcast %sub3A_1866 : f32 to vector<16xf32>
        %sub3A_1868 = arith.subf %sub3A_1867, %mul3A_1865 : vector<16xf32>
        %mul3A_1869 = arith.mulf %mul3A_1863, %sub3A_1868 : vector<16xf32>
        %min3A_1870 = arith.constant 9.99999995E+11 : f32
        %min3A_1871 = vector.broadcast %min3A_1870 : f32 to vector<16xf32>
        %min3A_1872 = arith.minimumf %mul3A_1869, %min3A_1871 : vector<16xf32>
        %bitcast_convert_type3A_1873 = tpu.bitcast %add3A_1801 : vector<16xf32> -> vector<16xi32>
        %shift_right_logical3A_1874 = arith.constant 1 : i32
        %shift_right_logical3A_1875 = vector.broadcast %shift_right_logical3A_1874 : i32 to vector<16xi32>
        %shift_right_logical3A_1876 = arith.shrui %bitcast_convert_type3A_1873, %shift_right_logical3A_1875 : vector<16xi32>
        %sub3A_1877 = arith.constant 1597463007 : i32
        %sub3A_1878 = vector.broadcast %sub3A_1877 : i32 to vector<16xi32>
        %sub3A_1879 = arith.subi %sub3A_1878, %shift_right_logical3A_1876 : vector<16xi32>
        %bitcast_convert_type3A_1880 = tpu.bitcast %sub3A_1879 : vector<16xi32> -> vector<16xf32>
        %mul3A_1881 = arith.constant 5.000000e-01 : f32
        %mul3A_1882 = vector.broadcast %mul3A_1881 : f32 to vector<16xf32>
        %mul3A_1883 = arith.mulf %add3A_1801, %mul3A_1882 : vector<16xf32>
        %mul3A_1884 = arith.mulf %mul3A_1883, %bitcast_convert_type3A_1880 : vector<16xf32>
        %mul3A_1885 = arith.mulf %mul3A_1884, %bitcast_convert_type3A_1880 : vector<16xf32>
        %sub3A_1886 = arith.constant 1.500000e+00 : f32
        %sub3A_1887 = vector.broadcast %sub3A_1886 : f32 to vector<16xf32>
        %sub3A_1888 = arith.subf %sub3A_1887, %mul3A_1885 : vector<16xf32>
        %mul3A_1889 = arith.mulf %bitcast_convert_type3A_1880, %sub3A_1888 : vector<16xf32>
        %mul3A_1890 = arith.mulf %mul3A_1883, %mul3A_1889 : vector<16xf32>
        %mul3A_1891 = arith.mulf %mul3A_1890, %mul3A_1889 : vector<16xf32>
        %sub3A_1892 = arith.constant 1.500000e+00 : f32
        %sub3A_1893 = vector.broadcast %sub3A_1892 : f32 to vector<16xf32>
        %sub3A_1894 = arith.subf %sub3A_1893, %mul3A_1891 : vector<16xf32>
        %mul3A_1895 = arith.mulf %mul3A_1889, %sub3A_1894 : vector<16xf32>
        %mul3A_1896 = arith.mulf %mul3A_1883, %mul3A_1895 : vector<16xf32>
        %mul3A_1897 = arith.mulf %mul3A_1896, %mul3A_1895 : vector<16xf32>
        %sub3A_1898 = arith.constant 1.500000e+00 : f32
        %sub3A_1899 = vector.broadcast %sub3A_1898 : f32 to vector<16xf32>
        %sub3A_1900 = arith.subf %sub3A_1899, %mul3A_1897 : vector<16xf32>
        %mul3A_1901 = arith.mulf %mul3A_1895, %sub3A_1900 : vector<16xf32>
        %min3A_1902 = arith.constant 9.99999995E+11 : f32
        %min3A_1903 = vector.broadcast %min3A_1902 : f32 to vector<16xf32>
        %min3A_1904 = arith.minimumf %mul3A_1901, %min3A_1903 : vector<16xf32>
        %bitcast_convert_type3A_1905 = tpu.bitcast %add3A_1840 : vector<16xf32> -> vector<16xi32>
        %shift_right_logical3A_1906 = arith.constant 1 : i32
        %shift_right_logical3A_1907 = vector.broadcast %shift_right_logical3A_1906 : i32 to vector<16xi32>
        %shift_right_logical3A_1908 = arith.shrui %bitcast_convert_type3A_1905, %shift_right_logical3A_1907 : vector<16xi32>
        %sub3A_1909 = arith.constant 1597463007 : i32
        %sub3A_1910 = vector.broadcast %sub3A_1909 : i32 to vector<16xi32>
        %sub3A_1911 = arith.subi %sub3A_1910, %shift_right_logical3A_1908 : vector<16xi32>
        %bitcast_convert_type3A_1912 = tpu.bitcast %sub3A_1911 : vector<16xi32> -> vector<16xf32>
        %mul3A_1913 = arith.constant 5.000000e-01 : f32
        %mul3A_1914 = vector.broadcast %mul3A_1913 : f32 to vector<16xf32>
        %mul3A_1915 = arith.mulf %add3A_1840, %mul3A_1914 : vector<16xf32>
        %mul3A_1916 = arith.mulf %mul3A_1915, %bitcast_convert_type3A_1912 : vector<16xf32>
        %mul3A_1917 = arith.mulf %mul3A_1916, %bitcast_convert_type3A_1912 : vector<16xf32>
        %sub3A_1918 = arith.constant 1.500000e+00 : f32
        %sub3A_1919 = vector.broadcast %sub3A_1918 : f32 to vector<16xf32>
        %sub3A_1920 = arith.subf %sub3A_1919, %mul3A_1917 : vector<16xf32>
        %mul3A_1921 = arith.mulf %bitcast_convert_type3A_1912, %sub3A_1920 : vector<16xf32>
        %mul3A_1922 = arith.mulf %mul3A_1915, %mul3A_1921 : vector<16xf32>
        %mul3A_1923 = arith.mulf %mul3A_1922, %mul3A_1921 : vector<16xf32>
        %sub3A_1924 = arith.constant 1.500000e+00 : f32
        %sub3A_1925 = vector.broadcast %sub3A_1924 : f32 to vector<16xf32>
        %sub3A_1926 = arith.subf %sub3A_1925, %mul3A_1923 : vector<16xf32>
        %mul3A_1927 = arith.mulf %mul3A_1921, %sub3A_1926 : vector<16xf32>
        %mul3A_1928 = arith.mulf %mul3A_1915, %mul3A_1927 : vector<16xf32>
        %mul3A_1929 = arith.mulf %mul3A_1928, %mul3A_1927 : vector<16xf32>
        %sub3A_1930 = arith.constant 1.500000e+00 : f32
        %sub3A_1931 = vector.broadcast %sub3A_1930 : f32 to vector<16xf32>
        %sub3A_1932 = arith.subf %sub3A_1931, %mul3A_1929 : vector<16xf32>
        %mul3A_1933 = arith.mulf %mul3A_1927, %sub3A_1932 : vector<16xf32>
        %min3A_1934 = arith.constant 9.99999995E+11 : f32
        %min3A_1935 = vector.broadcast %min3A_1934 : f32 to vector<16xf32>
        %min3A_1936 = arith.minimumf %mul3A_1933, %min3A_1935 : vector<16xf32>
        %mul3A_1937 = arith.mulf %sub3A_1709, %min3A_1872 : vector<16xf32>
        %mul3A_1938 = arith.mulf %gather3A_1570, %min3A_1904 : vector<16xf32>
        %add3A_1939 = arith.addf %mul3A_1937, %mul3A_1938 : vector<16xf32>
        %mul3A_1940 = arith.mulf %sub3A_1717, %min3A_1936 : vector<16xf32>
        %sub3A_1941 = arith.subf %add3A_1939, %mul3A_1940 : vector<16xf32>
        %abs3A_1942 = math.absf %sub3A_1941 : vector<16xf32>
        %add3A_1943 = arith.constant 0.000000e+00 : f32
        %add3A_1944 = vector.broadcast %add3A_1943 : f32 to vector<16xf32>
        %add3A_1945 = arith.addf %add3A_1944, %abs3A_1942 : vector<16xf32>
        %mul3A_1946 = arith.mulf %sub3A_1711, %min3A_1872 : vector<16xf32>
        %mul3A_1947 = arith.mulf %gather3A_1574, %min3A_1904 : vector<16xf32>
        %add3A_1948 = arith.addf %mul3A_1946, %mul3A_1947 : vector<16xf32>
        %mul3A_1949 = arith.mulf %sub3A_1719, %min3A_1936 : vector<16xf32>
        %sub3A_1950 = arith.subf %add3A_1948, %mul3A_1949 : vector<16xf32>
        %abs3A_1951 = math.absf %sub3A_1950 : vector<16xf32>
        %add3A_1952 = arith.addf %add3A_1945, %abs3A_1951 : vector<16xf32>
        %mul3A_1953 = arith.mulf %sub3A_1713, %min3A_1872 : vector<16xf32>
        %mul3A_1954 = arith.mulf %gather3A_1578, %min3A_1904 : vector<16xf32>
        %add3A_1955 = arith.addf %mul3A_1953, %mul3A_1954 : vector<16xf32>
        %mul3A_1956 = arith.mulf %sub3A_1721, %min3A_1936 : vector<16xf32>
        %sub3A_1957 = arith.subf %add3A_1955, %mul3A_1956 : vector<16xf32>
        %abs3A_1958 = math.absf %sub3A_1957 : vector<16xf32>
        %add3A_1959 = arith.addf %add3A_1952, %abs3A_1958 : vector<16xf32>
        %mul3A_1960 = arith.mulf %sub3A_1715, %min3A_1872 : vector<16xf32>
        %mul3A_1961 = arith.mulf %gather3A_1582, %min3A_1904 : vector<16xf32>
        %add3A_1962 = arith.addf %mul3A_1960, %mul3A_1961 : vector<16xf32>
        %mul3A_1963 = arith.mulf %sub3A_1723, %min3A_1936 : vector<16xf32>
        %sub3A_1964 = arith.subf %add3A_1962, %mul3A_1963 : vector<16xf32>
        %abs3A_1965 = math.absf %sub3A_1964 : vector<16xf32>
        %add3A_1966 = arith.addf %add3A_1959, %abs3A_1965 : vector<16xf32>
        %iota3A_1967 = tpu.iota {dimensions = array<i32: 0>} : vector<16xi32>
        %xor3A_1968 = arith.constant 1 : i32
        %xor3A_1969 = vector.broadcast %xor3A_1968 : i32 to vector<16xi32>
        %xor3A_1970 = arith.xori %iota3A_1967, %xor3A_1969 : vector<16xi32>
        %reshape3A_1971 = vector.shape_cast %xor3A_1970 : vector<16xi32> to vector<16x1xi32>
        %gather3A_1972 = vector.shape_cast %reshape3A_1971 : vector<16x1xi32> to vector<16xi32>
        %gather3A_1973 = tpu.dynamic_gather %add3A_1966[%gather3A_1972] in [0] : vector<16xf32>, vector<16xi32> -> vector<16xf32>
        %add3A_1974 = arith.addf %add3A_1966, %gather3A_1973 : vector<16xf32>
        %xor3A_1975 = arith.constant 2 : i32
        %xor3A_1976 = vector.broadcast %xor3A_1975 : i32 to vector<16xi32>
        %xor3A_1977 = arith.xori %iota3A_1967, %xor3A_1976 : vector<16xi32>
        %reshape3A_1978 = vector.shape_cast %xor3A_1977 : vector<16xi32> to vector<16x1xi32>
        %gather3A_1979 = vector.shape_cast %reshape3A_1978 : vector<16x1xi32> to vector<16xi32>
        %gather3A_1980 = tpu.dynamic_gather %add3A_1974[%gather3A_1979] in [0] : vector<16xf32>, vector<16xi32> -> vector<16xf32>
        %add3A_1981 = arith.addf %add3A_1974, %gather3A_1980 : vector<16xf32>
        %xor3A_1982 = arith.constant 4 : i32
        %xor3A_1983 = vector.broadcast %xor3A_1982 : i32 to vector<16xi32>
        %xor3A_1984 = arith.xori %iota3A_1967, %xor3A_1983 : vector<16xi32>
        %reshape3A_1985 = vector.shape_cast %xor3A_1984 : vector<16xi32> to vector<16x1xi32>
        %gather3A_1986 = vector.shape_cast %reshape3A_1985 : vector<16x1xi32> to vector<16xi32>
        %gather3A_1987 = tpu.dynamic_gather %add3A_1981[%gather3A_1986] in [0] : vector<16xf32>, vector<16xi32> -> vector<16xf32>
        %add3A_1988 = arith.addf %add3A_1981, %gather3A_1987 : vector<16xf32>
        %xor3A_1989 = arith.constant 8 : i32
        %xor3A_1990 = vector.broadcast %xor3A_1989 : i32 to vector<16xi32>
        %xor3A_1991 = arith.xori %iota3A_1967, %xor3A_1990 : vector<16xi32>
        %reshape3A_1992 = vector.shape_cast %xor3A_1991 : vector<16xi32> to vector<16x1xi32>
        %gather3A_1993 = vector.shape_cast %reshape3A_1992 : vector<16x1xi32> to vector<16xi32>
        %gather3A_1994 = tpu.dynamic_gather %add3A_1988[%gather3A_1993] in [0] : vector<16xf32>, vector<16xi32> -> vector<16xf32>
        %add3A_1995 = arith.addf %add3A_1988, %gather3A_1994 : vector<16xf32>
        %eq3A_1996 = vector.broadcast %add3A_1510 : i32 to vector<16xi32>
        %eq3A_1997 = arith.cmpi eq, %iota3A, %eq3A_1996 : vector<16xi32>
        %select_n3A_1998 = arith.select %eq3A_1997, %add3A_1995, %select_n3A : vector<16xi1>, vector<16xf32>
        scf.yield %select_n3A_1998 : vector<16xf32>
      }
      %scan3A_1019 = arith.constant 8 : i32
      %swap3A = arith.index_cast %mul3A_10 : i32 to index
      %swap3A_1020 = tpu.vector_load %arg16[%swap3A] {strides = array<i32>} : memref<512xf32, #tpu.memory_space<vmem>>, vector<16xf32>,
      tpu.vector_store %arg16[%swap3A], %scan3A_1018 {strides = array<i32>} : memref<512xf32, #tpu.memory_space<vmem>>, vector<16xf32>,
    }
    %scan3A_7 = arith.constant 32 : i32
    "tpu.region"() ({
      %run_scoped3A = tpu.sem_alloc : memref<!tpu.dma_semaphore, #tpu.memory_space<semaphore_mem>>
      %dma_start3A = tpu.memref_slice %arg8[%mul3A_2] : memref<16384xf32, #tpu.memory_space<hbm>> -> memref<512xf32, #tpu.memory_space<hbm>>
      %dma_start3A_8 = tpu.memref_slice %arg8[%mul3A_2] : memref<16384xf32, #tpu.memory_space<hbm>> -> memref<512xf32, #tpu.memory_space<hbm>>
      tpu.enqueue_dma source(%arg16 : memref<512xf32, #tpu.memory_space<vmem>>) target(%dma_start3A_8 : memref<512xf32, #tpu.memory_space<hbm>>) target_semaphore(%run_scoped3A : memref<!tpu.dma_semaphore, #tpu.memory_space<semaphore_mem>>)
      %dma_wait3A = tpu.memref_slice %arg8[%mul3A_2] : memref<16384xf32, #tpu.memory_space<hbm>> -> memref<512xf32, #tpu.memory_space<hbm>>
      %dma_wait3A_9 = tpu.memref_slice %arg8[%mul3A_2] : memref<16384xf32, #tpu.memory_space<hbm>> -> memref<512xf32, #tpu.memory_space<hbm>>
      tpu.wait_dma2 semaphore(%run_scoped3A : memref<!tpu.dma_semaphore, #tpu.memory_space<semaphore_mem>>) src(%arg16 : memref<512xf32, #tpu.memory_space<vmem>>) dst(%dma_wait3A_9 : memref<512xf32, #tpu.memory_space<hbm>>)
      tpu.yield
    }) : () -> ()
    return
  }
}

</mosaic_0001>

<sc_bundles>
// kernel: _transh_sc.3.cloned.1.call-start
scs
__scs_entry_jumppad:
0x0: {  	(pc) =	sbr.rel $0x88, $3  }
0x1: {  	(tag) =	ssettag $0x0;
	lr =	simm.s32 $0x1  }
0x2: {  	[smem:$0x3F9B] =	sst lr;
	_ =	strace $0xD0000000  }
0x3: {  	_ = 	snop  }
0x4: {  	_ = 	snop  }
0x5: {  	_ = 	snop  }
0x6: {  	_ = 	snop  }
0x7: {  	_ = 	snop  }
__scs_overlays_trampoline_lowered:
0x8: {  	[smem:$0x3FAA] =	sst s0  }
0x9: {  	[smem:$0x3FAB] =	sst s1  }
0xa: {  	[smem:$0x3FAC] =	sst s2  }
0xb: {  	[smem:$0x3FAD] =	sst s3  }
0xc: {  	[smem:$0x3FAE] =	sst s4  }
0xd: {  	[smem:$0x3FAF] =	sst s5  }
0xe: {  	[smem:$0x3FB0] =	sst s6  }
0xf: {  	[smem:$0x3FB1] =	sst s7  }
0x10: {  	[smem:$0x3FB2] =	sst s8  }
0x11: {  	[smem:$0x3FB3] =	sst s9;
	s0 =	simm.s32 @!p0 $0x0  }
0x12: {  	s1 =	sld [smem:$0x3F99];
	s0 =	simm.s32 @p0 $0x1  }
0x13: {  	[smem:$0x3FB4] =	sst s0;
	s0 =	simm.s32 @!p1 $0x0  }
0x14: {  	s2 =	sld [smem:$0x3F98];
	s0 =	simm.s32 @p1 $0x1  }
0x15: {  	[smem:$0x3FB5] =	sst s0;
	s0 =	simm.s32 @!p2 $0x0  }
0x16: {  	s3 =	sld [smem:$0x3FDB];
	s0 =	simm.s32 @p2 $0x1  }
0x17: {  	s4 =	simm.s32 $0x1BF5;
	[smem:$0x3FB7] =	sst s0  }
0x18: {  	s0 =	sld [smem:$0x3F9A];
	_ =	swait.ge [sflag:s4], $0x0  }
0x19: {  	s7 =	sld [smem:$0x3F9B]  }
0x1a: {  	s8 =	sadd.s32 $0xFFFFE003, lr  }
0x1b: {  	s9 =	sadd.s32 $0xFFFFFEF7, lr;
	s5 =	simm.s32 $0xFFFFFFFF;
	p2 =	slt.u32 s8, $0xFFFFF086  }
0x1c: {  	p1 =	slt.u32 s9, $0xF7A;
	s5 =	simm.s32 @!p2 $0x0  }
0x1d: {  	s5 =	simm.s32 @p1 $0x1;
	p0 =	seq.s32 s7, s2  }
0x1e: {  	s7 =	smul.u32 @!p0 $0xF7A, s2;
	p2 =	seq.s32 @!p0 s5, $0x0  }
0x1f: {  	s9 =	smul.u32 $0xF7A, s1;
	s8 =	simm.s32 @!p0 $0x1BF5;
	p2 =	por !p2, p0  }
0x20: {  	[sflag:s8] =	ssyncset.s32 @!p0 $0xFFFFF086;
	s6 =	sadd.s32 @!p0 s3, s7;
	s7 =	simm.s32 @!p0 $0x108  }
0x21: {  	s3 =	sadd.s32 s3, s9;
	s6 =	sadd.s32 @!p0 $0x88, s6;
	s7 =	simm.s32 @p2 $0x1082  }
0x22: {  	[simem:s7], [sflag:s8] =	dma.local @!p0 [hbm:s6], $0xF7A  }
0x23: {  	s9 =	sor.u32 $0xD0000000, s2;
	s6 =	simm.s32 $0x108;
	_ =	swait.ge @!p0 [sflag:s8], $0x0  }
0x24: {  	s3 =	sadd.s32 $0x88, s3;
	s6 =	simm.s32 @!p1 $0x1082;
	[sflag:s4] =	ssyncset.s32 $0xFFFFF086  }
0x25: {  	[simem:s6], [sflag:s4] =	dma.local [hbm:s3], $0xF7A  }
0x26: {  	[smem:$0x3F9B] =	sst s1;
	(tag) =	ssettag s2;
	_ =	strace s9  }
0x27: {  	s1 =	sld [smem:$0x3FAB]  }
0x28: {  	s2 =	sld [smem:$0x3FAC]  }
0x29: {  	s4 =	sld [smem:$0x3FAE]  }
0x2a: {  	p0 =	seq.s32 s5, $0x0;
	s5 =	sld [smem:$0x3FAF]  }
0x2b: {  	s6 =	sld [smem:$0x3FB0]  }
0x2c: {  	s7 =	sld [smem:$0x3FB1]  }
0x2d: {  	s3 =	simm.s32 $0x108;
	s8 =	sld [smem:$0x3FB2]  }
0x2e: {  	s3 =	simm.s32 @!p0 $0x1082;
	s9 =	sld [smem:$0x3FB3]  }
0x2f: {  	lr =	sadd.s32 s0, s3;
	s0 =	sld [smem:$0x3FAA]  }
0x30: {  	s3 =	sld [smem:$0x3FAD]  }
0x31: {  	[smem:$0x3FB6] =	sst s10  }
0x32: {  	s10 =	sld [smem:$0x3FB4];
	_ =	sdelay $0x3  }
0x33: {  	p0 =	seq.s32 s10, $0x1;
	s10 =	sld [smem:$0x3FB6];
	_ =	sdelay $0x3  }
0x34: {  	[smem:$0x3FB6] =	sst s10  }
0x35: {  	s10 =	sld [smem:$0x3FB5];
	_ =	sdelay $0x3  }
0x36: {  	p1 =	seq.s32 s10, $0x1;
	s10 =	sld [smem:$0x3FB6];
	_ =	sdelay $0x3  }
0x37: {  	[smem:$0x3FB6] =	sst s10  }
0x38: {  	s10 =	sld [smem:$0x3FB7]  }
0x39: {  	_ = 	snop;
	(pc) =	sbr.ind lr, $3  }
0x3a: {  	_ = 	snop  }
0x3b: {  	_ = 	snop  }
0x3c: {  	p2 =	seq.s32 s10, $0x1;
	s10 =	sld [smem:$0x3FB6]  }
0x3d: {  	_ =	shalt  }
0x3e: {  	_ =	shalt  }
0x3f: {  	_ =	shalt  }
0x40: {  	_ =	shalt  }
0x41: {  	_ =	shalt  }
0x42: {  	_ =	shalt  }
0x43: {  	_ =	shalt  }
0x44: {  	_ =	shalt  }
0x45: {  	_ =	shalt  }
0x46: {  	_ =	shalt  }
0x47: {  	_ =	shalt  }
0x48: {  	_ =	shalt  }
0x49: {  	_ =	shalt  }
0x4a: {  	_ =	shalt  }
0x4b: {  	_ =	shalt  }
0x4c: {  	_ =	shalt  }
0x4d: {  	_ =	shalt  }
0x4e: {  	_ =	shalt  }
0x4f: {  	_ =	shalt  }
0x50: {  	_ =	shalt  }
0x51: {  	_ =	shalt  }
0x52: {  	_ =	shalt  }
0x53: {  	_ =	shalt  }
0x54: {  	_ =	shalt  }
0x55: {  	_ =	shalt  }
0x56: {  	_ =	shalt  }
0x57: {  	_ =	shalt  }
0x58: {  	_ =	shalt  }
0x59: {  	_ =	shalt  }
0x5a: {  	_ =	shalt  }
0x5b: {  	_ =	shalt  }
0x5c: {  	_ =	shalt  }
0x5d: {  	_ =	shalt  }
0x5e: {  	_ =	shalt  }
0x5f: {  	_ =	shalt  }
0x60: {  	_ =	shalt  }
0x61: {  	_ =	shalt  }
0x62: {  	_ =	shalt  }
0x63: {  	_ =	shalt  }
0x64: {  	_ =	shalt  }
0x65: {  	_ =	shalt  }
0x66: {  	_ =	shalt  }
0x67: {  	_ =	shalt  }
0x68: {  	_ =	shalt  }
0x69: {  	_ =	shalt  }
0x6a: {  	_ =	shalt  }
0x6b: {  	_ =	shalt  }
0x6c: {  	_ =	shalt  }
0x6d: {  	_ =	shalt  }
0x6e: {  	_ =	shalt  }
0x6f: {  	_ =	shalt  }
0x70: {  	_ =	shalt  }
0x71: {  	_ =	shalt  }
0x72: {  	_ =	shalt  }
0x73: {  	_ =	shalt  }
0x74: {  	_ =	shalt  }
0x75: {  	_ =	shalt  }
0x76: {  	_ =	shalt  }
0x77: {  	_ =	shalt  }
0x78: {  	_ =	shalt  }
0x79: {  	_ =	shalt  }
0x7a: {  	_ =	shalt  }
0x7b: {  	_ =	shalt  }
0x7c: {  	_ =	shalt  }
0x7d: {  	_ =	shalt  }
0x7e: {  	_ =	shalt  }
0x7f: {  	_ =	shalt  }
0x80: {  	_ =	shalt  }
0x81: {  	_ =	shalt  }
0x82: {  	_ =	shalt  }
0x83: {  	_ =	shalt  }
0x84: {  	_ =	shalt  }
0x85: {  	_ =	shalt  }
0x86: {  	_ =	shalt  }
0x87: {  	_ =	shalt  }
.Lfunc_end0:
.L_simem_size_0:
called_computation_lowered:
.L_overlay_start_0:
0x88: {  	s2 =	sld [smem:$0x3FD9]  }
0x89: {  	s3 =	sld [smem:$0x3FFE];
	_ =	sdelay $0x1  }
0x8a: {  	s1 =	srdreg.scid  }
0x8b: {  	s0 =	sand.u32 $0x1, s1  }
0x8c: {  	s17 =	sshll.u32 s0, $0xA;
	s2 =	sadd.s32 s3, s2  }
0x8d: {  	s2 =	sadd.s32 s2, s17  }
0x8e: {  	[smem:$0x3FC2] =	sst s2  }
0x8f: {  	_ = 	snop  }
0x90: {  	s2 =	sld [smem:$0x3FC9]  }
0x91: {  	s18 =	sld [smem:$0x3FC8]  }
0x92: {  	s4 =	sld [smem:$0x3FC7]  }
0x93: {  	s5 =	sld [smem:$0x3FD0];
	(tm) =	ssettm $0x1  }
0x94: {  	s6 =	sld [smem:$0x3FFB];
	_ =	sdelay $0x3  }
0x95: {  	_ =	strace s6  }
0x96: {  	s6 =	sld [smem:$0x3FFC];
	_ =	sdelay $0x3  }
0x97: {  	_ =	strace s6  }
0x98: {  	s6 =	sld [smem:$0x3FFD];
	_ =	sdelay $0x3  }
0x99: {  	_ =	strace s6  }
0x9a: {  	_ =	strace $0x8FFFFFFF  }
0x9b: {  	s19 =	sld [smem:$0x3FDB];
	_ =	sdelay $0x1  }
0x9c: {  	s7 =	simm.s32 $_scs_section_size  }
0x9d: {  	s8 =	simm.s32 $_size__tile_overlayer_lowered;
	s9 =	simm.s32 $_tile_overlayer_lowered  }
0x9e: {  	s22 =	simm.s32 $0x1BFF;
	s21 =	sshll.u32 s9, $0x1;
	s6 =	sadd.s32 s7, s19  }
0x9f: {  	s10 =	simm.s32 $0x0;
	s20 =	sshll.u32 s8, $0x1;
	s8 =	sadd.s32 s21, s6  }
0xa0: {  	[timem:s10], [sflag:s22] =	dma.local [hbm:s8], s20  }
0xa1: {  	_ =	swait.ge [sflag:s22], s20  }
0xa2: {  	s7 =	ssub.s32 $0x0, s20;
	[sflag:s22] =	ssyncset.done $0x0  }
0xa3: {  	[sflag:s22] =	ssyncadd.s32 s7;
	_ =	sdelay $0x1  }
0xa4: {  	s23 =	simm.s32 $0x1B8B  }
0xa5: {  	_ =	swait.ge [sflag:s23], $0x1  }
0xa6: {  	[sflag:s23] =	ssyncset.done $0x0  }
0xa7: {  	s25 =	simm.s32 $0x1B8E;
	s24 =	sld [smem:$0x3FFE];
	[sflag:s23] =	ssyncadd.s32 $0xFFFFFFFF  }
0xa8: {  	s26 =	simm.s32 $execute0_lowered;
	[smem:$0x3FD2] =	sst s25  }
0xa9: {  	s8 =	sshll.u32 s26, $0x1;
	_ =	strace $0x80000046;
	[dreg:$0x1] =	wrdreg $0xFFFFFFFF  }
0xaa: {  	s28 =	simm.s32 $_size_execute0_lowered;
	s6 =	sadd.s32 s6, s8;
	[dreg:$0x0] =	wrdreg $0x0  }
0xab: {  	s8 =	sshll.u32 s28, $0x1;
	[dreg:$0x2] =	wrdreg s6  }
0xac: {  	[dreg:$0x3] =	wrdreg s8  }
0xad: {  	[dreg:$0x4] =	wrdreg $0xC0  }
0xae: {  	_ =	task [dreg:s10], $0x5FFFF  }
0xaf: {  	[dreg:$0x1] =	wrdreg $0xFFFFFFFF  }
0xb0: {  	[dreg:$0x0] =	wrdreg $0x60  }
0xb1: {  	[dreg:$0x2] =	wrdreg s2  }
0xb2: {  	[dreg:$0x3] =	wrdreg s18  }
0xb3: {  	[dreg:$0x4] =	wrdreg s4  }
0xb4: {  	[dreg:$0x5] =	wrdreg s24  }
0xb5: {  	[dreg:$0x6] =	wrdreg s5  }
0xb6: {  	[dreg:$0x7] =	wrdreg $0x9  }
0xb7: {  	_ =	task.clear_ibuf [dreg:s10], $0x8FFFF;
	_ =	strace $0x90000046  }
0xb8: {  	s29 =	simm.s32 $0x9;
	_ =	strace $0x80000048  }
0xb9: {  	_ =	swait.ge [sflag:s29], $0x1  }
0xba: {  	[sflag:s29] =	ssyncadd.s32 $0xFFFFFFFF  }
0xbb: {  	_ =	strace $0x90000048  }
0xbc: {  	_ =	sfence  }
0xbd: {  	s30 =	sld [smem:$0x0];
	_ =	sdelay $0x2  }
0xbe: {  	s31 =	sshll.u32 s1, $0xD;
	s1 =	sshrl.u32 s1, $0x2  }
0xbf: {  	s3 =	sand.u32 $0x4000, s31;
	s1 =	sadd.s32 s1, s30  }
0xc0: {  	s0 =	sor.u32 s3, s0;
	s1 =	sshll.u32 s1, $0x11  }
0xc1: {  	s0 =	sor.u32 s1, s0  }
0xc2: {  	s0 =	sadd.s32 $0x8F2B, s0  }
0xc3: {  	[sflag:s0] =	ssyncadd.remote.s32 $0x1  }
0xc4: {  	_ =	sfence.sel $0xFFFF  }
0xc5: {  	[dreg:$0x0] =	wrdreg $0xFFFFFFFF;
	(pc) =	sbr.abs _section_cstart, $3  }
0xc6: {  	[dreg:$0x1] =	wrdreg $0xFFFFFFFF  }
0xc7: {  	_ =	task.clear_ibuf [dreg:s10], $0x2FFFF;
	_ =	strace $0x9FFFFFFF  }
0xc8: {  	(tm) =	ssettm $0x7FFFFFFF  }
0xc9: {  	_ =	shalt  }
tec
execute0_lowered:
.L_overlay_start_1:
0x0: {  	(tag) =	ssettag $0x1  }
0x1: {  	s0 =	rddreg [dreg:$0x0]  }
0x2: {  	s1 =	rddreg [dreg:$0x1]  }
0x3: {  	s2 =	rddreg [dreg:$0x2]  }
0x4: {  	s5 =	rddreg [dreg:$0x3]  }
0x5: {  	s6 =	rddreg [dreg:$0x4];
	s12 =	simm.s32 $0x0  }
0x6: {  	s4 =	srdreg.scid;
	s10 =	stileid.u32;
	s14 =	simm.s32 $0x600  }
0x7: {  	s15 =	simm.s32 $0x4600;
	s16 =	simm.s32 $0x8600;
	s17 =	simm.s32 $0xC600;
	v0 =	vimm.s32 $0xEFCDAB89  }
0x8: {  	v1 =	vimm.s32 $0x67452301;
	s11 =	simm.s32 $0xF600;
	s18 =	simm.s32 $0x3A00;
	s19 =	simm.s32 $0x7A00  }
0x9: {  	v6 =	vimm.s32 $0xFEDCBA98;
	s20 =	simm.s32 $0xBA00;
	s21 =	simm.s32 $0xFA00;
	s22 =	simm.s32 $0x3E00;
	v0 =	vunpack.c.l.s4.s8 v0;
	v1 =	vunpack.c.l.s4.s8 v1  }
0xa: {  	v7 =	vimm.s32 $0x76543210;
	s28 =	simm.s32 $0x8200;
	s29 =	simm.s32 $0xC200;
	s30 =	simm.s32 $0x10200;
	v6 =	vunpack.c.l.s4.s8 v6  }
0xb: {  	s31 =	simm.s32 $0x1;
	[smem:$0x7FF] =	sst s12;
	s3 =	sadd.s32 $0x400, s5;
	v2 =	vunpack.c.0.s8.s32 v0;
	v1 =	vunpack.c.0.s8.s32 v1;
	v0 =	vimm.s32 $0xDCFE98BA  }
0xc: {  	v4 =	vimm.s32 $0x54761032;
	s7 =	sand.u32 $0x1, s4;
	s4 =	sadd.s32 $0xF42800, s5;
	s10 =	sshll.u32 s10, $0x7;
	v7 =	vunpack.c.l.s4.s8 v7;
	v3 =	vunpack.c.l.s4.s8 v0  }
0xd: {  	s5 =	sadd.s32 $0x1E84C00, s5;
	s8 =	ssub.s32 $0x2, s7;
	s7 =	sshll.u32 s7, $0x6;
	v6 =	vunpack.c.0.s8.s32 v6;
	v5 =	vcombine.low v1, v2;
	v1 =	vimm.s32 $0xBA98FEDC  }
0xe: {  	_ =	strace $0x80000047;
	s9 =	sshrl.u32 s8, $0x1;
	s7 =	sor.u32 s7, s10;
	v2 =	vunpack.c.0.s8.s32 v3;
	v3 =	vunpack.c.l.s4.s8 v4;
	v4 =	vimm.s32 $0x32107654  }
0xf: {  	s10 =	simm.s32 $0x7600;
	s8 =	ssub.s32 s8, s9;
	s0 =	sadd.s32 s0, s7;
	v1 =	vunpack.c.l.s4.s8 v1;
	v4 =	vunpack.c.l.s4.s8 v4  }
0x10: {  	v7 =	vunpack.c.0.s8.s32 v7;
	s23 =	sadd.s32 s1, s7;
	s24 =	sadd.s32 s2, s7;
	[dreg:$0x6] =	wrdreg s0;
	v10 =	vand.u32 $0xF, v6  }
0x11: {  	s25 =	sadd.s32 s6, s7;
	s2 =	simm.s32 $0x2;
	[dreg:$0x7] =	wrdreg s23;
	v3 =	vunpack.c.0.s8.s32 v3;
	v8 =	vunpack.c.0.s8.s32 v1;
	v4 =	vunpack.c.0.s8.s32 v4  }
0x12: {  	s9 =	simm.s32 $0x3600;
	s1 =	simm.s32 $0xB600;
	[dreg:$0x8] =	wrdreg s24;
	v7 =	vcombine.low v10, v7  }
0x13: {  	v0 =	vlaneseq.u32;
	s6 =	simm.s32 $0x0;
	[dreg:$0x9] =	wrdreg s25;
	s26 =	smax.u32 s8, $0x1;
	v9 =	vcombine.low v3, v2;
	v8 =	vcombine.low v4, v8  }
0x14: {  	s8 =	simm.s32 $0xF200;
	s23 =	simm.s32 $0x7E00;
	s24 =	simm.s32 $0xBE00;
	v1 =	vor.u32 $0x10, v0;
	v2 =	vor.u32 $0x20, v0;
	v3 =	vor.u32 $0x30, v0  }
0x15: {  	s25 =	simm.s32 $0xFE00;
	[dreg:$0xa] =	wrdreg s26;
	s26 =	simm.s32 $0x4200;
	v4 =	vand.u32 $0xF, v5;
	v5 =	vand.u32 $0xF, v9;
	v6 =	vand.u32 $0xF, v8  }
.LBB2_1:
0x16: {  	[dreg:$0xb] =	wrdreg s6  }
0x17: {  	s0 =	rddreg [dreg:$0x6]  }
0x18: {  	[tilespmem:s12], [sflag:$0x2] =	stream.linear.gather [hbm4b:s0+s12], $0x200, $0x38;
	[tilespmem:$0x10800] =	vst v63  }
0x19: {  	_ =	swait.ge [sflag:s2], $0x200  }
0x1a: {  	[sflag:s2] =	ssyncset.done $0x0  }
0x1b: {  	s13 =	simm.s32 $0x200;
	s7 =	rddreg [dreg:$0x7];
	[sflag:s2] =	ssyncadd.s32 $0xFFFFFE00  }
0x1c: {  	[tilespmem:s13], [sflag:$0x2] =	stream.linear.gather [hbm4b:s7+s12], $0x200, $0x38;
	[tilespmem:$0x10800] =	vst v63  }
0x1d: {  	_ =	swait.ge [sflag:s2], $0x200  }
0x1e: {  	[sflag:s2] =	ssyncset.done $0x0  }
0x1f: {  	s13 =	simm.s32 $0x400;
	s7 =	rddreg [dreg:$0x8];
	[sflag:s2] =	ssyncadd.s32 $0xFFFFFE00  }
0x20: {  	[tilespmem:s13], [sflag:$0x2] =	stream.linear.gather [hbm4b:s7+s12], $0x200, $0x38;
	[tilespmem:$0x10800] =	vst v63  }
0x21: {  	_ =	swait.ge [sflag:s2], $0x200  }
0x22: {  	[sflag:s2] =	ssyncset.done $0x0  }
0x23: {  	s0 =	simm.s32 $0x0;
	[sflag:s2] =	ssyncadd.s32 $0xFFFFFE00  }
.LBB2_2:
0x24: {  	s2 =	sshll.u32 s0, $0x4  }
0x25: {  	v8 =	vld [tilespmem:s2+$0x0];
	_ =	sdelay $0x2  }
0x26: {  	v9 =	vld [tilespmem:s2+$0x200];
	_ =	sdelay $0x1  }
0x27: {  	v10 =	vld [tilespmem:s2+$0x400];
	v11 =	vand.u32 $0xFFFFFFF8, v8  }
0x28: {  	v11 =	vshll.u32 v11, $0x4  }
0x29: {  	v12 =	vadd.s32 s3, v11  }
0x2a: {  	v11 =	vand.u32 $0xFFFFFFF8, v9;
	(v2sf) =	vpush v12, $0x0  }
0x2b: {  	v13 =	vshll.u32 v11, $0x4  }
0x2c: {  	v11 =	vand.u32 $0xFFFFFFF8, v10;
	(v2sf) =	vpush v13, $0x0  }
0x2d: {  	v11 =	vshll.u32 v11, $0x4  }
0x2e: {  	v11 =	vadd.s32 s3, v11  }
0x2f: {  	(v2sf) =	vpush v11, $0x0;
	_ =	sdelay $0x1  }
0x30: {  	(v2sf) =	vpush v12, $0x1;
	_ =	sdelay $0x1  }
0x31: {  	(v2sf) =	vpush v13, $0x1;
	_ =	sdelay $0x3  }
0x32: {  	(v2sf) =	vpush v11, $0x1;
	_ =	sdelay $0x1  }
0x33: {  	s12 =	simm.s32 $0x0;
	s13 =	spop (v2sf)  }
0x34: {  	[tilespmem:s14], [sflag:$0x1] =	stream.linear.gather [hbm4b:s13+s12], $0x400, $0x38;
	[tilespmem:$0x10800] =	vst v63  }
0x35: {  	(v2sf) =	vpush v12, $0x2;
	s13 =	spop (v2sf)  }
0x36: {  	(v2sf) =	vpush v13, $0x2;
	s6 =	sadd.s32 s4, s13  }
0x37: {  	[tilespmem:s15], [sflag:$0x1] =	stream.linear.gather [hbm4b:s6+s12], $0x400, $0x38;
	[tilespmem:$0x10800] =	vst v63  }
0x38: {  	s7 =	spop (v2sf)  }
0x39: {  	[tilespmem:s16], [sflag:$0x1] =	stream.linear.gather [hbm4b:s7+s12], $0x400, $0x38;
	[tilespmem:$0x10800] =	vst v63  }
0x3a: {  	(v2sf) =	vpush v11, $0x2;
	s7 =	sadd.s32 s5, s13;
	s13 =	spop (v2sf)  }
0x3b: {  	[tilespmem:s17], [sflag:$0x1] =	stream.linear.gather [hbm4b:s7+s12], $0x400, $0x38;
	[tilespmem:$0x10800] =	vst v63  }
0x3c: {  	(v2sf) =	vpush v12, $0x3;
	s6 =	spop (v2sf);
	s7 =	simm.s32 $0xA00  }
0x3d: {  	[tilespmem:s7], [sflag:$0x1] =	stream.linear.gather [hbm4b:s13+s12], $0x400, $0x38;
	[tilespmem:$0x10800] =	vst v63  }
0x3e: {  	(v2sf) =	vpush v13, $0x3;
	s13 =	sadd.s32 s4, s6;
	s7 =	simm.s32 $0x4A00  }
0x3f: {  	[tilespmem:s7], [sflag:$0x1] =	stream.linear.gather [hbm4b:s13+s12], $0x400, $0x38;
	[tilespmem:$0x10800] =	vst v63  }
0x40: {  	s13 =	spop (v2sf);
	s7 =	simm.s32 $0x8A00  }
0x41: {  	[tilespmem:s7], [sflag:$0x1] =	stream.linear.gather [hbm4b:s13+s12], $0x400, $0x38;
	[tilespmem:$0x10800] =	vst v63  }
0x42: {  	s6 =	sadd.s32 s5, s6;
	(v2sf) =	vpush v11, $0x3;
	s13 =	simm.s32 $0xCA00  }
0x43: {  	[tilespmem:s13], [sflag:$0x1] =	stream.linear.gather [hbm4b:s6+s12], $0x400, $0x38;
	[tilespmem:$0x10800] =	vst v63  }
0x44: {  	s7 =	spop (v2sf);
	(v2sf) =	vpush v12, $0x4  }
0x45: {  	s13 =	simm.s32 $0xE00;
	s6 =	spop (v2sf)  }
0x46: {  	(v2sf) =	vpush v13, $0x4;
	[tilespmem:s13], [sflag:$0x1] =	stream.linear.gather [hbm4b:s7+s12], $0x400, $0x38;
	[tilespmem:$0x10800] =	vst v63  }
0x47: {  	s13 =	sadd.s32 s4, s6;
	s7 =	simm.s32 $0x4E00  }
0x48: {  	[tilespmem:s7], [sflag:$0x1] =	stream.linear.gather [hbm4b:s13+s12], $0x400, $0x38;
	[tilespmem:$0x10800] =	vst v63  }
0x49: {  	s13 =	spop (v2sf);
	s7 =	simm.s32 $0x8E00  }
0x4a: {  	(v2sf) =	vpush v11, $0x4;
	[tilespmem:s7], [sflag:$0x1] =	stream.linear.gather [hbm4b:s13+s12], $0x400, $0x38;
	[tilespmem:$0x10800] =	vst v63  }
0x4b: {  	s6 =	sadd.s32 s5, s6;
	s13 =	simm.s32 $0xCE00;
	s7 =	spop (v2sf)  }
0x4c: {  	(v2sf) =	vpush v12, $0x5;
	[tilespmem:s13], [sflag:$0x1] =	stream.linear.gather [hbm4b:s6+s12], $0x400, $0x38;
	[tilespmem:$0x10800] =	vst v63  }
0x4d: {  	s13 =	simm.s32 $0x1200;
	s6 =	spop (v2sf)  }
0x4e: {  	(v2sf) =	vpush v13, $0x5;
	[tilespmem:s13], [sflag:$0x1] =	stream.linear.gather [hbm4b:s7+s12], $0x400, $0x38;
	[tilespmem:$0x10800] =	vst v63  }
0x4f: {  	s13 =	sadd.s32 s4, s6;
	s7 =	simm.s32 $0x5200  }
0x50: {  	[tilespmem:s7], [sflag:$0x1] =	stream.linear.gather [hbm4b:s13+s12], $0x400, $0x38;
	[tilespmem:$0x10800] =	vst v63  }
0x51: {  	s13 =	spop (v2sf);
	s7 =	simm.s32 $0x9200  }
0x52: {  	(v2sf) =	vpush v11, $0x5;
	[tilespmem:s7], [sflag:$0x1] =	stream.linear.gather [hbm4b:s13+s12], $0x400, $0x38;
	[tilespmem:$0x10800] =	vst v63  }
0x53: {  	s6 =	sadd.s32 s5, s6;
	s13 =	simm.s32 $0xD200;
	s7 =	spop (v2sf)  }
0x54: {  	(v2sf) =	vpush v12, $0x6;
	[tilespmem:s13], [sflag:$0x1] =	stream.linear.gather [hbm4b:s6+s12], $0x400, $0x38;
	[tilespmem:$0x10800] =	vst v63  }
0x55: {  	s13 =	simm.s32 $0x1600;
	s6 =	spop (v2sf)  }
0x56: {  	(v2sf) =	vpush v13, $0x6;
	[tilespmem:s13], [sflag:$0x1] =	stream.linear.gather [hbm4b:s7+s12], $0x400, $0x38;
	[tilespmem:$0x10800] =	vst v63  }
0x57: {  	s13 =	sadd.s32 s4, s6;
	s7 =	simm.s32 $0x5600  }
0x58: {  	[tilespmem:s7], [sflag:$0x1] =	stream.linear.gather [hbm4b:s13+s12], $0x400, $0x38;
	[tilespmem:$0x10800] =	vst v63  }
0x59: {  	s13 =	spop (v2sf);
	s7 =	simm.s32 $0x9600  }
0x5a: {  	(v2sf) =	vpush v11, $0x6;
	[tilespmem:s7], [sflag:$0x1] =	stream.linear.gather [hbm4b:s13+s12], $0x400, $0x38;
	[tilespmem:$0x10800] =	vst v63  }
0x5b: {  	s6 =	sadd.s32 s5, s6;
	s13 =	simm.s32 $0xD600;
	s7 =	spop (v2sf)  }
0x5c: {  	(v2sf) =	vpush v12, $0x7;
	[tilespmem:s13], [sflag:$0x1] =	stream.linear.gather [hbm4b:s6+s12], $0x400, $0x38;
	[tilespmem:$0x10800] =	vst v63  }
0x5d: {  	s13 =	simm.s32 $0x1A00;
	s6 =	spop (v2sf)  }
0x5e: {  	(v2sf) =	vpush v13, $0x7;
	[tilespmem:s13], [sflag:$0x1] =	stream.linear.gather [hbm4b:s7+s12], $0x400, $0x38;
	[tilespmem:$0x10800] =	vst v63  }
0x5f: {  	s13 =	sadd.s32 s4, s6;
	s7 =	simm.s32 $0x5A00  }
0x60: {  	[tilespmem:s7], [sflag:$0x1] =	stream.linear.gather [hbm4b:s13+s12], $0x400, $0x38;
	[tilespmem:$0x10800] =	vst v63  }
0x61: {  	s13 =	spop (v2sf);
	s7 =	simm.s32 $0x9A00  }
0x62: {  	(v2sf) =	vpush v11, $0x7;
	[tilespmem:s7], [sflag:$0x1] =	stream.linear.gather [hbm4b:s13+s12], $0x400, $0x38;
	[tilespmem:$0x10800] =	vst v63  }
0x63: {  	s6 =	sadd.s32 s5, s6;
	s13 =	simm.s32 $0xDA00;
	s7 =	spop (v2sf)  }
0x64: {  	(v2sf) =	vpush v12, $0x8;
	[tilespmem:s13], [sflag:$0x1] =	stream.linear.gather [hbm4b:s6+s12], $0x400, $0x38;
	[tilespmem:$0x10800] =	vst v63  }
0x65: {  	s13 =	simm.s32 $0x1E00;
	s6 =	spop (v2sf)  }
0x66: {  	(v2sf) =	vpush v13, $0x8;
	[tilespmem:s13], [sflag:$0x1] =	stream.linear.gather [hbm4b:s7+s12], $0x400, $0x38;
	[tilespmem:$0x10800] =	vst v63  }
0x67: {  	s13 =	sadd.s32 s4, s6;
	s7 =	simm.s32 $0x5E00  }
0x68: {  	[tilespmem:s7], [sflag:$0x1] =	stream.linear.gather [hbm4b:s13+s12], $0x400, $0x38;
	[tilespmem:$0x10800] =	vst v63  }
0x69: {  	s13 =	spop (v2sf);
	s7 =	simm.s32 $0x9E00  }
0x6a: {  	(v2sf) =	vpush v11, $0x8;
	[tilespmem:s7], [sflag:$0x1] =	stream.linear.gather [hbm4b:s13+s12], $0x400, $0x38;
	[tilespmem:$0x10800] =	vst v63  }
0x6b: {  	s6 =	sadd.s32 s5, s6;
	s13 =	simm.s32 $0xDE00;
	s7 =	spop (v2sf)  }
0x6c: {  	(v2sf) =	vpush v12, $0x9;
	[tilespmem:s13], [sflag:$0x1] =	stream.linear.gather [hbm4b:s6+s12], $0x400, $0x38;
	[tilespmem:$0x10800] =	vst v63  }
0x6d: {  	s13 =	simm.s32 $0x2200;
	s6 =	spop (v2sf)  }
0x6e: {  	(v2sf) =	vpush v13, $0x9;
	[tilespmem:s13], [sflag:$0x1] =	stream.linear.gather [hbm4b:s7+s12], $0x400, $0x38;
	[tilespmem:$0x10800] =	vst v63  }
0x6f: {  	s13 =	sadd.s32 s4, s6;
	s7 =	simm.s32 $0x6200  }
0x70: {  	[tilespmem:s7], [sflag:$0x1] =	stream.linear.gather [hbm4b:s13+s12], $0x400, $0x38;
	[tilespmem:$0x10800] =	vst v63  }
0x71: {  	s13 =	spop (v2sf);
	s7 =	simm.s32 $0xA200  }
0x72: {  	(v2sf) =	vpush v11, $0x9;
	[tilespmem:s7], [sflag:$0x1] =	stream.linear.gather [hbm4b:s13+s12], $0x400, $0x38;
	[tilespmem:$0x10800] =	vst v63  }
0x73: {  	s6 =	sadd.s32 s5, s6;
	s13 =	simm.s32 $0xE200;
	s7 =	spop (v2sf)  }
0x74: {  	(v2sf) =	vpush v12, $0xA;
	[tilespmem:s13], [sflag:$0x1] =	stream.linear.gather [hbm4b:s6+s12], $0x400, $0x38;
	[tilespmem:$0x10800] =	vst v63  }
0x75: {  	s13 =	simm.s32 $0x2600;
	s6 =	spop (v2sf)  }
0x76: {  	(v2sf) =	vpush v13, $0xA;
	[tilespmem:s13], [sflag:$0x1] =	stream.linear.gather [hbm4b:s7+s12], $0x400, $0x38;
	[tilespmem:$0x10800] =	vst v63  }
0x77: {  	s13 =	sadd.s32 s4, s6;
	s7 =	simm.s32 $0x6600  }
0x78: {  	[tilespmem:s7], [sflag:$0x1] =	stream.linear.gather [hbm4b:s13+s12], $0x400, $0x38;
	[tilespmem:$0x10800] =	vst v63  }
0x79: {  	s13 =	spop (v2sf);
	s7 =	simm.s32 $0xA600  }
0x7a: {  	(v2sf) =	vpush v11, $0xA;
	[tilespmem:s7], [sflag:$0x1] =	stream.linear.gather [hbm4b:s13+s12], $0x400, $0x38;
	[tilespmem:$0x10800] =	vst v63  }
0x7b: {  	s6 =	sadd.s32 s5, s6;
	s13 =	simm.s32 $0xE600;
	s7 =	spop (v2sf)  }
0x7c: {  	(v2sf) =	vpush v12, $0xB;
	[tilespmem:s13], [sflag:$0x1] =	stream.linear.gather [hbm4b:s6+s12], $0x400, $0x38;
	[tilespmem:$0x10800] =	vst v63  }
0x7d: {  	s13 =	simm.s32 $0x2A00;
	s6 =	spop (v2sf)  }
0x7e: {  	(v2sf) =	vpush v13, $0xB;
	[tilespmem:s13], [sflag:$0x1] =	stream.linear.gather [hbm4b:s7+s12], $0x400, $0x38;
	[tilespmem:$0x10800] =	vst v63  }
0x7f: {  	s13 =	sadd.s32 s4, s6;
	s7 =	simm.s32 $0x6A00  }
0x80: {  	[tilespmem:s7], [sflag:$0x1] =	stream.linear.gather [hbm4b:s13+s12], $0x400, $0x38;
	[tilespmem:$0x10800] =	vst v63  }
0x81: {  	s13 =	spop (v2sf);
	s7 =	simm.s32 $0xAA00  }
0x82: {  	(v2sf) =	vpush v11, $0xB;
	[tilespmem:s7], [sflag:$0x1] =	stream.linear.gather [hbm4b:s13+s12], $0x400, $0x38;
	[tilespmem:$0x10800] =	vst v63  }
0x83: {  	s6 =	sadd.s32 s5, s6;
	s13 =	simm.s32 $0xEA00;
	s7 =	spop (v2sf)  }
0x84: {  	(v2sf) =	vpush v12, $0xC;
	[tilespmem:s13], [sflag:$0x1] =	stream.linear.gather [hbm4b:s6+s12], $0x400, $0x38;
	[tilespmem:$0x10800] =	vst v63  }
0x85: {  	s13 =	simm.s32 $0x2E00;
	s6 =	spop (v2sf)  }
0x86: {  	(v2sf) =	vpush v13, $0xC;
	[tilespmem:s13], [sflag:$0x1] =	stream.linear.gather [hbm4b:s7+s12], $0x400, $0x38;
	[tilespmem:$0x10800] =	vst v63  }
0x87: {  	s13 =	sadd.s32 s4, s6;
	s7 =	simm.s32 $0x6E00  }
0x88: {  	[tilespmem:s7], [sflag:$0x1] =	stream.linear.gather [hbm4b:s13+s12], $0x400, $0x38;
	[tilespmem:$0x10800] =	vst v63  }
0x89: {  	s13 =	spop (v2sf);
	s7 =	simm.s32 $0xAE00  }
0x8a: {  	(v2sf) =	vpush v11, $0xC;
	[tilespmem:s7], [sflag:$0x1] =	stream.linear.gather [hbm4b:s13+s12], $0x400, $0x38;
	[tilespmem:$0x10800] =	vst v63  }
0x8b: {  	s6 =	sadd.s32 s5, s6;
	s13 =	simm.s32 $0xEE00;
	s7 =	spop (v2sf)  }
0x8c: {  	(v2sf) =	vpush v12, $0xD;
	[tilespmem:s13], [sflag:$0x1] =	stream.linear.gather [hbm4b:s6+s12], $0x400, $0x38;
	[tilespmem:$0x10800] =	vst v63  }
0x8d: {  	s13 =	simm.s32 $0x3200;
	s6 =	spop (v2sf)  }
0x8e: {  	(v2sf) =	vpush v13, $0xD;
	[tilespmem:s13], [sflag:$0x1] =	stream.linear.gather [hbm4b:s7+s12], $0x400, $0x38;
	[tilespmem:$0x10800] =	vst v63  }
0x8f: {  	s13 =	sadd.s32 s4, s6;
	s7 =	simm.s32 $0x7200  }
0x90: {  	[tilespmem:s7], [sflag:$0x1] =	stream.linear.gather [hbm4b:s13+s12], $0x400, $0x38;
	[tilespmem:$0x10800] =	vst v63  }
0x91: {  	s13 =	spop (v2sf);
	s7 =	simm.s32 $0xB200  }
0x92: {  	(v2sf) =	vpush v11, $0xD;
	[tilespmem:s7], [sflag:$0x1] =	stream.linear.gather [hbm4b:s13+s12], $0x400, $0x38;
	[tilespmem:$0x10800] =	vst v63  }
0x93: {  	s6 =	sadd.s32 s5, s6;
	s13 =	spop (v2sf)  }
0x94: {  	(v2sf) =	vpush v12, $0xE;
	[tilespmem:s8], [sflag:$0x1] =	stream.linear.gather [hbm4b:s6+s12], $0x400, $0x38;
	[tilespmem:$0x10800] =	vst v63  }
0x95: {  	s6 =	spop (v2sf)  }
0x96: {  	(v2sf) =	vpush v13, $0xE;
	[tilespmem:s9], [sflag:$0x1] =	stream.linear.gather [hbm4b:s13+s12], $0x400, $0x38;
	[tilespmem:$0x10800] =	vst v63  }
0x97: {  	s7 =	sadd.s32 s4, s6  }
0x98: {  	[tilespmem:s10], [sflag:$0x1] =	stream.linear.gather [hbm4b:s7+s12], $0x400, $0x38;
	[tilespmem:$0x10800] =	vst v63  }
0x99: {  	s7 =	spop (v2sf)  }
0x9a: {  	(v2sf) =	vpush v11, $0xE;
	[tilespmem:s1], [sflag:$0x1] =	stream.linear.gather [hbm4b:s7+s12], $0x400, $0x38;
	[tilespmem:$0x10800] =	vst v63  }
0x9b: {  	s6 =	sadd.s32 s5, s6;
	s13 =	spop (v2sf)  }
0x9c: {  	(v2sf) =	vpush v12, $0xF;
	[tilespmem:s11], [sflag:$0x1] =	stream.linear.gather [hbm4b:s6+s12], $0x400, $0x38;
	[tilespmem:$0x10800] =	vst v63  }
0x9d: {  	s6 =	spop (v2sf)  }
0x9e: {  	(v2sf) =	vpush v13, $0xF;
	[tilespmem:s18], [sflag:$0x1] =	stream.linear.gather [hbm4b:s13+s12], $0x400, $0x38;
	[tilespmem:$0x10800] =	vst v63  }
0x9f: {  	s7 =	sadd.s32 s4, s6  }
0xa0: {  	[tilespmem:s19], [sflag:$0x1] =	stream.linear.gather [hbm4b:s7+s12], $0x400, $0x38;
	[tilespmem:$0x10800] =	vst v63  }
0xa1: {  	s7 =	spop (v2sf)  }
0xa2: {  	(v2sf) =	vpush v11, $0xF;
	[tilespmem:s20], [sflag:$0x1] =	stream.linear.gather [hbm4b:s7+s12], $0x400, $0x38;
	[tilespmem:$0x10800] =	vst v63  }
0xa3: {  	s6 =	sadd.s32 s5, s6;
	s7 =	spop (v2sf)  }
0xa4: {  	[tilespmem:s21], [sflag:$0x1] =	stream.linear.gather [hbm4b:s6+s12], $0x400, $0x38;
	[tilespmem:$0x10800] =	vst v63  }
0xa5: {  	s6 =	spop (v2sf)  }
0xa6: {  	[tilespmem:s22], [sflag:$0x1] =	stream.linear.gather [hbm4b:s7+s12], $0x400, $0x38;
	[tilespmem:$0x10800] =	vst v63  }
0xa7: {  	s7 =	sadd.s32 s4, s6  }
0xa8: {  	[tilespmem:s23], [sflag:$0x1] =	stream.linear.gather [hbm4b:s7+s12], $0x400, $0x38;
	[tilespmem:$0x10800] =	vst v63  }
0xa9: {  	s7 =	spop (v2sf)  }
0xaa: {  	[tilespmem:s24], [sflag:$0x1] =	stream.linear.gather [hbm4b:s7+s12], $0x400, $0x38;
	[tilespmem:$0x10800] =	vst v63  }
0xab: {  	s6 =	sadd.s32 s5, s6;
	s7 =	spop (v2sf)  }
0xac: {  	[tilespmem:s25], [sflag:$0x1] =	stream.linear.gather [hbm4b:s6+s12], $0x400, $0x38;
	[tilespmem:$0x10800] =	vst v63  }
0xad: {  	s6 =	spop (v2sf)  }
0xae: {  	[tilespmem:s26], [sflag:$0x1] =	stream.linear.gather [hbm4b:s7+s12], $0x400, $0x38;
	[tilespmem:$0x10800] =	vst v63  }
0xaf: {  	s7 =	sadd.s32 s4, s6  }
0xb0: {  	[tilespmem:s28], [sflag:$0x1] =	stream.linear.gather [hbm4b:s7+s12], $0x400, $0x38;
	[tilespmem:$0x10800] =	vst v63  }
0xb1: {  	s7 =	spop (v2sf)  }
0xb2: {  	[tilespmem:s29], [sflag:$0x1] =	stream.linear.gather [hbm4b:s7+s12], $0x400, $0x38;
	[tilespmem:$0x10800] =	vst v63  }
0xb3: {  	v8 =	vand.u32 $0x7, v8;
	s6 =	sadd.s32 s5, s6  }
0xb4: {  	v9 =	vand.u32 $0x7, v9;
	v10 =	vand.u32 $0x7, v10;
	v11 =	vimm.f32 $0.0e+00;
	[tilespmem:s30], [sflag:$0x1] =	stream.linear.gather [hbm4b:s6+s12], $0x400, $0x38;
	[tilespmem:$0x10800] =	vst v63  }
.LBB2_3:
0xb5: {  	v12 =	vmov s12  }
0xb6: {  	v13 =	vperm.xlane v9, v12;
	_ =	sdelay $0x1  }
0xb7: {  	v14 =	vshll.u32 v12, $0xA;
	v13 =	vshll.u32 v13, $0x7  }
0xb8: {  	v13 =	vadd.s32 v14, v13  }
0xb9: {  	v21 =	vor.u32 v0, v13  }
0xba: {  	v22 =	vor.u32 v1, v13  }
0xbb: {  	_ =	swait.ge [sflag:s31], $0x2000  }
0xbc: {  	[sflag:s31] =	ssyncset.done $0x0;
	v25 =	vor.u32 v2, v13  }
0xbd: {  	[sflag:s31] =	ssyncadd.s32 $0xFFFFE000  }
0xbe: {  	v18 =	vor.u32 v3, v13;
	v15 =	vld.idx.msk [tilespmem:v21+s17+$0x0], $0xffff  }
0xbf: {  	v41 =	vperm.xlane v8, v12;
	v30 =	vld.idx.msk [tilespmem:v22+s17+$0x0], $0xffff  }
0xc0: {  	v16 =	vperm.xlane v10, v12  }
0xc1: {  	v13 =	vshll.u32 v41, $0x7;
	v31 =	vld.idx.msk [tilespmem:v25+s17+$0x0], $0xffff  }
0xc2: {  	v16 =	vshll.u32 v16, $0x7;
	v13 =	vadd.s32 v14, v13  }
0xc3: {  	v14 =	vadd.s32 v14, v16;
	v17 =	vor.u32 v0, v13;
	v19 =	vld.idx.msk [tilespmem:v18+s17+$0x0], $0xffff  }
0xc4: {  	v24 =	vor.u32 v1, v13;
	v20 =	vmul.f32 v15, v15;
	v23 =	vmul.f32 v30, v30  }
0xc5: {  	v43 =	vor.u32 v0, v14  }
0xc6: {  	v27 =	vor.u32 v1, v14;
	v42 =	vmul.f32 v31, v31;
	v20 =	vadd.f32 v23, v20  }
0xc7: {  	v26 =	vor.u32 v2, v13  }
0xc8: {  	v13 =	vor.u32 v3, v13;
	v16 =	vld.idx.msk [tilespmem:v17+s14+$0x0], $0xffff;
	v44 =	vmul.f32 v19, v19;
	v20 =	vadd.f32 v42, v20  }
0xc9: {  	v45 =	vor.u32 v2, v14;
	v24 =	vld.idx.msk [tilespmem:v24+s14+$0x0], $0xffff  }
0xca: {  	v34 =	vld.idx.msk [tilespmem:v43+s16+$0x0], $0xffff;
	v20 =	vadd.f32 v44, v20  }
0xcb: {  	v47 =	vor.u32 v3, v14;
	v36 =	vld.idx.msk [tilespmem:v27+s16+$0x0], $0xffff  }
0xcc: {  	v23 =	vld.idx.msk [tilespmem:v26+s14+$0x0], $0xffff;
	v28 =	vperm.xlane v20, v4  }
0xcd: {  	v35 =	vld.idx.msk [tilespmem:v13+s14+$0x0], $0xffff;
	v46 =	vmul.f32 v15, v16  }
0xce: {  	v39 =	vld.idx.msk [tilespmem:v45+s16+$0x0], $0xffff;
	v48 =	vadd.f32 v28, v20  }
0xcf: {  	v49 =	vmul.f32 v30, v24;
	v52 =	vmul.f32 v34, v15;
	v17 =	vadd.f32 $0.0e+00, v46  }
0xd0: {  	v40 =	vld.idx.msk [tilespmem:v47+s16+$0x0], $0xffff;
	v56 =	vmul.f32 v36, v30;
	v50 =	vperm.xlane v48, v5  }
0xd1: {  	v26 =	vadd.f32 $0.0e+00, v52;
	v17 =	vadd.f32 v49, v17;
	v51 =	vmul.f32 v31, v23  }
0xd2: {  	v54 =	vmul.f32 v19, v35;
	v14 =	vadd.f32 v50, v48  }
0xd3: {  	v58 =	vmul.f32 v39, v31;
	v57 =	vadd.f32 v56, v26;
	v53 =	vadd.f32 v51, v17  }
0xd4: {  	v55 =	vperm.xlane v14, v6  }
0xd5: {  	v61 =	vmul.f32 v40, v19;
	v17 =	vadd.f32 v58, v57;
	v13 =	vadd.f32 v54, v53  }
0xd6: {  	v14 =	vadd.f32 v55, v14  }
0xd7: {  	v17 =	vadd.f32 v61, v17;
	v59 =	vperm.xlane v13, v4  }
0xd8: {  	v60 =	vperm.xlane v14, v7  }
0xd9: {  	v63 =	vperm.xlane v17, v4;
	v13 =	vadd.f32 v59, v13  }
0xda: {  	v14 =	vadd.f32 v60, v14  }
0xdb: {  	v28 =	vadd.f32 v63, v17;
	v62 =	vperm.xlane v13, v5  }
0xdc: {  	v14 =	vmax.f32 v14, $1.000000020e-24  }
0xdd: {  	v32 =	vperm.xlane v28, v5;
	v13 =	vadd.f32 v62, v13;
	(erf) = vrcp.f32 v14;
	_ =	sdelay $0x1  }
0xde: {  	v29 =	vperm.xlane v13, v6;
	v14 =	vadd.f32 v32, v28;
	_ =	sdelay $0x1  }
0xdf: {  	v17 =	vadd.f32 v29, v13;
	v37 =	vperm.xlane v14, v6  }
0xe0: {  	s6 =	sadd.s32 $0x1, s12  }
0xe1: {  	v13 =	vmov s6;
	v33 =	vperm.xlane v17, v7;
	v14 =	vadd.f32 v37, v14  }
0xe2: {  	v38 =	vperm.xlane v9, v13  }
0xe3: {  	v17 =	vadd.f32 v33, v17;
	v44 =	vperm.xlane v14, v7  }
0xe4: {  	v41 =	vshll.u32 v13, $0xA;
	v50 =	vperm.xlane v10, v13;
	v43 =	vshll.u32 v38, $0x7;
	v29 =	vpop (erf)  }
0xe5: {  	v20 =	vadd.s32 v41, v43;
	v14 =	vadd.f32 v44, v14;
	v33 =	vmul.f32 v17, v29  }
0xe6: {  	v47 =	vperm.xlane v8, v13;
	v52 =	vshll.u32 v50, $0x7;
	v27 =	vor.u32 v1, v20  }
0xe7: {  	v28 =	vor.u32 v0, v20;
	v42 =	vmul.f32 v14, v29;
	v45 =	vmul.f32 v33, v15  }
0xe8: {  	v26 =	vor.u32 v2, v20;
	v32 =	vmul.f32 v33, v30;
	v37 =	vmul.f32 v33, v31  }
0xe9: {  	v29 =	vor.u32 v3, v20;
	v48 =	vmul.f32 v33, v19;
	v38 =	vmul.f32 v42, v15  }
0xea: {  	v19 =	vmul.f32 v42, v19;
	v17 =	vsub.f32 v16, v45;
	v16 =	vsub.f32 v24, v32  }
0xeb: {  	v33 =	vld.idx.msk [tilespmem:v27+s17+$0x0], $0xffff;
	v14 =	vsub.f32 v23, v37;
	v37 =	vshll.u32 v47, $0x7;
	v15 =	vsub.f32 v35, v48  }
0xec: {  	v32 =	vld.idx.msk [tilespmem:v28+s17+$0x0], $0xffff;
	v35 =	vadd.s32 v41, v52;
	v46 =	vmul.f32 v17, v17;
	v24 =	vmul.f32 v16, v16  }
0xed: {  	v20 =	vsub.f32 v34, v38;
	v43 =	vadd.s32 v41, v37;
	v37 =	vld.idx.msk [tilespmem:v26+s17+$0x0], $0xffff;
	v48 =	vor.u32 v1, v35  }
0xee: {  	v38 =	vld.idx.msk [tilespmem:v29+s17+$0x0], $0xffff;
	v49 =	vmul.f32 v14, v14;
	v44 =	vor.u32 v0, v43;
	v23 =	vadd.f32 v24, v46  }
0xef: {  	v56 =	vor.u32 v0, v35;
	v24 =	vld.idx.msk [tilespmem:v22+s15+$0x0], $0xffff  }
0xf0: {  	v54 =	vmul.f32 v42, v30;
	v19 =	vsub.f32 v40, v19;
	v51 =	vadd.f32 v23, v49;
	v23 =	vld.idx.msk [tilespmem:v21+s15+$0x0], $0xffff  }
0xf1: {  	v47 =	vmul.f32 v33, v33;
	v46 =	vor.u32 v1, v43;
	v53 =	vmul.f32 v32, v32;
	v21 =	vld.idx.msk [tilespmem:v25+s15+$0x0], $0xffff  }
0xf2: {  	v45 =	vmul.f32 v15, v15;
	v57 =	vor.u32 v2, v43;
	v43 =	vor.u32 v3, v43;
	v40 =	vld.idx.msk [tilespmem:v48+s16+$0x0], $0xffff  }
0xf3: {  	v31 =	vmul.f32 v42, v31;
	v59 =	vmul.f32 v37, v37;
	v58 =	vadd.f32 v47, v53;
	v44 =	vld.idx.msk [tilespmem:v44+s14+$0x0], $0xffff  }
0xf4: {  	v61 =	vor.u32 v2, v35;
	v35 =	vor.u32 v3, v35;
	v34 =	vld.idx.msk [tilespmem:v56+s16+$0x0], $0xffff;
	v55 =	vadd.f32 v51, v45  }
0xf5: {  	v18 =	vld.idx.msk [tilespmem:v18+s15+$0x0], $0xffff;
	v49 =	vmul.f32 v38, v38;
	v51 =	vmul.f32 v20, v20;
	v41 =	vadd.f32 v59, v58  }
0xf6: {  	v25 =	vsub.f32 v36, v54;
	v36 =	vld.idx.msk [tilespmem:v46+s14+$0x0], $0xffff;
	v52 =	vmul.f32 v24, v24;
	v60 =	vperm.xlane v55, v4  }
0xf7: {  	v43 =	vld.idx.msk [tilespmem:v43+s14+$0x0], $0xffff;
	v62 =	vadd.f32 v49, v41;
	v63 =	vmul.f32 v23, v23;
	v56 =	vmul.f32 v21, v21  }
0xf8: {  	v45 =	vld.idx.msk [tilespmem:v57+s14+$0x0], $0xffff;
	v50 =	vmul.f32 v40, v33;
	v30 =	vadd.f32 v55, v60;
	v54 =	vmul.f32 v32, v44  }
0xf9: {  	v22 =	vsub.f32 v39, v31;
	v60 =	vmul.f32 v34, v32;
	v53 =	vperm.xlane v62, v4  }
0xfa: {  	v49 =	vld.idx.msk [tilespmem:v61+s16+$0x0], $0xffff;
	v41 =	vadd.f32 v52, v63;
	v63 =	vmul.f32 v18, v18;
	v55 =	vperm.xlane v30, v5  }
0xfb: {  	v47 =	vld.idx.msk [tilespmem:v35+s16+$0x0], $0xffff;
	v58 =	vadd.f32 $0.0e+00, v54;
	v59 =	vmul.f32 v33, v36;
	v57 =	vadd.f32 v53, v62  }
0xfc: {  	v42 =	vadd.f32 $0.0e+00, v60;
	v54 =	vmul.f32 v38, v43;
	v41 =	vadd.f32 v56, v41  }
0xfd: {  	v62 =	vmul.f32 v37, v45;
	v30 =	vadd.f32 v30, v55;
	v61 =	vperm.xlane v57, v5  }
0xfe: {  	v56 =	vmul.f32 v25, v25;
	v39 =	vadd.f32 v59, v58;
	v42 =	vadd.f32 v50, v42  }
0xff: {  	v55 =	vmul.f32 v49, v37;
	v41 =	vadd.f32 v63, v41;
	v31 =	vadd.f32 v61, v57  }
0x100: {  	v59 =	vmul.f32 v47, v38;
	v60 =	vadd.f32 v56, v51;
	v53 =	vadd.f32 v62, v39  }
0x101: {  	v58 =	vadd.f32 v55, v42;
	v56 =	vperm.xlane v30, v6;
	v57 =	vperm.xlane v31, v6  }
0x102: {  	v61 =	vmul.f32 v22, v22;
	v62 =	vperm.xlane v41, v4;
	v35 =	vadd.f32 v54, v53  }
0x103: {  	v39 =	vadd.f32 v59, v58;
	v53 =	vmul.f32 v19, v19;
	v31 =	vadd.f32 v57, v31  }
0x104: {  	v30 =	vadd.f32 v30, v56;
	v52 =	vadd.f32 v60, v61;
	v63 =	vperm.xlane v35, v4  }
0x105: {  	v41 =	vadd.f32 v62, v41;
	v55 =	vperm.xlane v39, v4;
	v54 =	vperm.xlane v31, v7  }
0x106: {  	v46 =	vperm.xlane v30, v7;
	v42 =	vadd.f32 v52, v53;
	v35 =	vadd.f32 v63, v35  }
0x107: {  	v39 =	vadd.f32 v55, v39;
	v31 =	vadd.f32 v54, v31  }
0x108: {  	v58 =	vperm.xlane v41, v5;
	v30 =	vadd.f32 v30, v46;
	v57 =	vperm.xlane v35, v5  }
0x109: {  	v59 =	vperm.xlane v42, v4;
	v60 =	vperm.xlane v39, v5;
	v31 =	vmax.f32 v31, $1.000000020e-24  }
0x10a: {  	v41 =	vadd.f32 v58, v41;
	v35 =	vadd.f32 v57, v35;
	(erf) = vrcp.f32 v31  }
0x10b: {  	v61 =	vadd.f32 v59, v42;
	v39 =	vadd.f32 v60, v39  }
0x10c: {  	v50 =	vperm.xlane v41, v6;
	v62 =	vperm.xlane v35, v6  }
0x10d: {  	v54 =	vshrl.u32 v30, $0x1;
	v63 =	vperm.xlane v61, v5;
	v51 =	vperm.xlane v39, v6  }
0x10e: {  	v41 =	vadd.f32 v50, v41;
	v50 =	vmul.f32 $5.000000000e-01, v30;
	v30 =	vld.idx.msk [tilespmem:v28+s15+$0x0], $0xffff;
	v35 =	vadd.f32 v62, v35  }
0x10f: {  	v31 =	vadd.f32 v63, v61;
	v39 =	vadd.f32 v51, v39  }
0x110: {  	v59 =	vperm.xlane v41, v7;
	v52 =	vperm.xlane v35, v7  }
0x111: {  	v48 =	vsub.s32 $0x5F3759DF, v54;
	v53 =	vperm.xlane v31, v6;
	v56 =	vperm.xlane v39, v7  }
0x112: {  	v57 =	vmul.f32 v48, v50;
	v41 =	vadd.f32 v59, v41;
	v55 =	vadd.f32 v52, v35  }
0x113: {  	v59 =	vmul.f32 v30, v30;
	v42 =	vadd.f32 v53, v31;
	v35 =	vadd.f32 v56, v39;
	v58 =	vpop (erf)  }
0x114: {  	v53 =	vmul.f32 v48, v57;
	v60 =	vmul.f32 v55, v58  }
0x115: {  	v31 =	vld.idx.msk [tilespmem:v27+s15+$0x0], $0xffff;
	v52 =	vperm.xlane v42, v7;
	v46 =	vmul.f32 v35, v58  }
0x116: {  	v61 =	vmul.f32 v60, v32;
	v62 =	vmul.f32 v60, v33  }
0x117: {  	v28 =	vld.idx.msk [tilespmem:v26+s15+$0x0], $0xffff;
	v63 =	vmul.f32 v60, v37;
	v39 =	vmul.f32 v60, v38  }
0x118: {  	v42 =	vadd.f32 v52, v42;
	v32 =	vmul.f32 v46, v32;
	v33 =	vmul.f32 v46, v33  }
0x119: {  	v54 =	vmul.f32 v46, v37;
	v35 =	vsub.f32 v44, v61;
	v36 =	vsub.f32 v36, v62  }
0x11a: {  	v60 =	vmul.f32 v31, v31;
	v27 =	vsub.f32 v45, v63;
	v26 =	vsub.f32 v43, v39  }
0x11b: {  	v57 =	vmul.f32 v46, v38;
	v34 =	vsub.f32 v34, v32;
	v37 =	vsub.f32 v40, v33  }
0x11c: {  	v29 =	vld.idx.msk [tilespmem:v29+s15+$0x0], $0xffff;
	v33 =	vsub.f32 v49, v54;
	v63 =	vadd.f32 v60, v59;
	v49 =	vmul.f32 v28, v28  }
0x11d: {  	v59 =	vshrl.u32 v41, $0x1;
	v41 =	vmul.f32 $5.000000000e-01, v41;
	v55 =	vmul.f32 v35, v35  }
0x11e: {  	v32 =	vsub.f32 v47, v57;
	v56 =	vmul.f32 v36, v36;
	v58 =	vmul.f32 v27, v27  }
0x11f: {  	v60 =	vsub.s32 $0x5F3759DF, v59;
	v61 =	vmul.f32 v34, v34;
	v62 =	vmul.f32 v37, v37  }
0x120: {  	v51 =	vmul.f32 v26, v26;
	v54 =	vmul.f32 v33, v33;
	v39 =	vadd.f32 v56, v55  }
0x121: {  	v44 =	vadd.f32 v62, v61;
	v55 =	vsub.f32 $1.500000000e+00, v53;
	v56 =	vmul.f32 v29, v29  }
0x122: {  	v62 =	vmul.f32 v60, v41;
	v38 =	vadd.f32 v39, v58;
	v39 =	vadd.f32 v49, v63  }
0x123: {  	v53 =	vshrl.u32 v42, $0x1;
	v57 =	vadd.f32 v44, v54;
	v58 =	vmul.f32 v32, v32  }
0x124: {  	v42 =	vmul.f32 $5.000000000e-01, v42;
	v38 =	vadd.f32 v38, v51;
	v39 =	vadd.f32 v56, v39  }
0x125: {  	v46 =	vmul.f32 v48, v55;
	v44 =	vmul.f32 v60, v62;
	v43 =	vadd.f32 v57, v58  }
0x126: {  	v55 =	vsub.s32 $0x5F3759DF, v53;
	v61 =	vperm.xlane v38, v4;
	v63 =	vperm.xlane v39, v4  }
0x127: {  	v44 =	vsub.f32 $1.500000000e+00, v44;
	v57 =	vmul.f32 v55, v42;
	v52 =	vperm.xlane v43, v4  }
0x128: {  	v59 =	vmul.f32 v46, v50;
	v38 =	vadd.f32 v38, v61;
	v39 =	vadd.f32 v63, v39  }
0x129: {  	v40 =	vmul.f32 v60, v44;
	v60 =	vmul.f32 v55, v57;
	v43 =	vadd.f32 v52, v43  }
0x12a: {  	v54 =	vperm.xlane v38, v5;
	v56 =	vperm.xlane v39, v5  }
0x12b: {  	v62 =	vmul.f32 v40, v41;
	v44 =	vsub.f32 $1.500000000e+00, v60;
	v58 =	vperm.xlane v43, v5  }
0x12c: {  	v51 =	vmul.f32 v59, v46;
	v38 =	vadd.f32 v38, v54;
	v39 =	vadd.f32 v56, v39  }
0x12d: {  	v47 =	vmul.f32 v62, v40;
	v44 =	vmul.f32 v55, v44;
	v43 =	vadd.f32 v58, v43  }
0x12e: {  	v56 =	vsub.f32 $1.500000000e+00, v51;
	v61 =	vperm.xlane v38, v6;
	v63 =	vperm.xlane v39, v6  }
0x12f: {  	v47 =	vsub.f32 $1.500000000e+00, v47;
	v57 =	vmul.f32 v44, v42;
	v54 =	vperm.xlane v43, v6  }
0x130: {  	v46 =	vmul.f32 v56, v46;
	v38 =	vadd.f32 v38, v61;
	v39 =	vadd.f32 v63, v39  }
0x131: {  	v40 =	vmul.f32 v47, v40;
	v59 =	vmul.f32 v57, v44;
	v43 =	vadd.f32 v54, v43  }
0x132: {  	v55 =	vperm.xlane v38, v7;
	v49 =	vperm.xlane v39, v7  }
0x133: {  	v50 =	vmul.f32 v46, v50;
	v47 =	vsub.f32 $1.500000000e+00, v59;
	v58 =	vperm.xlane v43, v7  }
0x134: {  	v41 =	vmul.f32 v40, v41;
	v38 =	vadd.f32 v38, v55;
	v39 =	vadd.f32 v49, v39  }
0x135: {  	v44 =	vmul.f32 v47, v44;
	v50 =	vmul.f32 v50, v46;
	v43 =	vadd.f32 v58, v43  }
0x136: {  	v60 =	vshrl.u32 v38, $0x1;
	v38 =	vmul.f32 $5.000000000e-01, v38;
	v61 =	vshrl.u32 v39, $0x1  }
0x137: {  	v39 =	vmul.f32 $5.000000000e-01, v39;
	v62 =	vshrl.u32 v43, $0x1;
	v45 =	vsub.s32 $0x5F3759DF, v60  }
0x138: {  	v43 =	vmul.f32 $5.000000000e-01, v43;
	v48 =	vsub.s32 $0x5F3759DF, v61;
	v63 =	vmul.f32 v45, v38  }
0x139: {  	v41 =	vmul.f32 v41, v40;
	v49 =	vsub.s32 $0x5F3759DF, v62;
	v56 =	vmul.f32 v48, v39  }
0x13a: {  	v50 =	vsub.f32 $1.500000000e+00, v50;
	v57 =	vmul.f32 v49, v43;
	v51 =	vmul.f32 v45, v63  }
0x13b: {  	v42 =	vmul.f32 v44, v42;
	v41 =	vsub.f32 $1.500000000e+00, v41;
	v52 =	vmul.f32 v48, v56  }
0x13c: {  	v46 =	vmul.f32 v50, v46;
	v53 =	vmul.f32 v49, v57;
	v58 =	vsub.f32 $1.500000000e+00, v51  }
0x13d: {  	v42 =	vmul.f32 v42, v44;
	v40 =	vmul.f32 v41, v40;
	v59 =	vsub.f32 $1.500000000e+00, v52  }
0x13e: {  	v46 =	vmin.f32 v46, $9.999999950e+11;
	v60 =	vsub.f32 $1.500000000e+00, v53;
	v45 =	vmul.f32 v45, v58  }
0x13f: {  	v17 =	vmul.f32 v46, v17;
	v61 =	vmul.f32 v48, v59  }
0x140: {  	v40 =	vmin.f32 v40, $9.999999950e+11;
	v62 =	vmul.f32 v49, v60;
	v63 =	vmul.f32 v45, v38  }
0x141: {  	v23 =	vmul.f32 v40, v23;
	v51 =	vmul.f32 v61, v39  }
0x142: {  	v52 =	vmul.f32 v62, v43;
	v49 =	vmul.f32 v63, v45  }
0x143: {  	v42 =	vsub.f32 $1.500000000e+00, v42;
	v16 =	vmul.f32 v46, v16;
	v51 =	vmul.f32 v51, v61  }
0x144: {  	v24 =	vmul.f32 v40, v24;
	v52 =	vmul.f32 v52, v62;
	v49 =	vsub.f32 $1.500000000e+00, v49  }
0x145: {  	v14 =	vmul.f32 v46, v14;
	v21 =	vmul.f32 v40, v21;
	v56 =	vsub.f32 $1.500000000e+00, v51  }
0x146: {  	v42 =	vmul.f32 v42, v44;
	v57 =	vsub.f32 $1.500000000e+00, v52;
	v58 =	vmul.f32 v49, v45  }
0x147: {  	v15 =	vmul.f32 v46, v15;
	v41 =	vmul.f32 v56, v61  }
0x148: {  	v42 =	vmin.f32 v42, $9.999999950e+11;
	v59 =	vmul.f32 v57, v62;
	v60 =	vmul.f32 v58, v38  }
0x149: {  	v20 =	vmul.f32 v42, v20;
	v61 =	vmul.f32 v41, v39  }
0x14a: {  	v17 =	vadd.f32 v23, v17;
	v62 =	vmul.f32 v59, v43;
	v63 =	vmul.f32 v60, v58  }
0x14b: {  	v18 =	vmul.f32 v40, v18;
	v16 =	vadd.f32 v24, v16;
	v38 =	vmul.f32 v61, v41  }
0x14c: {  	v17 =	vsub.f32 v17, v20;
	v43 =	vmul.f32 v62, v59;
	v20 =	vsub.f32 $1.500000000e+00, v63  }
0x14d: {  	v14 =	vadd.f32 v21, v14;
	v25 =	vmul.f32 v42, v25;
	v23 =	vsub.f32 $1.500000000e+00, v38  }
0x14e: {  	v22 =	vmul.f32 v42, v22;
	v24 =	vsub.f32 $1.500000000e+00, v43;
	v20 =	vmul.f32 v20, v58  }
0x14f: {  	v15 =	vadd.f32 v18, v15;
	v16 =	vsub.f32 v16, v25;
	v46 =	vmul.f32 v23, v41  }
0x150: {  	v14 =	vsub.f32 v14, v22;
	v47 =	vmul.f32 v24, v59;
	v20 =	vmin.f32 v20, $9.999999950e+11  }
0x151: {  	v17 =	vand.u32 $0x7FFFFFFF, v17;
	v21 =	vmin.f32 v46, $9.999999950e+11;
	v48 =	vmul.f32 v20, v35  }
0x152: {  	v23 =	vmin.f32 v47, $9.999999950e+11;
	v49 =	vmul.f32 v21, v30;
	v50 =	vmul.f32 v20, v36  }
0x153: {  	v16 =	vand.u32 $0x7FFFFFFF, v16;
	v51 =	vmul.f32 v21, v31;
	v52 =	vmul.f32 v23, v34  }
0x154: {  	v16 =	vadd.f32 v16, v17;
	v54 =	vmul.f32 v20, v27;
	v55 =	vmul.f32 v21, v28  }
0x155: {  	v53 =	vmul.f32 v23, v37;
	v17 =	vadd.f32 v49, v48;
	v22 =	vadd.f32 v51, v50  }
0x156: {  	v20 =	vmul.f32 v20, v26;
	v21 =	vmul.f32 v21, v29;
	v18 =	vadd.f32 v55, v54  }
0x157: {  	v56 =	vmul.f32 v23, v33;
	v17 =	vsub.f32 v17, v52;
	v22 =	vsub.f32 v22, v53  }
0x158: {  	v19 =	vmul.f32 v42, v19;
	v57 =	vmul.f32 v23, v32;
	v20 =	vadd.f32 v21, v20  }
0x159: {  	v18 =	vsub.f32 v18, v56;
	v17 =	vand.u32 $0x7FFFFFFF, v17;
	v22 =	vand.u32 $0x7FFFFFFF, v22  }
0x15a: {  	v15 =	vsub.f32 v15, v19;
	v14 =	vand.u32 $0x7FFFFFFF, v14;
	v17 =	vadd.f32 v22, v17  }
0x15b: {  	v14 =	vadd.f32 v16, v14;
	v59 =	vsub.f32 v20, v57;
	v58 =	vand.u32 $0x7FFFFFFF, v18  }
0x15c: {  	v15 =	vand.u32 $0x7FFFFFFF, v15;
	v16 =	vadd.f32 v17, v58  }
0x15d: {  	v14 =	vadd.f32 v14, v15;
	v60 =	vand.u32 $0x7FFFFFFF, v59  }
0x15e: {  	v15 =	vadd.f32 v16, v60  }
0x15f: {  	v61 =	vperm.xlane v14, v4  }
0x160: {  	v62 =	vperm.xlane v15, v4  }
0x161: {  	v14 =	vadd.f32 v14, v61  }
0x162: {  	v15 =	vadd.f32 v15, v62  }
0x163: {  	v16 =	vperm.xlane v14, v5  }
0x164: {  	v17 =	vperm.xlane v15, v5  }
0x165: {  	v14 =	vadd.f32 v14, v16  }
0x166: {  	v15 =	vadd.f32 v15, v17  }
0x167: {  	v16 =	vperm.xlane v14, v6  }
0x168: {  	v17 =	vperm.xlane v15, v6  }
0x169: {  	v14 =	vadd.f32 v14, v16  }
0x16a: {  	v15 =	vadd.f32 v15, v17  }
0x16b: {  	p0 =	sne.s32 s12, $0xE;
	v16 =	vperm.xlane v14, v7  }
.Ltmp0:
0x16c: {  	v17 =	vperm.xlane v15, v7;
	(pc) =	sbr.rel @p0 .LBB2_3-.Ltmp0, $4  }
0x16d: {  	v14 =	vadd.f32 v14, v16  }
0x16e: {  	vm0 =	veq.s32 v12, v0;
	v63 =	vadd.f32 v15, v17  }
0x16f: {  	vm15 =	veq.s32 v13, v0;
	v11 =	vsel vm0, v14, v11  }
0x170: {  	s12 =	sadd.s32 $0x2, s12;
	v11 =	vsel vm15, v63, v11  }
0x171: {  	s0 =	sadd.s32 $0x1, s0  }
0x172: {  	p0 =	sne.s32 s0, $0x20  }
.Ltmp1:
0x173: {  	_ = 	snop;
	(pc) =	sbr.rel @p0 .LBB2_2-.Ltmp1, $2  }
0x174: {  	_ =	sdelay $0x2  }
0x175: {  	[tilespmem:s2+$0x10600] =	vst v11  }
0x176: {  	s12 =	simm.s32 $0x0;
	s0 =	rddreg [dreg:$0x9];
	s2 =	simm.s32 $0x10600  }
0x177: {  	[hbm4b:s0+s12] =	stream.linear.scatter [tilespmem:s2], [sflag:$0x2], $0x200, $0x38;
	[tilespmem:$0x10800] =	vst v63  }
0x178: {  	s2 =	simm.s32 $0x2  }
0x179: {  	_ =	swait.ge [sflag:s2], $0x200  }
0x17a: {  	s6 =	rddreg [dreg:$0xb]  }
0x17b: {  	s13 =	rddreg [dreg:$0xa];
	s6 =	sadd.s32 $0x1, s6  }
0x17c: {  	p0 =	sne.s32 s6, s13  }
.Ltmp2:
0x17d: {  	_ = 	snop;
	(pc) =	sbr.rel @p0 .LBB2_1-.Ltmp2, $3  }
0x17e: {  	_ =	sdelay $0x1  }
0x17f: {  	[sflag:s2] =	ssyncset.done $0x0  }
0x180: {  	[sflag:s2] =	ssyncadd.s32 $0xFFFFFE00  }
0x181: {  	_ =	sfence.sel $0x180000  }
0x182: {  	[bflag:$0x0] =	sbarrier.arrive $0xFFFF  }
0x183: {  	_ =	strace $0x90000047  }
0x184: {  	s0 =	stileid.u32;
	[bflag:$0x2] =	sbarrier.arrive $0xFFFF  }
0x185: {  	p0 =	sne.s32 s0, $0x0;
	s0 =	rddreg [dreg:$0x5]  }
0x186: {  	s0 =	sadd.s32 @!p0 $0x100000, s0  }
0x187: {  	[sflag:s0] =	ssyncadd.tile.s32 @!p0 $0x1;
	_ =	shalt  }
.Lfunc_end2:
_tile_overlayer_lowered:
.L_overlay_start_2:
0x188: {  	(tag) =	ssettag $0x2  }
0x189: {  	s0 =	rddreg [dreg:$0x0];
	s2 =	stileid.u32  }
0x18a: {  	s1 =	rddreg [dreg:$0x1];
	p0 =	sne.s32 s2, $0x0  }
0x18b: {  	s3 =	rddreg [dreg:$0x2];
	[bflag:$0x3] =	sbarrier.arrive $0xFFFF;
	s2 =	simm.s32 @!p0 $0x1C02  }
0x18c: {  	[timem:s3], [sflag:s2] =	dma.local @!p0 [hbm:s0], s1  }
0x18d: {  	s0 =	simm.s32 @!p0 $0x2  }
0x18e: {  	_ =	swait.ge @!p0 [sflag:s0], s1  }
0x18f: {  	s1 =	ssub.s32 @!p0 $0x0, s1;
	[sflag:s0] =	ssyncset.done @!p0 $0x0  }
0x190: {  	[sflag:s0] =	ssyncadd.s32 @!p0 s1  }
0x191: {  	[bflag:$0x3] =	sbarrier.arrive $0xFFFF  }
0x192: {  	_ =	shalt  }

</sc_bundles>
